<compile_context>
chip_gen: v7x
topology: tpu7x:2x2x1
jax: 0.10.2.dev20260603
libtpu: 0.0.44.dev20260713+nightly
codegen_flags: <defaults>
</compile_context>

<pallas_src>
import functools

import jax
import jax.numpy as jnp
import numpy as np
from jax import lax
from jax.experimental import pallas as pl
from jax.experimental.pallas import tpu as pltpu
from jax.experimental.pallas import tpu_sc as plsc

H = 8
F32 = jnp.float32
BF16 = jnp.bfloat16


def _dot(a, b):
    return jnp.dot(a, b, preferred_element_type=F32)


def _bdot(a, b):
    return jnp.dot(a.astype(BF16), b, preferred_element_type=F32)



def _sc_gather_call(tab, ia3, ib3, ic2):
    NW, NCH, CH = ia3.shape
    CW = ic2.shape[1]
    EW = NCH * CH
    E = NW * EW
    I32 = jnp.int32
    mesh = plsc.VectorSubcoreMesh(core_axis_name="c", subcore_axis_name="s")

    @functools.partial(
        pl.kernel, mesh=mesh,
        out_type=[jax.ShapeDtypeStruct((E, 128), I32),
                  jax.ShapeDtypeStruct((E, 128), I32),
                  jax.ShapeDtypeStruct((NW * CW, 128), I32)],
        scratch_types=[pltpu.VMEM((NCH, CH), I32),
                       pltpu.VMEM((NCH, CH), I32),
                       pltpu.VMEM((CW,), I32),
                       pltpu.VMEM((CH, 128), I32),
                       pltpu.VMEM((CH, 128), I32),
                       pltpu.VMEM((CH, 128), I32),
                       pltpu.VMEM((CH, 128), I32),
                       pltpu.VMEM((CW, 128), I32),
                       pltpu.SemaphoreType.DMA,
                       pltpu.SemaphoreType.DMA,
                       pltpu.SemaphoreType.DMA,
                       pltpu.SemaphoreType.DMA],
    )
    def k(tabr, ia, ib, ic, oa, ob, oc,
          ia_v, ib_v, ic_v, ra0, rb0, ra1, rb1, rc_v, s1, s2, s3, s4):
        wid = lax.axis_index("s") * 2 + lax.axis_index("c")
        base = wid * EW
        pltpu.sync_copy(ia.at[wid], ia_v)
        pltpu.sync_copy(ib.at[wid], ib_v)
        pltpu.sync_copy(ic.at[wid], ic_v)
        pltpu.async_copy(tabr.at[ic_v], rc_v, s1).wait()
        pltpu.sync_copy(rc_v, oc.at[pl.ds(wid * CW, CW)])

        def body(j, carry):
            ca = pltpu.async_copy(tabr.at[ia_v.at[2 * j]], ra0, s1)
            cb = pltpu.async_copy(tabr.at[ib_v.at[2 * j]], rb0, s2)
            cc = pltpu.async_copy(tabr.at[ia_v.at[2 * j + 1]], ra1, s3)
            cd = pltpu.async_copy(tabr.at[ib_v.at[2 * j + 1]], rb1, s4)
            ca.wait()
            pltpu.sync_copy(ra0, oa.at[pl.ds(base + 2 * j * CH, CH)])
            cb.wait()
            pltpu.sync_copy(rb0, ob.at[pl.ds(base + 2 * j * CH, CH)])
            cc.wait()
            pltpu.sync_copy(ra1, oa.at[pl.ds(base + (2 * j + 1) * CH, CH)])
            cd.wait()
            pltpu.sync_copy(rb1, ob.at[pl.ds(base + (2 * j + 1) * CH, CH)])
            return carry

        lax.fori_loop(0, NCH // 2, body, 0)

    return k(tab, ia3, ib3, ic2)



def _unpack16(w_ref):
    w = w_ref[...]
    lo = lax.bitcast_convert_type(w << 16, F32).astype(BF16)
    hi = lax.bitcast_convert_type(w & jnp.int32(-65536), F32).astype(BF16)
    return lo, hi


def _edge_body(xi_ref, xj_ref, eg_ref,
               We1ae_ref, We1ao_ref, We1b_ref, We1ce_ref, We1co_ref,
               be1_ref, We2_ref, be2_ref,
               Wcae_ref, Wcao_ref, Wcb_ref, bc_ref,
               A1_ref, ba1_ref, A2_ref, ba2_ref,
               Wve_ref, Wvo_ref, bv_ref, P_ref, GP_ref,
               trip_ref, prob_ref, val_ref):
    xie, xio = _unpack16(xi_ref)
    xje, xjo = _unpack16(xj_ref)
    eg = eg_ref[...].astype(BF16)
    pre = (_dot(xie, We1ae_ref[...]) + _dot(xio, We1ao_ref[...])
           + _dot(eg, We1b_ref[...])
           + _dot(xje, We1ce_ref[...]) + _dot(xjo, We1co_ref[...])
           + be1_ref[...])
    trip_ref[...] = _bdot(jax.nn.relu(pre), We2_ref[...]) + be2_ref[...]

    c = (_dot(xie, Wcae_ref[...]) + _dot(xio, Wcao_ref[...])
         + _dot(eg, Wcb_ref[...]) + bc_ref[...])
    hh = jax.nn.relu(_bdot(c, A1_ref[...]) + ba1_ref[...])
    att = (_bdot(hh, A2_ref[...]) + ba2_ref[...]) * (1.0 / np.sqrt(32.0))
    m = jnp.max(att, axis=1, keepdims=True)
    e = jnp.exp(att - m)
    e_flat = _bdot(e, P_ref[...])
    s_flat = _bdot(e, GP_ref[...])
    prob_flat = e_flat / s_flat
    prob_ref[...] = prob_flat
    v = (_dot(xje, Wve_ref[...]) + _dot(xjo, Wvo_ref[...])
         + bv_ref[...])
    val_ref[...] = prob_flat * v


def _edge_call(xi, xj, eg, *ws, BE):
    E, DN = eg.shape
    grid = E // BE
    row = lambda i: (i, 0)
    full = lambda i: (0, 0)
    bspec_e = pl.BlockSpec((BE, DN), row)
    bspec_p = pl.BlockSpec((BE, DN // 2), row)
    wspec = lambda a: pl.BlockSpec(a.shape, full)
    return pl.pallas_call(
        _edge_body,
        interpret=False,
        grid=(grid,),
        in_specs=[bspec_p, bspec_p, bspec_e] + [wspec(a) for a in ws],
        out_specs=[bspec_e, bspec_e, bspec_e],
        out_shape=[jax.ShapeDtypeStruct((E, DN), F32),
                   jax.ShapeDtypeStruct((E, DN), F32),
                   jax.ShapeDtypeStruct((E, DN), F32)],
    )(xi, xj, eg, *ws)



def _mv_body(xi2_ref, ids0_ref, image_ref,
             Wq2e_ref, Wq2o_ref, bq2_ref, Wk2_ref, bk2_ref, Wv2_ref,
             bv2_ref, y_ref):
    E2 = xi2_ref.shape[0]
    M = image_ref.shape[0]
    ids0 = ids0_ref[...]
    iota = jax.lax.broadcasted_iota(jnp.int32, (E2, M), 1)
    oh = (iota == ids0).astype(F32)
    xj2 = _dot(oh, image_ref[...])
    x2e, x2o = _unpack16(xi2_ref)
    q2 = (_dot(x2e.astype(F32), Wq2e_ref[...])
          + _dot(x2o.astype(F32), Wq2o_ref[...]) + bq2_ref[...])
    k2 = _dot(xj2, Wk2_ref[...]) + bk2_ref[...]
    v2 = _dot(xj2, Wv2_ref[...]) + bv2_ref[...]
    scale = 1.0 / np.sqrt(256.0)
    ys = []
    for h in range(H):
        qh = q2[:, 32 * h:32 * h + 32]
        kh = k2[:, 32 * h:32 * h + 32]
        vh = v2[:, 32 * h:32 * h + 32]
        s = jax.lax.dot_general(qh, kh, (((1,), (1,)), ((), ())),
                                preferred_element_type=F32) * scale
        m = jnp.max(s, axis=1, keepdims=True)
        e = jnp.exp(s - m)
        a = e / jnp.sum(e, axis=1, keepdims=True)
        ys.append(_dot(a, vh))
    y_ref[...] = jnp.concatenate(ys, axis=1)


def _mv_call(xi2, ids0, image, Wq2e, Wq2o, bq2, Wk2, bk2, Wv2, bv2):
    E2 = xi2.shape[0]
    DN = image.shape[1]
    args = (xi2, ids0, image, Wq2e, Wq2o, bq2, Wk2, bk2, Wv2, bv2)
    return pl.pallas_call(
        _mv_body,
        interpret=False,
        in_specs=[pl.BlockSpec(a.shape, lambda: (0,) * 2) for a in args],
        out_specs=pl.BlockSpec((E2, DN), lambda: (0, 0)),
        out_shape=jax.ShapeDtypeStruct((E2, DN), F32),
    )(*args)



def _final_body(node_ref, agg_ref, y_ref, ids1_ref,
                Wu1a_ref, Wu1b_ref, bu1_ref, Wu2_ref, bu2_ref,
                Wnna_ref, Wnnb_ref, bnn_ref, out_ref, *, BN):
    i = pl.program_id(0)
    E2 = y_ref.shape[0]
    y16 = y_ref[...].astype(BF16)
    nf = jax.nn.relu(_bdot(node_ref[...], Wu1a_ref[...])
                     + _bdot(agg_ref[...], Wu1b_ref[...]) + bu1_ref[...])
    node_fan = _bdot(nf, Wu2_ref[...]) + bu2_ref[...]
    rowids = jax.lax.broadcasted_iota(jnp.int32, (BN, E2), 0) + i * BN
    oh = (rowids == ids1_ref[...]).astype(BF16)
    img = jnp.dot(oh, y16, preferred_element_type=F32)
    out_ref[...] = (_bdot(node_fan, Wnna_ref[...]) + _bdot(img, Wnnb_ref[...])
                    + bnn_ref[...])


def _final_call(node, agg, y, ids1, Wu1a, Wu1b, bu1, Wu2, bu2,
                Wnna, Wnnb, bnn, BN):
    N, DN = node.shape
    grid = N // BN
    row = lambda i: (i, 0)
    full = lambda i: (0, 0)
    nspec = pl.BlockSpec((BN, DN), row)
    args = (node, agg, y, ids1, Wu1a, Wu1b, bu1, Wu2, bu2, Wnna, Wnnb, bnn)
    return pl.pallas_call(
        functools.partial(_final_body, BN=BN),
        interpret=False,
        grid=(grid,),
        in_specs=[nspec, nspec] + [pl.BlockSpec(a.shape, full)
                                   for a in args[2:]],
        out_specs=nspec,
        out_shape=jax.ShapeDtypeStruct((N, DN), F32),
    )(*args)



def kernel(node, image, edge, edge_index_node_2_node, edge_index_image_2_ndoe,
           Wq, bq, Wk, bk, Wv, bv, We1, be1, We2, be2,
           Wa1, ba1, Wa2, ba2, Wu1, bu1, Wu2, bu2,
           Wq2, bq2, Wk2, bk2, Wv2, bv2, Wnn, bnn):
    N, DN = node.shape
    E = edge.shape[0]
    E2 = edge_index_image_2_ndoe.shape[1]
    ei = edge_index_node_2_node
    ei2 = edge_index_image_2_ndoe

    DH = DN // H
    to_hm = lambda W: W.reshape(-1, DH, H).transpose(0, 2, 1).reshape(-1, DN)
    Q_hm = to_hm(Wq)
    K_hm = to_hm(Wk)
    bq_hm = bq.reshape(DH, H).T.reshape(DN)
    bk_hm = bk.reshape(DH, H).T.reshape(DN)
    eyeN = jnp.eye(DN, dtype=F32)
    P = eyeN.reshape(DN, DH, H).transpose(0, 2, 1).reshape(DN, DN).T
    G = jnp.kron(jnp.eye(H, dtype=F32), jnp.ones((DH, DH), F32))
    GP = _dot(G, P)
    z = jnp.zeros((DN, H, DH), F32)
    Wca = jnp.concatenate([Q_hm.reshape(DN, H, DH), z], axis=2).reshape(DN, 2 * DN)
    Wcb = jnp.concatenate([z, K_hm.reshape(DN, H, DH)], axis=2).reshape(DN, 2 * DN)
    bc = jnp.concatenate([bq_hm.reshape(H, DH), bk_hm.reshape(H, DH)],
                         axis=1).reshape(2 * DN)
    A1 = jnp.kron(jnp.eye(H, dtype=F32), Wa1.T)
    A2 = jnp.kron(jnp.eye(H, dtype=F32), Wa2.T)
    ba1big = jnp.tile(ba1, H)
    ba2big = jnp.tile(ba2, H)
    We1a, We1b, We1c = We1[:DN], We1[DN:2 * DN], We1[2 * DN:]
    Wu1a, Wu1b = Wu1[:DN], Wu1[DN:]
    Wnna, Wnnb = Wnn[:DN], Wnn[DN:]
    r2 = lambda b: b.reshape(1, -1).astype(F32)
    b16 = lambda w: w.astype(BF16)

    node16 = node.astype(BF16)
    nodei = lax.bitcast_convert_type(node16.reshape(N, DN // 2, 2), jnp.int32)
    NW, NCH, CH = 32, 40, 128
    Epad = NW * NCH * CH
    pad = lambda ix: jnp.pad(ix, (0, Epad - E)).reshape(NW, NCH, CH)
    ia3 = pad(ei[0])
    ib3 = pad(ei[1])
    ic2 = ei2[1].reshape(NW, E2 // NW)
    ga, gb, gc = _sc_gather_call(nodei, ia3, ib3, ic2)

    ev = lambda w: b16(w[0::2])
    od = lambda w: b16(w[1::2])
    BE = 640 if E % 640 == 0 else E
    trip, prob_flat, value = _edge_call(
        ga, gb, edge,
        ev(We1a), od(We1a), b16(We1b), ev(We1c), od(We1c), r2(be1),
        b16(We2), r2(be2),
        ev(Wca), od(Wca), b16(Wcb), r2(bc),
        b16(A1), r2(ba1big), b16(A2), r2(ba2big),
        ev(Wv), od(Wv), r2(bv), b16(P), b16(GP), BE=BE)

    agg = jax.ops.segment_sum(value, ei[0], num_segments=N)

    y = _mv_call(gc, ei2[0].reshape(E2, 1), image,
                 Wq2[0::2], Wq2[1::2], r2(bq2), Wk2, r2(bk2), Wv2, r2(bv2))

    node_update = _final_call(node16, agg, y, ei2[1].reshape(1, E2),
                              b16(Wu1a), b16(Wu1b), r2(bu1), b16(Wu2), r2(bu2),
                              b16(Wnna), b16(Wnnb), r2(bnn),
                              BN=1000 if N % 1000 == 0 else N)

    return (node_update, trip, prob_flat.reshape(E, 32, 8))

# --- scband reference (transcript-rebuilt; emitter-appended) ---
"""Pipeline reference for scband-joing-gnn-27015344292382 (READ-ONLY COPY).

The authoritative reference and input builder live on the scoring server;
editing this copy changes nothing except your own understanding.
"""

import jax, jax.numpy as jnp
import numpy as np

N = 10000
E = 160000
E2 = 1024
M = 128
DN = 256
DE = 256
DA = 256
H = 8
DNP = DN // H
DEP = DE // H


def _lin(k, i, o):
    kw, kb = jax.random.split(k)
    W = jax.random.normal(kw, (i, o), jnp.float32) / np.sqrt(i)
    b = jax.random.normal(kb, (o,), jnp.float32) * 0.01
    return W, b


def setup_inputs(seed: int = 0):
    key = jax.random.key(seed)
    ks = jax.random.split(key, 24)
    d = {}
    d['node'] = jax.random.normal(ks[0], (N, DN), jnp.float32)
    d['image'] = jax.random.normal(ks[1], (M, DN), jnp.float32)
    d['edge'] = jax.random.normal(ks[2], (E, DE), jnp.float32)
    d['edge_index_node_2_node'] = jax.random.randint(ks[3], (2, E), 0, N, jnp.int32)
    d['edge_index_image_2_ndoe'] = jax.random.randint(ks[4], (2, E2), 0, M, jnp.int32)
    # MSG_FAN params
    d['Wq'], d['bq'] = _lin(ks[5], DN, DN)
    d['Wk'], d['bk'] = _lin(ks[6], DE, DE)
    d['Wv'], d['bv'] = _lin(ks[7], DN, DA)
    d['We1'], d['be1'] = _lin(ks[8], DN * 2 + DE, DN + DE)
    d['We2'], d['be2'] = _lin(ks[9], DN + DE, DE)
    # nn_att: Conv1d-style (out_ch, in_ch) applied over channel dim, shared across heads
    d['Wa1'] = jax.random.normal(ks[10], (DNP + DEP, DNP + DEP), jnp.float32) / np.sqrt(DNP + DEP)
    d['ba1'] = jax.random.normal(ks[11], (DNP + DEP,), jnp.float32) * 0.01
    d['Wa2'] = jax.random.normal(ks[12], (DEP, DNP + DEP), jnp.float32) / np.sqrt(DNP + DEP)
    d['ba2'] = jax.random.normal(ks[13], (DEP,), jnp.float32) * 0.01
    d['Wu1'], d['bu1'] = _lin(ks[14], DN + DA, DN + DA)
    d['Wu2'], d['bu2'] = _lin(ks[15], DN + DA, DN)
    # MSG_MV params
    d['Wq2'], d['bq2'] = _lin(ks[16], DN, DN)
    d['Wk2'], d['bk2'] = _lin(ks[17], DN, DN)
    d['Wv2'], d['bv2'] = _lin(ks[18], DN, DN)
    # final merge
    d['Wnn'], d['bnn'] = _lin(ks[19], DN * 2, DN)
    return d


def reference(node, image, edge, edge_index_node_2_node, edge_index_image_2_ndoe,
              Wq, bq, Wk, bk, Wv, bv, We1, be1, We2, be2,
              Wa1, ba1, Wa2, ba2, Wu1, bu1, Wu2, bu2,
              Wq2, bq2, Wk2, bk2, Wv2, bv2, Wnn, bnn):
    Ncur = node.shape[0]
    # ---- MSG_FAN, flow='target_to_source': i=row0, j=row1, aggregate by row0 ----
    ei = edge_index_node_2_node
    x_i = node[ei[0]]
    x_j = node[ei[1]]
    Ecur = x_i.shape[0]
    # triplet feature: nn_edge = Linear -> ReLU -> Linear (use_bn=False, on_last=False)
    trip = jnp.concatenate([x_i, edge, x_j], axis=1)
    trip = jax.nn.relu(trip @ We1 + be1) @ We2 + be2
    # FAN attention
    q = (x_i @ Wq + bq).reshape(Ecur, DNP, H)
    k = (edge @ Wk + bk).reshape(Ecur, DEP, H)
    v = x_j @ Wv + bv
    c = jnp.concatenate([q, k], axis=1)  # [E, DNP+DEP, H]
    h = jax.nn.relu(jnp.einsum('oc,ech->eoh', Wa1, c) + ba1[None, :, None])
    att = jnp.einsum('oc,ech->eoh', Wa2, h) + ba2[None, :, None]  # [E, DEP, H]
    prob = jax.nn.softmax(att / np.sqrt(DEP), axis=1)
    value = prob.reshape(v.shape) * v
    agg = jax.ops.segment_sum(value, ei[0], num_segments=Ncur)
    nf = jnp.concatenate([node, agg], axis=1)
    node_fan = jax.nn.relu(nf @ Wu1 + bu1) @ Wu2 + bu2
    # ---- MSG_MV, flow='source_to_target': x_j=image[row0], x_i=node[row1], aggregate by row1 ----
    ei2 = edge_index_image_2_ndoe
    xi2 = node[ei2[1]]
    xj2 = image[ei2[0]]
    E2c = xi2.shape[0]
    q2 = (xi2 @ Wq2 + bq2).reshape(E2c, H, DNP)
    k2 = (xj2 @ Wk2 + bk2).reshape(E2c, H, DNP)
    v2 = (xj2 @ Wv2 + bv2).reshape(E2c, H, DNP)
    a2 = jax.nn.softmax(jnp.einsum('nhk,mhk->nhm', q2, k2) / np.sqrt(DN), axis=-1)
    y = jnp.einsum('nhm,mhk->nhk', a2, v2).reshape(E2c, -1)
    img_msg = jax.ops.segment_sum(y, ei2[1], num_segments=Ncur)
    # ---- merge ----
    node_update = jnp.concatenate([node_fan, img_msg], axis=1) @ Wnn + bnn
    return (node_update, trip, prob)

if __name__ == "__main__":
    import jax
    _d = setup_inputs()
    print(jax.jit(kernel)(*tuple(_d.values())))

</pallas_src>

<mosaic_0001>
#map = affine_map<(d0, d1) -> (0, 0)>
#map1 = affine_map<(d0, d1) -> (0, 0, 0)>
module attributes {stable_mosaic.version = 14 : i64} {
  func.func @k(%arg0: i32, %arg1: i32, %arg2: memref<10000x128xi32, #tpu.memory_space<hbm>>, %arg3: memref<32x40x128xi32, #tpu.memory_space<hbm>>, %arg4: memref<32x40x128xi32, #tpu.memory_space<hbm>>, %arg5: memref<32x32xi32, #tpu.memory_space<hbm>>, %arg6: memref<163840x128xi32, #tpu.memory_space<hbm>>, %arg7: memref<163840x128xi32, #tpu.memory_space<hbm>>, %arg8: memref<1024x128xi32, #tpu.memory_space<hbm>>, %arg9: memref<40x128xi32, #tpu.memory_space<vmem>>, %arg10: memref<40x128xi32, #tpu.memory_space<vmem>>, %arg11: memref<32xi32, #tpu.memory_space<vmem>>, %arg12: memref<128x128xi32, #tpu.memory_space<vmem>>, %arg13: memref<128x128xi32, #tpu.memory_space<vmem>>, %arg14: memref<128x128xi32, #tpu.memory_space<vmem>>, %arg15: memref<128x128xi32, #tpu.memory_space<vmem>>, %arg16: memref<32x128xi32, #tpu.memory_space<vmem>>, %arg17: memref<!tpu.dma_semaphore, #tpu.memory_space<semaphore_mem>>, %arg18: memref<!tpu.dma_semaphore, #tpu.memory_space<semaphore_mem>>, %arg19: memref<!tpu.dma_semaphore, #tpu.memory_space<semaphore_mem>>, %arg20: memref<!tpu.dma_semaphore, #tpu.memory_space<semaphore_mem>>) attributes {dimension_semantics = [#tpu.dimension_semantics<core_parallel>, #tpu.dimension_semantics<subcore_parallel>], iteration_bounds = array<i64: 2, 16>, scalar_prefetch = 0 : i64, scratch_operands = 12 : i64, tpu.core_type = #tpu.core_type<sc_vector_subcore>, window_params = [{transform_indices = #map}, {transform_indices = #map1}, {transform_indices = #map1}, {transform_indices = #map}, {transform_indices = #map}, {transform_indices = #map}, {transform_indices = #map}]} {
    %mul3A = arith.constant 2 : i32
    %mul3A_0 = arith.muli %arg1, %mul3A : i32
    %add3A = arith.addi %mul3A_0, %arg0 : i32
    %mul3A_1 = arith.constant 5120 : i32
    %mul3A_2 = arith.muli %add3A, %mul3A_1 : i32
    "tpu.region"() ({
      %run_scoped3A = tpu.sem_alloc : memref<!tpu.dma_semaphore, #tpu.memory_space<semaphore_mem>>
      %dma_start3A_14 = arith.constant 0 : i32
      %dma_start3A_15 = arith.constant 0 : i32
      %dma_start3A_16 = tpu.memref_slice %arg3[%add3A, %dma_start3A_14, %dma_start3A_15] : memref<32x40x128xi32, #tpu.memory_space<hbm>> -> memref<1x40x128xi32, #tpu.memory_space<hbm>>
      %dma_start3A_17 = tpu.memref_squeeze %dma_start3A_16 : memref<1x40x128xi32, #tpu.memory_space<hbm>> -> memref<40x128xi32, #tpu.memory_space<hbm>>
      %dma_start3A_18 = arith.constant 0 : i32
      %dma_start3A_19 = arith.constant 0 : i32
      %dma_start3A_20 = tpu.memref_slice %arg3[%add3A, %dma_start3A_18, %dma_start3A_19] : memref<32x40x128xi32, #tpu.memory_space<hbm>> -> memref<1x40x128xi32, #tpu.memory_space<hbm>>
      %dma_start3A_21 = tpu.memref_squeeze %dma_start3A_20 : memref<1x40x128xi32, #tpu.memory_space<hbm>> -> memref<40x128xi32, #tpu.memory_space<hbm>>
      tpu.enqueue_dma source(%dma_start3A_21 : memref<40x128xi32, #tpu.memory_space<hbm>>) target(%arg9 : memref<40x128xi32, #tpu.memory_space<vmem>>) target_semaphore(%run_scoped3A : memref<!tpu.dma_semaphore, #tpu.memory_space<semaphore_mem>>)
      %dma_wait3A_22 = arith.constant 0 : i32
      %dma_wait3A_23 = arith.constant 0 : i32
      %dma_wait3A_24 = tpu.memref_slice %arg3[%add3A, %dma_wait3A_22, %dma_wait3A_23] : memref<32x40x128xi32, #tpu.memory_space<hbm>> -> memref<1x40x128xi32, #tpu.memory_space<hbm>>
      %dma_wait3A_25 = tpu.memref_squeeze %dma_wait3A_24 : memref<1x40x128xi32, #tpu.memory_space<hbm>> -> memref<40x128xi32, #tpu.memory_space<hbm>>
      %dma_wait3A_26 = arith.constant 0 : i32
      %dma_wait3A_27 = arith.constant 0 : i32
      %dma_wait3A_28 = tpu.memref_slice %arg3[%add3A, %dma_wait3A_26, %dma_wait3A_27] : memref<32x40x128xi32, #tpu.memory_space<hbm>> -> memref<1x40x128xi32, #tpu.memory_space<hbm>>
      %dma_wait3A_29 = tpu.memref_squeeze %dma_wait3A_28 : memref<1x40x128xi32, #tpu.memory_space<hbm>> -> memref<40x128xi32, #tpu.memory_space<hbm>>
      tpu.wait_dma2 semaphore(%run_scoped3A : memref<!tpu.dma_semaphore, #tpu.memory_space<semaphore_mem>>) src(%dma_wait3A_29 : memref<40x128xi32, #tpu.memory_space<hbm>>) dst(%arg9 : memref<40x128xi32, #tpu.memory_space<vmem>>)
      tpu.yield
    }) : () -> ()
    "tpu.region"() ({
      %run_scoped3A = tpu.sem_alloc : memref<!tpu.dma_semaphore, #tpu.memory_space<semaphore_mem>>
      %dma_start3A_14 = arith.constant 0 : i32
      %dma_start3A_15 = arith.constant 0 : i32
      %dma_start3A_16 = tpu.memref_slice %arg4[%add3A, %dma_start3A_14, %dma_start3A_15] : memref<32x40x128xi32, #tpu.memory_space<hbm>> -> memref<1x40x128xi32, #tpu.memory_space<hbm>>
      %dma_start3A_17 = tpu.memref_squeeze %dma_start3A_16 : memref<1x40x128xi32, #tpu.memory_space<hbm>> -> memref<40x128xi32, #tpu.memory_space<hbm>>
      %dma_start3A_18 = arith.constant 0 : i32
      %dma_start3A_19 = arith.constant 0 : i32
      %dma_start3A_20 = tpu.memref_slice %arg4[%add3A, %dma_start3A_18, %dma_start3A_19] : memref<32x40x128xi32, #tpu.memory_space<hbm>> -> memref<1x40x128xi32, #tpu.memory_space<hbm>>
      %dma_start3A_21 = tpu.memref_squeeze %dma_start3A_20 : memref<1x40x128xi32, #tpu.memory_space<hbm>> -> memref<40x128xi32, #tpu.memory_space<hbm>>
      tpu.enqueue_dma source(%dma_start3A_21 : memref<40x128xi32, #tpu.memory_space<hbm>>) target(%arg10 : memref<40x128xi32, #tpu.memory_space<vmem>>) target_semaphore(%run_scoped3A : memref<!tpu.dma_semaphore, #tpu.memory_space<semaphore_mem>>)
      %dma_wait3A_22 = arith.constant 0 : i32
      %dma_wait3A_23 = arith.constant 0 : i32
      %dma_wait3A_24 = tpu.memref_slice %arg4[%add3A, %dma_wait3A_22, %dma_wait3A_23] : memref<32x40x128xi32, #tpu.memory_space<hbm>> -> memref<1x40x128xi32, #tpu.memory_space<hbm>>
      %dma_wait3A_25 = tpu.memref_squeeze %dma_wait3A_24 : memref<1x40x128xi32, #tpu.memory_space<hbm>> -> memref<40x128xi32, #tpu.memory_space<hbm>>
      %dma_wait3A_26 = arith.constant 0 : i32
      %dma_wait3A_27 = arith.constant 0 : i32
      %dma_wait3A_28 = tpu.memref_slice %arg4[%add3A, %dma_wait3A_26, %dma_wait3A_27] : memref<32x40x128xi32, #tpu.memory_space<hbm>> -> memref<1x40x128xi32, #tpu.memory_space<hbm>>
      %dma_wait3A_29 = tpu.memref_squeeze %dma_wait3A_28 : memref<1x40x128xi32, #tpu.memory_space<hbm>> -> memref<40x128xi32, #tpu.memory_space<hbm>>
      tpu.wait_dma2 semaphore(%run_scoped3A : memref<!tpu.dma_semaphore, #tpu.memory_space<semaphore_mem>>) src(%dma_wait3A_29 : memref<40x128xi32, #tpu.memory_space<hbm>>) dst(%arg10 : memref<40x128xi32, #tpu.memory_space<vmem>>)
      tpu.yield
    }) : () -> ()
    "tpu.region"() ({
      %run_scoped3A = tpu.sem_alloc : memref<!tpu.dma_semaphore, #tpu.memory_space<semaphore_mem>>
      %dma_start3A_14 = arith.constant 0 : i32
      %dma_start3A_15 = tpu.memref_slice %arg5[%add3A, %dma_start3A_14] : memref<32x32xi32, #tpu.memory_space<hbm>> -> memref<1x32xi32, #tpu.memory_space<hbm>>
      %dma_start3A_16 = tpu.memref_squeeze %dma_start3A_15 : memref<1x32xi32, #tpu.memory_space<hbm>> -> memref<32xi32, #tpu.memory_space<hbm>>
      %dma_start3A_17 = arith.constant 0 : i32
      %dma_start3A_18 = tpu.memref_slice %arg5[%add3A, %dma_start3A_17] : memref<32x32xi32, #tpu.memory_space<hbm>> -> memref<1x32xi32, #tpu.memory_space<hbm>>
      %dma_start3A_19 = tpu.memref_squeeze %dma_start3A_18 : memref<1x32xi32, #tpu.memory_space<hbm>> -> memref<32xi32, #tpu.memory_space<hbm>>
      tpu.enqueue_dma source(%dma_start3A_19 : memref<32xi32, #tpu.memory_space<hbm>>) target(%arg11 : memref<32xi32, #tpu.memory_space<vmem>>) target_semaphore(%run_scoped3A : memref<!tpu.dma_semaphore, #tpu.memory_space<semaphore_mem>>)
      %dma_wait3A_20 = arith.constant 0 : i32
      %dma_wait3A_21 = tpu.memref_slice %arg5[%add3A, %dma_wait3A_20] : memref<32x32xi32, #tpu.memory_space<hbm>> -> memref<1x32xi32, #tpu.memory_space<hbm>>
      %dma_wait3A_22 = tpu.memref_squeeze %dma_wait3A_21 : memref<1x32xi32, #tpu.memory_space<hbm>> -> memref<32xi32, #tpu.memory_space<hbm>>
      %dma_wait3A_23 = arith.constant 0 : i32
      %dma_wait3A_24 = tpu.memref_slice %arg5[%add3A, %dma_wait3A_23] : memref<32x32xi32, #tpu.memory_space<hbm>> -> memref<1x32xi32, #tpu.memory_space<hbm>>
      %dma_wait3A_25 = tpu.memref_squeeze %dma_wait3A_24 : memref<1x32xi32, #tpu.memory_space<hbm>> -> memref<32xi32, #tpu.memory_space<hbm>>
      tpu.wait_dma2 semaphore(%run_scoped3A : memref<!tpu.dma_semaphore, #tpu.memory_space<semaphore_mem>>) src(%dma_wait3A_25 : memref<32xi32, #tpu.memory_space<hbm>>) dst(%arg11 : memref<32xi32, #tpu.memory_space<vmem>>)
      tpu.yield
    }) : () -> ()
    %dma_start3A = arith.constant 0 : i32
    %dma_start3A_3 = arith.constant 0 : i32
    %dma_start3A_4 = tpu.memref_slice %arg2[%dma_start3A, %dma_start3A_3] : memref<10000x128xi32, #tpu.memory_space<hbm>> -> memref<10000x128xi32, #tpu.memory_space<hbm>>
    tpu.enqueue_indirect_dma source(%dma_start3A_4 : memref<10000x128xi32, #tpu.memory_space<hbm>>) target(%arg16 : memref<32x128xi32, #tpu.memory_space<vmem>>) offsets(%arg11 : memref<32xi32, #tpu.memory_space<vmem>>) semaphore(%arg17 : memref<!tpu.dma_semaphore, #tpu.memory_space<semaphore_mem>>)
    %dma_wait3A = arith.constant 0 : i32
    %dma_wait3A_5 = arith.constant 0 : i32
    %dma_wait3A_6 = tpu.memref_slice %arg2[%dma_wait3A, %dma_wait3A_5] : memref<10000x128xi32, #tpu.memory_space<hbm>> -> memref<10000x128xi32, #tpu.memory_space<hbm>>
    tpu.wait_indirect_dma semaphore(%arg17 : memref<!tpu.dma_semaphore, #tpu.memory_space<semaphore_mem>>) src(%dma_wait3A_6 : memref<10000x128xi32, #tpu.memory_space<hbm>>) dst(%arg16 : memref<32x128xi32, #tpu.memory_space<vmem>>)
    %mul3A_7 = arith.constant 32 : i32
    %mul3A_8 = arith.muli %add3A, %mul3A_7 : i32
    "tpu.region"() ({
      %run_scoped3A = tpu.sem_alloc : memref<!tpu.dma_semaphore, #tpu.memory_space<semaphore_mem>>
      %dma_start3A_14 = arith.constant 0 : i32
      %dma_start3A_15 = tpu.memref_slice %arg8[%mul3A_8, %dma_start3A_14] : memref<1024x128xi32, #tpu.memory_space<hbm>> -> memref<32x128xi32, #tpu.memory_space<hbm>>
      %dma_start3A_16 = arith.constant 0 : i32
      %dma_start3A_17 = tpu.memref_slice %arg8[%mul3A_8, %dma_start3A_16] : memref<1024x128xi32, #tpu.memory_space<hbm>> -> memref<32x128xi32, #tpu.memory_space<hbm>>
      tpu.enqueue_dma source(%arg16 : memref<32x128xi32, #tpu.memory_space<vmem>>) target(%dma_start3A_17 : memref<32x128xi32, #tpu.memory_space<hbm>>) target_semaphore(%run_scoped3A : memref<!tpu.dma_semaphore, #tpu.memory_space<semaphore_mem>>)
      %dma_wait3A_18 = arith.constant 0 : i32
      %dma_wait3A_19 = tpu.memref_slice %arg8[%mul3A_8, %dma_wait3A_18] : memref<1024x128xi32, #tpu.memory_space<hbm>> -> memref<32x128xi32, #tpu.memory_space<hbm>>
      %dma_wait3A_20 = arith.constant 0 : i32
      %dma_wait3A_21 = tpu.memref_slice %arg8[%mul3A_8, %dma_wait3A_20] : memref<1024x128xi32, #tpu.memory_space<hbm>> -> memref<32x128xi32, #tpu.memory_space<hbm>>
      tpu.wait_dma2 semaphore(%run_scoped3A : memref<!tpu.dma_semaphore, #tpu.memory_space<semaphore_mem>>) src(%arg16 : memref<32x128xi32, #tpu.memory_space<vmem>>) dst(%dma_wait3A_21 : memref<32x128xi32, #tpu.memory_space<hbm>>)
      tpu.yield
    }) : () -> ()
    %scan3A = arith.constant 0 : i32
    %scan3A_9 = arith.constant 0 : i32
    %scan3A_10 = arith.constant 20 : i32
    %scan3A_11 = arith.addi %scan3A_9, %scan3A_10 : i32
    %scan3A_12 = arith.constant 1 : i32
    scf.for %scan3A_14 = %scan3A_9 to %scan3A_11 step %scan3A_12  : i32 {
      %mul3A_15 = arith.constant 2 : i32
      %mul3A_16 = arith.muli %mul3A_15, %scan3A_14 : i32
      %dma_start3A_17 = arith.constant 0 : i32
      %dma_start3A_18 = tpu.memref_slice %arg9[%mul3A_16, %dma_start3A_17] : memref<40x128xi32, #tpu.memory_space<vmem>> -> memref<1x128xi32, #tpu.memory_space<vmem>>
      %dma_start3A_19 = tpu.memref_squeeze %dma_start3A_18 : memref<1x128xi32, #tpu.memory_space<vmem>> -> memref<128xi32, #tpu.memory_space<vmem>>
      %dma_start3A_20 = arith.constant 0 : i32
      %dma_start3A_21 = arith.constant 0 : i32
      %dma_start3A_22 = tpu.memref_slice %arg2[%dma_start3A_20, %dma_start3A_21] : memref<10000x128xi32, #tpu.memory_space<hbm>> -> memref<10000x128xi32, #tpu.memory_space<hbm>>
      tpu.enqueue_indirect_dma source(%dma_start3A_22 : memref<10000x128xi32, #tpu.memory_space<hbm>>) target(%arg12 : memref<128x128xi32, #tpu.memory_space<vmem>>) offsets(%dma_start3A_19 : memref<128xi32, #tpu.memory_space<vmem>>) semaphore(%arg17 : memref<!tpu.dma_semaphore, #tpu.memory_space<semaphore_mem>>)
      %mul3A_23 = arith.constant 2 : i32
      %mul3A_24 = arith.muli %mul3A_23, %scan3A_14 : i32
      %dma_start3A_25 = arith.constant 0 : i32
      %dma_start3A_26 = tpu.memref_slice %arg10[%mul3A_24, %dma_start3A_25] : memref<40x128xi32, #tpu.memory_space<vmem>> -> memref<1x128xi32, #tpu.memory_space<vmem>>
      %dma_start3A_27 = tpu.memref_squeeze %dma_start3A_26 : memref<1x128xi32, #tpu.memory_space<vmem>> -> memref<128xi32, #tpu.memory_space<vmem>>
      %dma_start3A_28 = arith.constant 0 : i32
      %dma_start3A_29 = arith.constant 0 : i32
      %dma_start3A_30 = tpu.memref_slice %arg2[%dma_start3A_28, %dma_start3A_29] : memref<10000x128xi32, #tpu.memory_space<hbm>> -> memref<10000x128xi32, #tpu.memory_space<hbm>>
      tpu.enqueue_indirect_dma source(%dma_start3A_30 : memref<10000x128xi32, #tpu.memory_space<hbm>>) target(%arg13 : memref<128x128xi32, #tpu.memory_space<vmem>>) offsets(%dma_start3A_27 : memref<128xi32, #tpu.memory_space<vmem>>) semaphore(%arg18 : memref<!tpu.dma_semaphore, #tpu.memory_space<semaphore_mem>>)
      %mul3A_31 = arith.constant 2 : i32
      %mul3A_32 = arith.muli %mul3A_31, %scan3A_14 : i32
      %add3A_33 = arith.constant 1 : i32
      %add3A_34 = arith.addi %mul3A_32, %add3A_33 : i32
      %dma_start3A_35 = arith.constant 0 : i32
      %dma_start3A_36 = tpu.memref_slice %arg9[%add3A_34, %dma_start3A_35] : memref<40x128xi32, #tpu.memory_space<vmem>> -> memref<1x128xi32, #tpu.memory_space<vmem>>
      %dma_start3A_37 = tpu.memref_squeeze %dma_start3A_36 : memref<1x128xi32, #tpu.memory_space<vmem>> -> memref<128xi32, #tpu.memory_space<vmem>>
      %dma_start3A_38 = arith.constant 0 : i32
      %dma_start3A_39 = arith.constant 0 : i32
      %dma_start3A_40 = tpu.memref_slice %arg2[%dma_start3A_38, %dma_start3A_39] : memref<10000x128xi32, #tpu.memory_space<hbm>> -> memref<10000x128xi32, #tpu.memory_space<hbm>>
      tpu.enqueue_indirect_dma source(%dma_start3A_40 : memref<10000x128xi32, #tpu.memory_space<hbm>>) target(%arg14 : memref<128x128xi32, #tpu.memory_space<vmem>>) offsets(%dma_start3A_37 : memref<128xi32, #tpu.memory_space<vmem>>) semaphore(%arg19 : memref<!tpu.dma_semaphore, #tpu.memory_space<semaphore_mem>>)
      %mul3A_41 = arith.constant 2 : i32
      %mul3A_42 = arith.muli %mul3A_41, %scan3A_14 : i32
      %add3A_43 = arith.constant 1 : i32
      %add3A_44 = arith.addi %mul3A_42, %add3A_43 : i32
      %dma_start3A_45 = arith.constant 0 : i32
      %dma_start3A_46 = tpu.memref_slice %arg10[%add3A_44, %dma_start3A_45] : memref<40x128xi32, #tpu.memory_space<vmem>> -> memref<1x128xi32, #tpu.memory_space<vmem>>
      %dma_start3A_47 = tpu.memref_squeeze %dma_start3A_46 : memref<1x128xi32, #tpu.memory_space<vmem>> -> memref<128xi32, #tpu.memory_space<vmem>>
      %dma_start3A_48 = arith.constant 0 : i32
      %dma_start3A_49 = arith.constant 0 : i32
      %dma_start3A_50 = tpu.memref_slice %arg2[%dma_start3A_48, %dma_start3A_49] : memref<10000x128xi32, #tpu.memory_space<hbm>> -> memref<10000x128xi32, #tpu.memory_space<hbm>>
      tpu.enqueue_indirect_dma source(%dma_start3A_50 : memref<10000x128xi32, #tpu.memory_space<hbm>>) target(%arg15 : memref<128x128xi32, #tpu.memory_space<vmem>>) offsets(%dma_start3A_47 : memref<128xi32, #tpu.memory_space<vmem>>) semaphore(%arg20 : memref<!tpu.dma_semaphore, #tpu.memory_space<semaphore_mem>>)
      %dma_wait3A_51 = arith.constant 0 : i32
      %dma_wait3A_52 = tpu.memref_slice %arg9[%mul3A_16, %dma_wait3A_51] : memref<40x128xi32, #tpu.memory_space<vmem>> -> memref<1x128xi32, #tpu.memory_space<vmem>>
      %dma_wait3A_53 = tpu.memref_squeeze %dma_wait3A_52 : memref<1x128xi32, #tpu.memory_space<vmem>> -> memref<128xi32, #tpu.memory_space<vmem>>
      %dma_wait3A_54 = arith.constant 0 : i32
      %dma_wait3A_55 = arith.constant 0 : i32
      %dma_wait3A_56 = tpu.memref_slice %arg2[%dma_wait3A_54, %dma_wait3A_55] : memref<10000x128xi32, #tpu.memory_space<hbm>> -> memref<10000x128xi32, #tpu.memory_space<hbm>>
      tpu.wait_indirect_dma semaphore(%arg17 : memref<!tpu.dma_semaphore, #tpu.memory_space<semaphore_mem>>) src(%dma_wait3A_56 : memref<10000x128xi32, #tpu.memory_space<hbm>>) dst(%arg12 : memref<128x128xi32, #tpu.memory_space<vmem>>)
      %mul3A_57 = arith.constant 2 : i32
      %mul3A_58 = arith.muli %mul3A_57, %scan3A_14 : i32
      %mul3A_59 = arith.constant 128 : i32
      %mul3A_60 = arith.muli %mul3A_58, %mul3A_59 : i32
      %add3A_61 = arith.addi %mul3A_2, %mul3A_60 : i32
      "tpu.region"() ({
        %run_scoped3A = tpu.sem_alloc : memref<!tpu.dma_semaphore, #tpu.memory_space<semaphore_mem>>
        %dma_start3A_99 = arith.constant 0 : i32
        %dma_start3A_100 = tpu.memref_slice %arg6[%add3A_61, %dma_start3A_99] : memref<163840x128xi32, #tpu.memory_space<hbm>> -> memref<128x128xi32, #tpu.memory_space<hbm>>
        %dma_start3A_101 = arith.constant 0 : i32
        %dma_start3A_102 = tpu.memref_slice %arg6[%add3A_61, %dma_start3A_101] : memref<163840x128xi32, #tpu.memory_space<hbm>> -> memref<128x128xi32, #tpu.memory_space<hbm>>
        tpu.enqueue_dma source(%arg12 : memref<128x128xi32, #tpu.memory_space<vmem>>) target(%dma_start3A_102 : memref<128x128xi32, #tpu.memory_space<hbm>>) target_semaphore(%run_scoped3A : memref<!tpu.dma_semaphore, #tpu.memory_space<semaphore_mem>>)
        %dma_wait3A_103 = arith.constant 0 : i32
        %dma_wait3A_104 = tpu.memref_slice %arg6[%add3A_61, %dma_wait3A_103] : memref<163840x128xi32, #tpu.memory_space<hbm>> -> memref<128x128xi32, #tpu.memory_space<hbm>>
        %dma_wait3A_105 = arith.constant 0 : i32
        %dma_wait3A_106 = tpu.memref_slice %arg6[%add3A_61, %dma_wait3A_105] : memref<163840x128xi32, #tpu.memory_space<hbm>> -> memref<128x128xi32, #tpu.memory_space<hbm>>
        tpu.wait_dma2 semaphore(%run_scoped3A : memref<!tpu.dma_semaphore, #tpu.memory_space<semaphore_mem>>) src(%arg12 : memref<128x128xi32, #tpu.memory_space<vmem>>) dst(%dma_wait3A_106 : memref<128x128xi32, #tpu.memory_space<hbm>>)
        tpu.yield
      }) : () -> ()
      %dma_wait3A_62 = arith.constant 0 : i32
      %dma_wait3A_63 = tpu.memref_slice %arg10[%mul3A_24, %dma_wait3A_62] : memref<40x128xi32, #tpu.memory_space<vmem>> -> memref<1x128xi32, #tpu.memory_space<vmem>>
      %dma_wait3A_64 = tpu.memref_squeeze %dma_wait3A_63 : memref<1x128xi32, #tpu.memory_space<vmem>> -> memref<128xi32, #tpu.memory_space<vmem>>
      %dma_wait3A_65 = arith.constant 0 : i32
      %dma_wait3A_66 = arith.constant 0 : i32
      %dma_wait3A_67 = tpu.memref_slice %arg2[%dma_wait3A_65, %dma_wait3A_66] : memref<10000x128xi32, #tpu.memory_space<hbm>> -> memref<10000x128xi32, #tpu.memory_space<hbm>>
      tpu.wait_indirect_dma semaphore(%arg18 : memref<!tpu.dma_semaphore, #tpu.memory_space<semaphore_mem>>) src(%dma_wait3A_67 : memref<10000x128xi32, #tpu.memory_space<hbm>>) dst(%arg13 : memref<128x128xi32, #tpu.memory_space<vmem>>)
      %mul3A_68 = arith.constant 2 : i32
      %mul3A_69 = arith.muli %mul3A_68, %scan3A_14 : i32
      %mul3A_70 = arith.constant 128 : i32
      %mul3A_71 = arith.muli %mul3A_69, %mul3A_70 : i32
      %add3A_72 = arith.addi %mul3A_2, %mul3A_71 : i32
      "tpu.region"() ({
        %run_scoped3A = tpu.sem_alloc : memref<!tpu.dma_semaphore, #tpu.memory_space<semaphore_mem>>
        %dma_start3A_99 = arith.constant 0 : i32
        %dma_start3A_100 = tpu.memref_slice %arg7[%add3A_72, %dma_start3A_99] : memref<163840x128xi32, #tpu.memory_space<hbm>> -> memref<128x128xi32, #tpu.memory_space<hbm>>
        %dma_start3A_101 = arith.constant 0 : i32
        %dma_start3A_102 = tpu.memref_slice %arg7[%add3A_72, %dma_start3A_101] : memref<163840x128xi32, #tpu.memory_space<hbm>> -> memref<128x128xi32, #tpu.memory_space<hbm>>
        tpu.enqueue_dma source(%arg13 : memref<128x128xi32, #tpu.memory_space<vmem>>) target(%dma_start3A_102 : memref<128x128xi32, #tpu.memory_space<hbm>>) target_semaphore(%run_scoped3A : memref<!tpu.dma_semaphore, #tpu.memory_space<semaphore_mem>>)
        %dma_wait3A_103 = arith.constant 0 : i32
        %dma_wait3A_104 = tpu.memref_slice %arg7[%add3A_72, %dma_wait3A_103] : memref<163840x128xi32, #tpu.memory_space<hbm>> -> memref<128x128xi32, #tpu.memory_space<hbm>>
        %dma_wait3A_105 = arith.constant 0 : i32
        %dma_wait3A_106 = tpu.memref_slice %arg7[%add3A_72, %dma_wait3A_105] : memref<163840x128xi32, #tpu.memory_space<hbm>> -> memref<128x128xi32, #tpu.memory_space<hbm>>
        tpu.wait_dma2 semaphore(%run_scoped3A : memref<!tpu.dma_semaphore, #tpu.memory_space<semaphore_mem>>) src(%arg13 : memref<128x128xi32, #tpu.memory_space<vmem>>) dst(%dma_wait3A_106 : memref<128x128xi32, #tpu.memory_space<hbm>>)
        tpu.yield
      }) : () -> ()
      %dma_wait3A_73 = arith.constant 0 : i32
      %dma_wait3A_74 = tpu.memref_slice %arg9[%add3A_34, %dma_wait3A_73] : memref<40x128xi32, #tpu.memory_space<vmem>> -> memref<1x128xi32, #tpu.memory_space<vmem>>
      %dma_wait3A_75 = tpu.memref_squeeze %dma_wait3A_74 : memref<1x128xi32, #tpu.memory_space<vmem>> -> memref<128xi32, #tpu.memory_space<vmem>>
      %dma_wait3A_76 = arith.constant 0 : i32
      %dma_wait3A_77 = arith.constant 0 : i32
      %dma_wait3A_78 = tpu.memref_slice %arg2[%dma_wait3A_76, %dma_wait3A_77] : memref<10000x128xi32, #tpu.memory_space<hbm>> -> memref<10000x128xi32, #tpu.memory_space<hbm>>
      tpu.wait_indirect_dma semaphore(%arg19 : memref<!tpu.dma_semaphore, #tpu.memory_space<semaphore_mem>>) src(%dma_wait3A_78 : memref<10000x128xi32, #tpu.memory_space<hbm>>) dst(%arg14 : memref<128x128xi32, #tpu.memory_space<vmem>>)
      %mul3A_79 = arith.constant 2 : i32
      %mul3A_80 = arith.muli %mul3A_79, %scan3A_14 : i32
      %add3A_81 = arith.constant 1 : i32
      %add3A_82 = arith.addi %mul3A_80, %add3A_81 : i32
      %mul3A_83 = arith.constant 128 : i32
      %mul3A_84 = arith.muli %add3A_82, %mul3A_83 : i32
      %add3A_85 = arith.addi %mul3A_2, %mul3A_84 : i32
      "tpu.region"() ({
        %run_scoped3A = tpu.sem_alloc : memref<!tpu.dma_semaphore, #tpu.memory_space<semaphore_mem>>
        %dma_start3A_99 = arith.constant 0 : i32
        %dma_start3A_100 = tpu.memref_slice %arg6[%add3A_85, %dma_start3A_99] : memref<163840x128xi32, #tpu.memory_space<hbm>> -> memref<128x128xi32, #tpu.memory_space<hbm>>
        %dma_start3A_101 = arith.constant 0 : i32
        %dma_start3A_102 = tpu.memref_slice %arg6[%add3A_85, %dma_start3A_101] : memref<163840x128xi32, #tpu.memory_space<hbm>> -> memref<128x128xi32, #tpu.memory_space<hbm>>
        tpu.enqueue_dma source(%arg14 : memref<128x128xi32, #tpu.memory_space<vmem>>) target(%dma_start3A_102 : memref<128x128xi32, #tpu.memory_space<hbm>>) target_semaphore(%run_scoped3A : memref<!tpu.dma_semaphore, #tpu.memory_space<semaphore_mem>>)
        %dma_wait3A_103 = arith.constant 0 : i32
        %dma_wait3A_104 = tpu.memref_slice %arg6[%add3A_85, %dma_wait3A_103] : memref<163840x128xi32, #tpu.memory_space<hbm>> -> memref<128x128xi32, #tpu.memory_space<hbm>>
        %dma_wait3A_105 = arith.constant 0 : i32
        %dma_wait3A_106 = tpu.memref_slice %arg6[%add3A_85, %dma_wait3A_105] : memref<163840x128xi32, #tpu.memory_space<hbm>> -> memref<128x128xi32, #tpu.memory_space<hbm>>
        tpu.wait_dma2 semaphore(%run_scoped3A : memref<!tpu.dma_semaphore, #tpu.memory_space<semaphore_mem>>) src(%arg14 : memref<128x128xi32, #tpu.memory_space<vmem>>) dst(%dma_wait3A_106 : memref<128x128xi32, #tpu.memory_space<hbm>>)
        tpu.yield
      }) : () -> ()
      %dma_wait3A_86 = arith.constant 0 : i32
      %dma_wait3A_87 = tpu.memref_slice %arg10[%add3A_44, %dma_wait3A_86] : memref<40x128xi32, #tpu.memory_space<vmem>> -> memref<1x128xi32, #tpu.memory_space<vmem>>
      %dma_wait3A_88 = tpu.memref_squeeze %dma_wait3A_87 : memref<1x128xi32, #tpu.memory_space<vmem>> -> memref<128xi32, #tpu.memory_space<vmem>>
      %dma_wait3A_89 = arith.constant 0 : i32
      %dma_wait3A_90 = arith.constant 0 : i32
      %dma_wait3A_91 = tpu.memref_slice %arg2[%dma_wait3A_89, %dma_wait3A_90] : memref<10000x128xi32, #tpu.memory_space<hbm>> -> memref<10000x128xi32, #tpu.memory_space<hbm>>
      tpu.wait_indirect_dma semaphore(%arg20 : memref<!tpu.dma_semaphore, #tpu.memory_space<semaphore_mem>>) src(%dma_wait3A_91 : memref<10000x128xi32, #tpu.memory_space<hbm>>) dst(%arg15 : memref<128x128xi32, #tpu.memory_space<vmem>>)
      %mul3A_92 = arith.constant 2 : i32
      %mul3A_93 = arith.muli %mul3A_92, %scan3A_14 : i32
      %add3A_94 = arith.constant 1 : i32
      %add3A_95 = arith.addi %mul3A_93, %add3A_94 : i32
      %mul3A_96 = arith.constant 128 : i32
      %mul3A_97 = arith.muli %add3A_95, %mul3A_96 : i32
      %add3A_98 = arith.addi %mul3A_2, %mul3A_97 : i32
      "tpu.region"() ({
        %run_scoped3A = tpu.sem_alloc : memref<!tpu.dma_semaphore, #tpu.memory_space<semaphore_mem>>
        %dma_start3A_99 = arith.constant 0 : i32
        %dma_start3A_100 = tpu.memref_slice %arg7[%add3A_98, %dma_start3A_99] : memref<163840x128xi32, #tpu.memory_space<hbm>> -> memref<128x128xi32, #tpu.memory_space<hbm>>
        %dma_start3A_101 = arith.constant 0 : i32
        %dma_start3A_102 = tpu.memref_slice %arg7[%add3A_98, %dma_start3A_101] : memref<163840x128xi32, #tpu.memory_space<hbm>> -> memref<128x128xi32, #tpu.memory_space<hbm>>
        tpu.enqueue_dma source(%arg15 : memref<128x128xi32, #tpu.memory_space<vmem>>) target(%dma_start3A_102 : memref<128x128xi32, #tpu.memory_space<hbm>>) target_semaphore(%run_scoped3A : memref<!tpu.dma_semaphore, #tpu.memory_space<semaphore_mem>>)
        %dma_wait3A_103 = arith.constant 0 : i32
        %dma_wait3A_104 = tpu.memref_slice %arg7[%add3A_98, %dma_wait3A_103] : memref<163840x128xi32, #tpu.memory_space<hbm>> -> memref<128x128xi32, #tpu.memory_space<hbm>>
        %dma_wait3A_105 = arith.constant 0 : i32
        %dma_wait3A_106 = tpu.memref_slice %arg7[%add3A_98, %dma_wait3A_105] : memref<163840x128xi32, #tpu.memory_space<hbm>> -> memref<128x128xi32, #tpu.memory_space<hbm>>
        tpu.wait_dma2 semaphore(%run_scoped3A : memref<!tpu.dma_semaphore, #tpu.memory_space<semaphore_mem>>) src(%arg15 : memref<128x128xi32, #tpu.memory_space<vmem>>) dst(%dma_wait3A_106 : memref<128x128xi32, #tpu.memory_space<hbm>>)
        tpu.yield
      }) : () -> ()
    }
    %scan3A_13 = arith.constant 20 : i32
    return
  }
}

module attributes {stable_mosaic.version = 14 : i64} {
  func.func @_edge_body(%arg0: i32, %arg1: memref<640x128xi32, #tpu.memory_space<vmem>>, %arg2: memref<640x128xi32, #tpu.memory_space<vmem>>, %arg3: memref<640x256xf32, #tpu.memory_space<vmem>>, %arg4: memref<128x512xbf16, #tpu.memory_space<vmem>>, %arg5: memref<128x512xbf16, #tpu.memory_space<vmem>>, %arg6: memref<256x512xbf16, #tpu.memory_space<vmem>>, %arg7: memref<128x512xbf16, #tpu.memory_space<vmem>>, %arg8: memref<128x512xbf16, #tpu.memory_space<vmem>>, %arg9: memref<1x512xf32, #tpu.memory_space<vmem>>, %arg10: memref<512x256xbf16, #tpu.memory_space<vmem>>, %arg11: memref<1x256xf32, #tpu.memory_space<vmem>>, %arg12: memref<128x512xbf16, #tpu.memory_space<vmem>>, %arg13: memref<128x512xbf16, #tpu.memory_space<vmem>>, %arg14: memref<256x512xbf16, #tpu.memory_space<vmem>>, %arg15: memref<1x512xf32, #tpu.memory_space<vmem>>, %arg16: memref<512x512xbf16, #tpu.memory_space<vmem>>, %arg17: memref<1x512xf32, #tpu.memory_space<vmem>>, %arg18: memref<512x256xbf16, #tpu.memory_space<vmem>>, %arg19: memref<1x256xf32, #tpu.memory_space<vmem>>, %arg20: memref<128x256xbf16, #tpu.memory_space<vmem>>, %arg21: memref<128x256xbf16, #tpu.memory_space<vmem>>, %arg22: memref<1x256xf32, #tpu.memory_space<vmem>>, %arg23: memref<256x256xbf16, #tpu.memory_space<vmem>>, %arg24: memref<256x256xbf16, #tpu.memory_space<vmem>>, %arg25: memref<640x256xf32, #tpu.memory_space<vmem>>, %arg26: memref<640x256xf32, #tpu.memory_space<vmem>>, %arg27: memref<640x256xf32, #tpu.memory_space<vmem>>) attributes {dimension_semantics = [#tpu.dimension_semantics<arbitrary>], iteration_bounds = array<i64: 250>, scalar_prefetch = 0 : i64, scratch_operands = 0 : i64, tpu.core_type = #tpu.core_type<tc>, window_params = [{transform_indices = @transform_0, window_bounds = array<i64: 640, 128>}, {transform_indices = @transform_1, window_bounds = array<i64: 640, 128>}, {transform_indices = @transform_2, window_bounds = array<i64: 640, 256>}, {pipeline_mode = #tpu.pipeline_mode<synchronous>, transform_indices = @transform_3, window_bounds = array<i64: 128, 512>}, {pipeline_mode = #tpu.pipeline_mode<synchronous>, transform_indices = @transform_4, window_bounds = array<i64: 128, 512>}, {pipeline_mode = #tpu.pipeline_mode<synchronous>, transform_indices = @transform_5, window_bounds = array<i64: 256, 512>}, {pipeline_mode = #tpu.pipeline_mode<synchronous>, transform_indices = @transform_6, window_bounds = array<i64: 128, 512>}, {pipeline_mode = #tpu.pipeline_mode<synchronous>, transform_indices = @transform_7, window_bounds = array<i64: 128, 512>}, {pipeline_mode = #tpu.pipeline_mode<synchronous>, transform_indices = @transform_8, window_bounds = array<i64: 1, 512>}, {pipeline_mode = #tpu.pipeline_mode<synchronous>, transform_indices = @transform_9, window_bounds = array<i64: 512, 256>}, {pipeline_mode = #tpu.pipeline_mode<synchronous>, transform_indices = @transform_10, window_bounds = array<i64: 1, 256>}, {pipeline_mode = #tpu.pipeline_mode<synchronous>, transform_indices = @transform_11, window_bounds = array<i64: 128, 512>}, {pipeline_mode = #tpu.pipeline_mode<synchronous>, transform_indices = @transform_12, window_bounds = array<i64: 128, 512>}, {pipeline_mode = #tpu.pipeline_mode<synchronous>, transform_indices = @transform_13, window_bounds = array<i64: 256, 512>}, {pipeline_mode = #tpu.pipeline_mode<synchronous>, transform_indices = @transform_14, window_bounds = array<i64: 1, 512>}, {pipeline_mode = #tpu.pipeline_mode<synchronous>, transform_indices = @transform_15, window_bounds = array<i64: 512, 512>}, {pipeline_mode = #tpu.pipeline_mode<synchronous>, transform_indices = @transform_16, window_bounds = array<i64: 1, 512>}, {pipeline_mode = #tpu.pipeline_mode<synchronous>, transform_indices = @transform_17, window_bounds = array<i64: 512, 256>}, {pipeline_mode = #tpu.pipeline_mode<synchronous>, transform_indices = @transform_18, window_bounds = array<i64: 1, 256>}, {pipeline_mode = #tpu.pipeline_mode<synchronous>, transform_indices = @transform_19, window_bounds = array<i64: 128, 256>}, {pipeline_mode = #tpu.pipeline_mode<synchronous>, transform_indices = @transform_20, window_bounds = array<i64: 128, 256>}, {pipeline_mode = #tpu.pipeline_mode<synchronous>, transform_indices = @transform_21, window_bounds = array<i64: 1, 256>}, {pipeline_mode = #tpu.pipeline_mode<synchronous>, transform_indices = @transform_22, window_bounds = array<i64: 256, 256>}, {pipeline_mode = #tpu.pipeline_mode<synchronous>, transform_indices = @transform_23, window_bounds = array<i64: 256, 256>}, {transform_indices = @transform_24, window_bounds = array<i64: 640, 256>}, {transform_indices = @transform_25, window_bounds = array<i64: 640, 256>}, {transform_indices = @transform_26, window_bounds = array<i64: 640, 256>}]} {
    %get3A = arith.constant 0 : index
    %get3A_0 = arith.constant 0 : index
    %get3A_1 = vector.load %arg1[%get3A, %get3A_0] : memref<640x128xi32, #tpu.memory_space<vmem>>, vector<640x128xi32>
    %shift_left3A = arith.constant 16 : i32
    %shift_left3A_2 = vector.broadcast %shift_left3A : i32 to vector<640x128xi32>
    %shift_left3A_3 = arith.shli %get3A_1, %shift_left3A_2 : vector<640x128xi32>
    %bitcast_convert_type3A = tpu.bitcast %shift_left3A_3 : vector<640x128xi32> -> vector<640x128xf32>
    %convert_element_type3A = arith.truncf %bitcast_convert_type3A : vector<640x128xf32> to vector<640x128xbf16>
    %and3A = arith.constant -65536 : i32
    %and3A_4 = vector.broadcast %and3A : i32 to vector<640x128xi32>
    %and3A_5 = arith.andi %get3A_1, %and3A_4 : vector<640x128xi32>
    %bitcast_convert_type3A_6 = tpu.bitcast %and3A_5 : vector<640x128xi32> -> vector<640x128xf32>
    %convert_element_type3A_7 = arith.truncf %bitcast_convert_type3A_6 : vector<640x128xf32> to vector<640x128xbf16>
    %get3A_8 = arith.constant 0 : index
    %get3A_9 = arith.constant 0 : index
    %get3A_10 = vector.load %arg2[%get3A_8, %get3A_9] : memref<640x128xi32, #tpu.memory_space<vmem>>, vector<640x128xi32>
    %shift_left3A_11 = arith.constant 16 : i32
    %shift_left3A_12 = vector.broadcast %shift_left3A_11 : i32 to vector<640x128xi32>
    %shift_left3A_13 = arith.shli %get3A_10, %shift_left3A_12 : vector<640x128xi32>
    %bitcast_convert_type3A_14 = tpu.bitcast %shift_left3A_13 : vector<640x128xi32> -> vector<640x128xf32>
    %convert_element_type3A_15 = arith.truncf %bitcast_convert_type3A_14 : vector<640x128xf32> to vector<640x128xbf16>
    %and3A_16 = arith.constant -65536 : i32
    %and3A_17 = vector.broadcast %and3A_16 : i32 to vector<640x128xi32>
    %and3A_18 = arith.andi %get3A_10, %and3A_17 : vector<640x128xi32>
    %bitcast_convert_type3A_19 = tpu.bitcast %and3A_18 : vector<640x128xi32> -> vector<640x128xf32>
    %convert_element_type3A_20 = arith.truncf %bitcast_convert_type3A_19 : vector<640x128xf32> to vector<640x128xbf16>
    %get3A_21 = arith.constant 0 : index
    %get3A_22 = arith.constant 0 : index
    %get3A_23 = vector.load %arg3[%get3A_21, %get3A_22] : memref<640x256xf32, #tpu.memory_space<vmem>>, vector<640x256xf32>
    %convert_element_type3A_24 = arith.truncf %get3A_23 : vector<640x256xf32> to vector<640x256xbf16>
    %get3A_25 = arith.constant 0 : index
    %get3A_26 = arith.constant 0 : index
    %get3A_27 = vector.load %arg4[%get3A_25, %get3A_26] : memref<128x512xbf16, #tpu.memory_space<vmem>>, vector<128x512xbf16>
    %dot_general3A = arith.constant dense<0.000000e+00> : vector<640x512xf32>
    %dot_general3A_28 = tpu.matmul %convert_element_type3A, %get3A_27, %dot_general3A {dimension_numbers = #tpu.dot_dimension_numbers<[1], [0], [0], [1], [0, 0, 1, 1], [], []>, transpose_lhs_hint = false} : vector<640x128xbf16>, vector<128x512xbf16>, vector<640x512xf32> -> vector<640x512xf32>
    %get3A_29 = arith.constant 0 : index
    %get3A_30 = arith.constant 0 : index
    %get3A_31 = vector.load %arg5[%get3A_29, %get3A_30] : memref<128x512xbf16, #tpu.memory_space<vmem>>, vector<128x512xbf16>
    %dot_general3A_32 = arith.constant dense<0.000000e+00> : vector<640x512xf32>
    %dot_general3A_33 = tpu.matmul %convert_element_type3A_7, %get3A_31, %dot_general3A_32 {dimension_numbers = #tpu.dot_dimension_numbers<[1], [0], [0], [1], [0, 0, 1, 1], [], []>, transpose_lhs_hint = false} : vector<640x128xbf16>, vector<128x512xbf16>, vector<640x512xf32> -> vector<640x512xf32>
    %add3A = arith.addf %dot_general3A_28, %dot_general3A_33 : vector<640x512xf32>
    %get3A_34 = arith.constant 0 : index
    %get3A_35 = arith.constant 0 : index
    %get3A_36 = vector.load %arg6[%get3A_34, %get3A_35] : memref<256x512xbf16, #tpu.memory_space<vmem>>, vector<256x512xbf16>
    %dot_general3A_37 = arith.constant dense<0.000000e+00> : vector<640x512xf32>
    %dot_general3A_38 = tpu.matmul %convert_element_type3A_24, %get3A_36, %dot_general3A_37 {dimension_numbers = #tpu.dot_dimension_numbers<[1], [0], [0], [1], [0, 0, 1, 1], [], []>, transpose_lhs_hint = false} : vector<640x256xbf16>, vector<256x512xbf16>, vector<640x512xf32> -> vector<640x512xf32>
    %add3A_39 = arith.addf %add3A, %dot_general3A_38 : vector<640x512xf32>
    %get3A_40 = arith.constant 0 : index
    %get3A_41 = arith.constant 0 : index
    %get3A_42 = vector.load %arg7[%get3A_40, %get3A_41] : memref<128x512xbf16, #tpu.memory_space<vmem>>, vector<128x512xbf16>
    %dot_general3A_43 = arith.constant dense<0.000000e+00> : vector<640x512xf32>
    %dot_general3A_44 = tpu.matmul %convert_element_type3A_15, %get3A_42, %dot_general3A_43 {dimension_numbers = #tpu.dot_dimension_numbers<[1], [0], [0], [1], [0, 0, 1, 1], [], []>, transpose_lhs_hint = false} : vector<640x128xbf16>, vector<128x512xbf16>, vector<640x512xf32> -> vector<640x512xf32>
    %add3A_45 = arith.addf %add3A_39, %dot_general3A_44 : vector<640x512xf32>
    %get3A_46 = arith.constant 0 : index
    %get3A_47 = arith.constant 0 : index
    %get3A_48 = vector.load %arg8[%get3A_46, %get3A_47] : memref<128x512xbf16, #tpu.memory_space<vmem>>, vector<128x512xbf16>
    %dot_general3A_49 = arith.constant dense<0.000000e+00> : vector<640x512xf32>
    %dot_general3A_50 = tpu.matmul %convert_element_type3A_20, %get3A_48, %dot_general3A_49 {dimension_numbers = #tpu.dot_dimension_numbers<[1], [0], [0], [1], [0, 0, 1, 1], [], []>, transpose_lhs_hint = false} : vector<640x128xbf16>, vector<128x512xbf16>, vector<640x512xf32> -> vector<640x512xf32>
    %add3A_51 = arith.addf %add3A_45, %dot_general3A_50 : vector<640x512xf32>
    %get3A_52 = arith.constant 0 : index
    %get3A_53 = arith.constant 0 : index
    %get3A_54 = vector.load %arg9[%get3A_52, %get3A_53] : memref<1x512xf32, #tpu.memory_space<vmem>>, vector<1x512xf32>
    %add3A_55 = vector.broadcast %get3A_54 : vector<1x512xf32> to vector<640x512xf32>
    %add3A_56 = arith.addf %add3A_51, %add3A_55 : vector<640x512xf32>
    %max3A = arith.constant 0.000000e+00 : f32
    %max3A_57 = vector.broadcast %max3A : f32 to vector<640x512xf32>
    %max3A_58 = arith.maximumf %add3A_56, %max3A_57 : vector<640x512xf32>
    %get3A_59 = arith.constant 0 : index
    %get3A_60 = arith.constant 0 : index
    %get3A_61 = vector.load %arg10[%get3A_59, %get3A_60] : memref<512x256xbf16, #tpu.memory_space<vmem>>, vector<512x256xbf16>
    %convert_element_type3A_62 = arith.truncf %max3A_58 : vector<640x512xf32> to vector<640x512xbf16>
    %dot_general3A_63 = arith.constant dense<0.000000e+00> : vector<640x256xf32>
    %dot_general3A_64 = tpu.matmul %convert_element_type3A_62, %get3A_61, %dot_general3A_63 {dimension_numbers = #tpu.dot_dimension_numbers<[1], [0], [0], [1], [0, 0, 1, 1], [], []>, transpose_lhs_hint = false} : vector<640x512xbf16>, vector<512x256xbf16>, vector<640x256xf32> -> vector<640x256xf32>
    %get3A_65 = arith.constant 0 : index
    %get3A_66 = arith.constant 0 : index
    %get3A_67 = vector.load %arg11[%get3A_65, %get3A_66] : memref<1x256xf32, #tpu.memory_space<vmem>>, vector<1x256xf32>
    %add3A_68 = vector.broadcast %get3A_67 : vector<1x256xf32> to vector<640x256xf32>
    %add3A_69 = arith.addf %dot_general3A_64, %add3A_68 : vector<640x256xf32>
    %swap3A = arith.constant 0 : index
    %swap3A_70 = arith.constant 0 : index
    %swap3A_71 = vector.load %arg25[%swap3A, %swap3A_70] : memref<640x256xf32, #tpu.memory_space<vmem>>, vector<640x256xf32>
    tpu.vector_store %arg25[%swap3A, %swap3A_70], %add3A_69 {strides = array<i32>} : memref<640x256xf32, #tpu.memory_space<vmem>>, vector<640x256xf32>,
    %get3A_72 = arith.constant 0 : index
    %get3A_73 = arith.constant 0 : index
    %get3A_74 = vector.load %arg12[%get3A_72, %get3A_73] : memref<128x512xbf16, #tpu.memory_space<vmem>>, vector<128x512xbf16>
    %dot_general3A_75 = arith.constant dense<0.000000e+00> : vector<640x512xf32>
    %dot_general3A_76 = tpu.matmul %convert_element_type3A, %get3A_74, %dot_general3A_75 {dimension_numbers = #tpu.dot_dimension_numbers<[1], [0], [0], [1], [0, 0, 1, 1], [], []>, transpose_lhs_hint = false} : vector<640x128xbf16>, vector<128x512xbf16>, vector<640x512xf32> -> vector<640x512xf32>
    %get3A_77 = arith.constant 0 : index
    %get3A_78 = arith.constant 0 : index
    %get3A_79 = vector.load %arg13[%get3A_77, %get3A_78] : memref<128x512xbf16, #tpu.memory_space<vmem>>, vector<128x512xbf16>
    %dot_general3A_80 = arith.constant dense<0.000000e+00> : vector<640x512xf32>
    %dot_general3A_81 = tpu.matmul %convert_element_type3A_7, %get3A_79, %dot_general3A_80 {dimension_numbers = #tpu.dot_dimension_numbers<[1], [0], [0], [1], [0, 0, 1, 1], [], []>, transpose_lhs_hint = false} : vector<640x128xbf16>, vector<128x512xbf16>, vector<640x512xf32> -> vector<640x512xf32>
    %add3A_82 = arith.addf %dot_general3A_76, %dot_general3A_81 : vector<640x512xf32>
    %get3A_83 = arith.constant 0 : index
    %get3A_84 = arith.constant 0 : index
    %get3A_85 = vector.load %arg14[%get3A_83, %get3A_84] : memref<256x512xbf16, #tpu.memory_space<vmem>>, vector<256x512xbf16>
    %dot_general3A_86 = arith.constant dense<0.000000e+00> : vector<640x512xf32>
    %dot_general3A_87 = tpu.matmul %convert_element_type3A_24, %get3A_85, %dot_general3A_86 {dimension_numbers = #tpu.dot_dimension_numbers<[1], [0], [0], [1], [0, 0, 1, 1], [], []>, transpose_lhs_hint = false} : vector<640x256xbf16>, vector<256x512xbf16>, vector<640x512xf32> -> vector<640x512xf32>
    %add3A_88 = arith.addf %add3A_82, %dot_general3A_87 : vector<640x512xf32>
    %get3A_89 = arith.constant 0 : index
    %get3A_90 = arith.constant 0 : index
    %get3A_91 = vector.load %arg15[%get3A_89, %get3A_90] : memref<1x512xf32, #tpu.memory_space<vmem>>, vector<1x512xf32>
    %add3A_92 = vector.broadcast %get3A_91 : vector<1x512xf32> to vector<640x512xf32>
    %add3A_93 = arith.addf %add3A_88, %add3A_92 : vector<640x512xf32>
    %get3A_94 = arith.constant 0 : index
    %get3A_95 = arith.constant 0 : index
    %get3A_96 = vector.load %arg16[%get3A_94, %get3A_95] : memref<512x512xbf16, #tpu.memory_space<vmem>>, vector<512x512xbf16>
    %convert_element_type3A_97 = arith.truncf %add3A_93 : vector<640x512xf32> to vector<640x512xbf16>
    %dot_general3A_98 = arith.constant dense<0.000000e+00> : vector<640x512xf32>
    %dot_general3A_99 = tpu.matmul %convert_element_type3A_97, %get3A_96, %dot_general3A_98 {dimension_numbers = #tpu.dot_dimension_numbers<[1], [0], [0], [1], [0, 0, 1, 1], [], []>, transpose_lhs_hint = false} : vector<640x512xbf16>, vector<512x512xbf16>, vector<640x512xf32> -> vector<640x512xf32>
    %get3A_100 = arith.constant 0 : index
    %get3A_101 = arith.constant 0 : index
    %get3A_102 = vector.load %arg17[%get3A_100, %get3A_101] : memref<1x512xf32, #tpu.memory_space<vmem>>, vector<1x512xf32>
    %add3A_103 = vector.broadcast %get3A_102 : vector<1x512xf32> to vector<640x512xf32>
    %add3A_104 = arith.addf %dot_general3A_99, %add3A_103 : vector<640x512xf32>
    %max3A_105 = arith.constant 0.000000e+00 : f32
    %max3A_106 = vector.broadcast %max3A_105 : f32 to vector<640x512xf32>
    %max3A_107 = arith.maximumf %add3A_104, %max3A_106 : vector<640x512xf32>
    %get3A_108 = arith.constant 0 : index
    %get3A_109 = arith.constant 0 : index
    %get3A_110 = vector.load %arg18[%get3A_108, %get3A_109] : memref<512x256xbf16, #tpu.memory_space<vmem>>, vector<512x256xbf16>
    %convert_element_type3A_111 = arith.truncf %max3A_107 : vector<640x512xf32> to vector<640x512xbf16>
    %dot_general3A_112 = arith.constant dense<0.000000e+00> : vector<640x256xf32>
    %dot_general3A_113 = tpu.matmul %convert_element_type3A_111, %get3A_110, %dot_general3A_112 {dimension_numbers = #tpu.dot_dimension_numbers<[1], [0], [0], [1], [0, 0, 1, 1], [], []>, transpose_lhs_hint = false} : vector<640x512xbf16>, vector<512x256xbf16>, vector<640x256xf32> -> vector<640x256xf32>
    %get3A_114 = arith.constant 0 : index
    %get3A_115 = arith.constant 0 : index
    %get3A_116 = vector.load %arg19[%get3A_114, %get3A_115] : memref<1x256xf32, #tpu.memory_space<vmem>>, vector<1x256xf32>
    %add3A_117 = vector.broadcast %get3A_116 : vector<1x256xf32> to vector<640x256xf32>
    %add3A_118 = arith.addf %dot_general3A_113, %add3A_117 : vector<640x256xf32>
    %mul3A = arith.constant 0.176776692 : f32
    %mul3A_119 = vector.broadcast %mul3A : f32 to vector<640x256xf32>
    %mul3A_120 = arith.mulf %add3A_118, %mul3A_119 : vector<640x256xf32>
    %reduce_max3A = arith.constant dense<0xFF800000> : vector<640xf32>
    %reduce_max3A_121 = vector.multi_reduction <maximumf>, %mul3A_120, %reduce_max3A [1] : vector<640x256xf32> to vector<640xf32>
    %broadcast_in_dim3A = vector.shape_cast %reduce_max3A_121 : vector<640xf32> to vector<640x1xf32>
    %sub3A = vector.broadcast %broadcast_in_dim3A : vector<640x1xf32> to vector<640x256xf32>
    %sub3A_122 = arith.subf %mul3A_120, %sub3A : vector<640x256xf32>
    %exp3A = math.exp %sub3A_122 : vector<640x256xf32>
    %get3A_123 = arith.constant 0 : index
    %get3A_124 = arith.constant 0 : index
    %get3A_125 = vector.load %arg23[%get3A_123, %get3A_124] : memref<256x256xbf16, #tpu.memory_space<vmem>>, vector<256x256xbf16>
    %convert_element_type3A_126 = arith.truncf %exp3A : vector<640x256xf32> to vector<640x256xbf16>
    %dot_general3A_127 = arith.constant dense<0.000000e+00> : vector<640x256xf32>
    %dot_general3A_128 = tpu.matmul %convert_element_type3A_126, %get3A_125, %dot_general3A_127 {dimension_numbers = #tpu.dot_dimension_numbers<[1], [0], [0], [1], [0, 0, 1, 1], [], []>, transpose_lhs_hint = false} : vector<640x256xbf16>, vector<256x256xbf16>, vector<640x256xf32> -> vector<640x256xf32>
    %get3A_129 = arith.constant 0 : index
    %get3A_130 = arith.constant 0 : index
    %get3A_131 = vector.load %arg24[%get3A_129, %get3A_130] : memref<256x256xbf16, #tpu.memory_space<vmem>>, vector<256x256xbf16>
    %convert_element_type3A_132 = arith.truncf %exp3A : vector<640x256xf32> to vector<640x256xbf16>
    %dot_general3A_133 = arith.constant dense<0.000000e+00> : vector<640x256xf32>
    %dot_general3A_134 = tpu.matmul %convert_element_type3A_132, %get3A_131, %dot_general3A_133 {dimension_numbers = #tpu.dot_dimension_numbers<[1], [0], [0], [1], [0, 0, 1, 1], [], []>, transpose_lhs_hint = false} : vector<640x256xbf16>, vector<256x256xbf16>, vector<640x256xf32> -> vector<640x256xf32>
    %div3A = arith.divf %dot_general3A_128, %dot_general3A_134 : vector<640x256xf32>
    %swap3A_135 = arith.constant 0 : index
    %swap3A_136 = arith.constant 0 : index
    %swap3A_137 = vector.load %arg26[%swap3A_135, %swap3A_136] : memref<640x256xf32, #tpu.memory_space<vmem>>, vector<640x256xf32>
    tpu.vector_store %arg26[%swap3A_135, %swap3A_136], %div3A {strides = array<i32>} : memref<640x256xf32, #tpu.memory_space<vmem>>, vector<640x256xf32>,
    %get3A_138 = arith.constant 0 : index
    %get3A_139 = arith.constant 0 : index
    %get3A_140 = vector.load %arg20[%get3A_138, %get3A_139] : memref<128x256xbf16, #tpu.memory_space<vmem>>, vector<128x256xbf16>
    %dot_general3A_141 = arith.constant dense<0.000000e+00> : vector<640x256xf32>
    %dot_general3A_142 = tpu.matmul %convert_element_type3A_15, %get3A_140, %dot_general3A_141 {dimension_numbers = #tpu.dot_dimension_numbers<[1], [0], [0], [1], [0, 0, 1, 1], [], []>, transpose_lhs_hint = false} : vector<640x128xbf16>, vector<128x256xbf16>, vector<640x256xf32> -> vector<640x256xf32>
    %get3A_143 = arith.constant 0 : index
    %get3A_144 = arith.constant 0 : index
    %get3A_145 = vector.load %arg21[%get3A_143, %get3A_144] : memref<128x256xbf16, #tpu.memory_space<vmem>>, vector<128x256xbf16>
    %dot_general3A_146 = arith.constant dense<0.000000e+00> : vector<640x256xf32>
    %dot_general3A_147 = tpu.matmul %convert_element_type3A_20, %get3A_145, %dot_general3A_146 {dimension_numbers = #tpu.dot_dimension_numbers<[1], [0], [0], [1], [0, 0, 1, 1], [], []>, transpose_lhs_hint = false} : vector<640x128xbf16>, vector<128x256xbf16>, vector<640x256xf32> -> vector<640x256xf32>
    %add3A_148 = arith.addf %dot_general3A_142, %dot_general3A_147 : vector<640x256xf32>
    %get3A_149 = arith.constant 0 : index
    %get3A_150 = arith.constant 0 : index
    %get3A_151 = vector.load %arg22[%get3A_149, %get3A_150] : memref<1x256xf32, #tpu.memory_space<vmem>>, vector<1x256xf32>
    %add3A_152 = vector.broadcast %get3A_151 : vector<1x256xf32> to vector<640x256xf32>
    %add3A_153 = arith.addf %add3A_148, %add3A_152 : vector<640x256xf32>
    %mul3A_154 = arith.mulf %div3A, %add3A_153 : vector<640x256xf32>
    %swap3A_155 = arith.constant 0 : index
    %swap3A_156 = arith.constant 0 : index
    %swap3A_157 = vector.load %arg27[%swap3A_155, %swap3A_156] : memref<640x256xf32, #tpu.memory_space<vmem>>, vector<640x256xf32>
    tpu.vector_store %arg27[%swap3A_155, %swap3A_156], %mul3A_154 {strides = array<i32>} : memref<640x256xf32, #tpu.memory_space<vmem>>, vector<640x256xf32>,
    return
  }
  func.func @transform_0(%arg0: i32) -> (i32, i32) {
    %c0_i32 = arith.constant 0 : i32
    %c0_i32_0 = arith.constant 0 : i32
    return %arg0, %c0_i32 : i32, i32
  }
  func.func @transform_1(%arg0: i32) -> (i32, i32) {
    %c0_i32 = arith.constant 0 : i32
    %c0_i32_0 = arith.constant 0 : i32
    return %arg0, %c0_i32 : i32, i32
  }
  func.func @transform_2(%arg0: i32) -> (i32, i32) {
    %c0_i32 = arith.constant 0 : i32
    %c0_i32_0 = arith.constant 0 : i32
    return %arg0, %c0_i32 : i32, i32
  }
  func.func @transform_3(%arg0: i32) -> (i32, i32) {
    %c0_i32 = arith.constant 0 : i32
    %c0_i32_0 = arith.constant 0 : i32
    %c0_i32_1 = arith.constant 0 : i32
    return %c0_i32, %c0_i32_0 : i32, i32
  }
  func.func @transform_4(%arg0: i32) -> (i32, i32) {
    %c0_i32 = arith.constant 0 : i32
    %c0_i32_0 = arith.constant 0 : i32
    %c0_i32_1 = arith.constant 0 : i32
    return %c0_i32, %c0_i32_0 : i32, i32
  }
  func.func @transform_5(%arg0: i32) -> (i32, i32) {
    %c0_i32 = arith.constant 0 : i32
    %c0_i32_0 = arith.constant 0 : i32
    %c0_i32_1 = arith.constant 0 : i32
    return %c0_i32, %c0_i32_0 : i32, i32
  }
  func.func @transform_6(%arg0: i32) -> (i32, i32) {
    %c0_i32 = arith.constant 0 : i32
    %c0_i32_0 = arith.constant 0 : i32
    %c0_i32_1 = arith.constant 0 : i32
    return %c0_i32, %c0_i32_0 : i32, i32
  }
  func.func @transform_7(%arg0: i32) -> (i32, i32) {
    %c0_i32 = arith.constant 0 : i32
    %c0_i32_0 = arith.constant 0 : i32
    %c0_i32_1 = arith.constant 0 : i32
    return %c0_i32, %c0_i32_0 : i32, i32
  }
  func.func @transform_8(%arg0: i32) -> (i32, i32) {
    %c0_i32 = arith.constant 0 : i32
    %c0_i32_0 = arith.constant 0 : i32
    %c0_i32_1 = arith.constant 0 : i32
    return %c0_i32, %c0_i32_0 : i32, i32
  }
  func.func @transform_9(%arg0: i32) -> (i32, i32) {
    %c0_i32 = arith.constant 0 : i32
    %c0_i32_0 = arith.constant 0 : i32
    %c0_i32_1 = arith.constant 0 : i32
    return %c0_i32, %c0_i32_0 : i32, i32
  }
  func.func @transform_10(%arg0: i32) -> (i32, i32) {
    %c0_i32 = arith.constant 0 : i32
    %c0_i32_0 = arith.constant 0 : i32
    %c0_i32_1 = arith.constant 0 : i32
    return %c0_i32, %c0_i32_0 : i32, i32
  }
  func.func @transform_11(%arg0: i32) -> (i32, i32) {
    %c0_i32 = arith.constant 0 : i32
    %c0_i32_0 = arith.constant 0 : i32
    %c0_i32_1 = arith.constant 0 : i32
    return %c0_i32, %c0_i32_0 : i32, i32
  }
  func.func @transform_12(%arg0: i32) -> (i32, i32) {
    %c0_i32 = arith.constant 0 : i32
    %c0_i32_0 = arith.constant 0 : i32
    %c0_i32_1 = arith.constant 0 : i32
    return %c0_i32, %c0_i32_0 : i32, i32
  }
  func.func @transform_13(%arg0: i32) -> (i32, i32) {
    %c0_i32 = arith.constant 0 : i32
    %c0_i32_0 = arith.constant 0 : i32
    %c0_i32_1 = arith.constant 0 : i32
    return %c0_i32, %c0_i32_0 : i32, i32
  }
  func.func @transform_14(%arg0: i32) -> (i32, i32) {
    %c0_i32 = arith.constant 0 : i32
    %c0_i32_0 = arith.constant 0 : i32
    %c0_i32_1 = arith.constant 0 : i32
    return %c0_i32, %c0_i32_0 : i32, i32
  }
  func.func @transform_15(%arg0: i32) -> (i32, i32) {
    %c0_i32 = arith.constant 0 : i32
    %c0_i32_0 = arith.constant 0 : i32
    %c0_i32_1 = arith.constant 0 : i32
    return %c0_i32, %c0_i32_0 : i32, i32
  }
  func.func @transform_16(%arg0: i32) -> (i32, i32) {
    %c0_i32 = arith.constant 0 : i32
    %c0_i32_0 = arith.constant 0 : i32
    %c0_i32_1 = arith.constant 0 : i32
    return %c0_i32, %c0_i32_0 : i32, i32
  }
  func.func @transform_17(%arg0: i32) -> (i32, i32) {
    %c0_i32 = arith.constant 0 : i32
    %c0_i32_0 = arith.constant 0 : i32
    %c0_i32_1 = arith.constant 0 : i32
    return %c0_i32, %c0_i32_0 : i32, i32
  }
  func.func @transform_18(%arg0: i32) -> (i32, i32) {
    %c0_i32 = arith.constant 0 : i32
    %c0_i32_0 = arith.constant 0 : i32
    %c0_i32_1 = arith.constant 0 : i32
    return %c0_i32, %c0_i32_0 : i32, i32
  }
  func.func @transform_19(%arg0: i32) -> (i32, i32) {
    %c0_i32 = arith.constant 0 : i32
    %c0_i32_0 = arith.constant 0 : i32
    %c0_i32_1 = arith.constant 0 : i32
    return %c0_i32, %c0_i32_0 : i32, i32
  }
  func.func @transform_20(%arg0: i32) -> (i32, i32) {
    %c0_i32 = arith.constant 0 : i32
    %c0_i32_0 = arith.constant 0 : i32
    %c0_i32_1 = arith.constant 0 : i32
    return %c0_i32, %c0_i32_0 : i32, i32
  }
  func.func @transform_21(%arg0: i32) -> (i32, i32) {
    %c0_i32 = arith.constant 0 : i32
    %c0_i32_0 = arith.constant 0 : i32
    %c0_i32_1 = arith.constant 0 : i32
    return %c0_i32, %c0_i32_0 : i32, i32
  }
  func.func @transform_22(%arg0: i32) -> (i32, i32) {
    %c0_i32 = arith.constant 0 : i32
    %c0_i32_0 = arith.constant 0 : i32
    %c0_i32_1 = arith.constant 0 : i32
    return %c0_i32, %c0_i32_0 : i32, i32
  }
  func.func @transform_23(%arg0: i32) -> (i32, i32) {
    %c0_i32 = arith.constant 0 : i32
    %c0_i32_0 = arith.constant 0 : i32
    %c0_i32_1 = arith.constant 0 : i32
    return %c0_i32, %c0_i32_0 : i32, i32
  }
  func.func @transform_24(%arg0: i32) -> (i32, i32) {
    %c0_i32 = arith.constant 0 : i32
    %c0_i32_0 = arith.constant 0 : i32
    return %arg0, %c0_i32 : i32, i32
  }
  func.func @transform_25(%arg0: i32) -> (i32, i32) {
    %c0_i32 = arith.constant 0 : i32
    %c0_i32_0 = arith.constant 0 : i32
    return %arg0, %c0_i32 : i32, i32
  }
  func.func @transform_26(%arg0: i32) -> (i32, i32) {
    %c0_i32 = arith.constant 0 : i32
    %c0_i32_0 = arith.constant 0 : i32
    return %arg0, %c0_i32 : i32, i32
  }
}

module attributes {stable_mosaic.version = 14 : i64} {
  func.func @_mv_body(%arg0: memref<1024x128xi32, #tpu.memory_space<vmem>>, %arg1: memref<1024x1xi32, #tpu.memory_space<vmem>>, %arg2: memref<128x256xf32, #tpu.memory_space<vmem>>, %arg3: memref<128x256xf32, #tpu.memory_space<vmem>>, %arg4: memref<128x256xf32, #tpu.memory_space<vmem>>, %arg5: memref<1x256xf32, #tpu.memory_space<vmem>>, %arg6: memref<256x256xf32, #tpu.memory_space<vmem>>, %arg7: memref<1x256xf32, #tpu.memory_space<vmem>>, %arg8: memref<256x256xf32, #tpu.memory_space<vmem>>, %arg9: memref<1x256xf32, #tpu.memory_space<vmem>>, %arg10: memref<1024x256xf32, #tpu.memory_space<vmem>>) attributes {dimension_semantics = [], scalar_prefetch = 0 : i64, scratch_operands = 0 : i64, tpu.core_type = #tpu.core_type<tc>} {
    %get3A = arith.constant 0 : index
    %get3A_0 = arith.constant 0 : index
    %get3A_1 = vector.load %arg1[%get3A, %get3A_0] : memref<1024x1xi32, #tpu.memory_space<vmem>>, vector<1024x1xi32>
    %iota3A = tpu.iota {dimensions = array<i32: 1>} : vector<1024x128xi32>
    %eq3A = vector.broadcast %get3A_1 : vector<1024x1xi32> to vector<1024x128xi32>
    %eq3A_2 = arith.cmpi eq, %iota3A, %eq3A : vector<1024x128xi32>
    %convert_element_type3A = arith.extui %eq3A_2 : vector<1024x128xi1> to vector<1024x128xi32>
    %convert_element_type3A_3 = arith.sitofp %convert_element_type3A : vector<1024x128xi32> to vector<1024x128xf32>
    %get3A_4 = arith.constant 0 : index
    %get3A_5 = arith.constant 0 : index
    %get3A_6 = vector.load %arg2[%get3A_4, %get3A_5] : memref<128x256xf32, #tpu.memory_space<vmem>>, vector<128x256xf32>
    %dot_general3A = arith.constant dense<0.000000e+00> : vector<1024x256xf32>
    %dot_general3A_7 = tpu.matmul %convert_element_type3A_3, %get3A_6, %dot_general3A {dimension_numbers = #tpu.dot_dimension_numbers<[1], [0], [0], [1], [0, 0, 1, 1], [], []>, transpose_lhs_hint = false} : vector<1024x128xf32>, vector<128x256xf32>, vector<1024x256xf32> -> vector<1024x256xf32>
    %get3A_8 = arith.constant 0 : index
    %get3A_9 = arith.constant 0 : index
    %get3A_10 = vector.load %arg0[%get3A_8, %get3A_9] : memref<1024x128xi32, #tpu.memory_space<vmem>>, vector<1024x128xi32>
    %shift_left3A = arith.constant 16 : i32
    %shift_left3A_11 = vector.broadcast %shift_left3A : i32 to vector<1024x128xi32>
    %shift_left3A_12 = arith.shli %get3A_10, %shift_left3A_11 : vector<1024x128xi32>
    %bitcast_convert_type3A = tpu.bitcast %shift_left3A_12 : vector<1024x128xi32> -> vector<1024x128xf32>
    %convert_element_type3A_13 = arith.truncf %bitcast_convert_type3A : vector<1024x128xf32> to vector<1024x128xbf16>
    %and3A = arith.constant -65536 : i32
    %and3A_14 = vector.broadcast %and3A : i32 to vector<1024x128xi32>
    %and3A_15 = arith.andi %get3A_10, %and3A_14 : vector<1024x128xi32>
    %bitcast_convert_type3A_16 = tpu.bitcast %and3A_15 : vector<1024x128xi32> -> vector<1024x128xf32>
    %convert_element_type3A_17 = arith.truncf %bitcast_convert_type3A_16 : vector<1024x128xf32> to vector<1024x128xbf16>
    %convert_element_type3A_18 = arith.extf %convert_element_type3A_13 : vector<1024x128xbf16> to vector<1024x128xf32>
    %get3A_19 = arith.constant 0 : index
    %get3A_20 = arith.constant 0 : index
    %get3A_21 = vector.load %arg3[%get3A_19, %get3A_20] : memref<128x256xf32, #tpu.memory_space<vmem>>, vector<128x256xf32>
    %dot_general3A_22 = arith.constant dense<0.000000e+00> : vector<1024x256xf32>
    %dot_general3A_23 = tpu.matmul %convert_element_type3A_18, %get3A_21, %dot_general3A_22 {dimension_numbers = #tpu.dot_dimension_numbers<[1], [0], [0], [1], [0, 0, 1, 1], [], []>, transpose_lhs_hint = false} : vector<1024x128xf32>, vector<128x256xf32>, vector<1024x256xf32> -> vector<1024x256xf32>
    %convert_element_type3A_24 = arith.extf %convert_element_type3A_17 : vector<1024x128xbf16> to vector<1024x128xf32>
    %get3A_25 = arith.constant 0 : index
    %get3A_26 = arith.constant 0 : index
    %get3A_27 = vector.load %arg4[%get3A_25, %get3A_26] : memref<128x256xf32, #tpu.memory_space<vmem>>, vector<128x256xf32>
    %dot_general3A_28 = arith.constant dense<0.000000e+00> : vector<1024x256xf32>
    %dot_general3A_29 = tpu.matmul %convert_element_type3A_24, %get3A_27, %dot_general3A_28 {dimension_numbers = #tpu.dot_dimension_numbers<[1], [0], [0], [1], [0, 0, 1, 1], [], []>, transpose_lhs_hint = false} : vector<1024x128xf32>, vector<128x256xf32>, vector<1024x256xf32> -> vector<1024x256xf32>
    %add3A = arith.addf %dot_general3A_23, %dot_general3A_29 : vector<1024x256xf32>
    %get3A_30 = arith.constant 0 : index
    %get3A_31 = arith.constant 0 : index
    %get3A_32 = vector.load %arg5[%get3A_30, %get3A_31] : memref<1x256xf32, #tpu.memory_space<vmem>>, vector<1x256xf32>
    %add3A_33 = vector.broadcast %get3A_32 : vector<1x256xf32> to vector<1024x256xf32>
    %add3A_34 = arith.addf %add3A, %add3A_33 : vector<1024x256xf32>
    %get3A_35 = arith.constant 0 : index
    %get3A_36 = arith.constant 0 : index
    %get3A_37 = vector.load %arg6[%get3A_35, %get3A_36] : memref<256x256xf32, #tpu.memory_space<vmem>>, vector<256x256xf32>
    %dot_general3A_38 = arith.constant dense<0.000000e+00> : vector<1024x256xf32>
    %dot_general3A_39 = tpu.matmul %dot_general3A_7, %get3A_37, %dot_general3A_38 {dimension_numbers = #tpu.dot_dimension_numbers<[1], [0], [0], [1], [0, 0, 1, 1], [], []>, transpose_lhs_hint = false} : vector<1024x256xf32>, vector<256x256xf32>, vector<1024x256xf32> -> vector<1024x256xf32>
    %get3A_40 = arith.constant 0 : index
    %get3A_41 = arith.constant 0 : index
    %get3A_42 = vector.load %arg7[%get3A_40, %get3A_41] : memref<1x256xf32, #tpu.memory_space<vmem>>, vector<1x256xf32>
    %add3A_43 = vector.broadcast %get3A_42 : vector<1x256xf32> to vector<1024x256xf32>
    %add3A_44 = arith.addf %dot_general3A_39, %add3A_43 : vector<1024x256xf32>
    %get3A_45 = arith.constant 0 : index
    %get3A_46 = arith.constant 0 : index
    %get3A_47 = vector.load %arg8[%get3A_45, %get3A_46] : memref<256x256xf32, #tpu.memory_space<vmem>>, vector<256x256xf32>
    %dot_general3A_48 = arith.constant dense<0.000000e+00> : vector<1024x256xf32>
    %dot_general3A_49 = tpu.matmul %dot_general3A_7, %get3A_47, %dot_general3A_48 {dimension_numbers = #tpu.dot_dimension_numbers<[1], [0], [0], [1], [0, 0, 1, 1], [], []>, transpose_lhs_hint = false} : vector<1024x256xf32>, vector<256x256xf32>, vector<1024x256xf32> -> vector<1024x256xf32>
    %get3A_50 = arith.constant 0 : index
    %get3A_51 = arith.constant 0 : index
    %get3A_52 = vector.load %arg9[%get3A_50, %get3A_51] : memref<1x256xf32, #tpu.memory_space<vmem>>, vector<1x256xf32>
    %add3A_53 = vector.broadcast %get3A_52 : vector<1x256xf32> to vector<1024x256xf32>
    %add3A_54 = arith.addf %dot_general3A_49, %add3A_53 : vector<1024x256xf32>
    %slice3A = vector.extract_strided_slice %add3A_34 {offsets = [0, 0], sizes = [1024, 32], strides = [1, 1]} : vector<1024x256xf32> to vector<1024x32xf32>
    %slice3A_55 = vector.extract_strided_slice %add3A_44 {offsets = [0, 0], sizes = [1024, 32], strides = [1, 1]} : vector<1024x256xf32> to vector<1024x32xf32>
    %slice3A_56 = vector.extract_strided_slice %add3A_54 {offsets = [0, 0], sizes = [1024, 32], strides = [1, 1]} : vector<1024x256xf32> to vector<1024x32xf32>
    %dot_general3A_57 = arith.constant dense<0.000000e+00> : vector<1024x1024xf32>
    %dot_general3A_58 = tpu.matmul %slice3A, %slice3A_55, %dot_general3A_57 {dimension_numbers = #tpu.dot_dimension_numbers<[1], [1], [0], [0], [0, 0, 1, 0], [], []>, transpose_lhs_hint = false} : vector<1024x32xf32>, vector<1024x32xf32>, vector<1024x1024xf32> -> vector<1024x1024xf32>
    %mul3A = arith.constant 6.250000e-02 : f32
    %mul3A_59 = vector.broadcast %mul3A : f32 to vector<1024x1024xf32>
    %mul3A_60 = arith.mulf %dot_general3A_58, %mul3A_59 : vector<1024x1024xf32>
    %reduce_max3A = arith.constant dense<0xFF800000> : vector<1024xf32>
    %reduce_max3A_61 = vector.multi_reduction <maximumf>, %mul3A_60, %reduce_max3A [1] : vector<1024x1024xf32> to vector<1024xf32>
    %broadcast_in_dim3A = vector.shape_cast %reduce_max3A_61 : vector<1024xf32> to vector<1024x1xf32>
    %sub3A = vector.broadcast %broadcast_in_dim3A : vector<1024x1xf32> to vector<1024x1024xf32>
    %sub3A_62 = arith.subf %mul3A_60, %sub3A : vector<1024x1024xf32>
    %exp3A = math.exp %sub3A_62 : vector<1024x1024xf32>
    %reduce_sum3A = arith.constant dense<0.000000e+00> : vector<1024xf32>
    %reduce_sum3A_63 = vector.multi_reduction <add>, %exp3A, %reduce_sum3A [1] : vector<1024x1024xf32> to vector<1024xf32>
    %broadcast_in_dim3A_64 = vector.shape_cast %reduce_sum3A_63 : vector<1024xf32> to vector<1024x1xf32>
    %div3A = vector.broadcast %broadcast_in_dim3A_64 : vector<1024x1xf32> to vector<1024x1024xf32>
    %div3A_65 = arith.divf %exp3A, %div3A : vector<1024x1024xf32>
    %dot_general3A_66 = arith.constant dense<0.000000e+00> : vector<1024x32xf32>
    %dot_general3A_67 = tpu.matmul %div3A_65, %slice3A_56, %dot_general3A_66 {dimension_numbers = #tpu.dot_dimension_numbers<[1], [0], [0], [1], [0, 0, 1, 1], [], []>, transpose_lhs_hint = false} : vector<1024x1024xf32>, vector<1024x32xf32>, vector<1024x32xf32> -> vector<1024x32xf32>
    %slice3A_68 = vector.extract_strided_slice %add3A_34 {offsets = [0, 32], sizes = [1024, 32], strides = [1, 1]} : vector<1024x256xf32> to vector<1024x32xf32>
    %slice3A_69 = vector.extract_strided_slice %add3A_44 {offsets = [0, 32], sizes = [1024, 32], strides = [1, 1]} : vector<1024x256xf32> to vector<1024x32xf32>
    %slice3A_70 = vector.extract_strided_slice %add3A_54 {offsets = [0, 32], sizes = [1024, 32], strides = [1, 1]} : vector<1024x256xf32> to vector<1024x32xf32>
    %dot_general3A_71 = arith.constant dense<0.000000e+00> : vector<1024x1024xf32>
    %dot_general3A_72 = tpu.matmul %slice3A_68, %slice3A_69, %dot_general3A_71 {dimension_numbers = #tpu.dot_dimension_numbers<[1], [1], [0], [0], [0, 0, 1, 0], [], []>, transpose_lhs_hint = false} : vector<1024x32xf32>, vector<1024x32xf32>, vector<1024x1024xf32> -> vector<1024x1024xf32>
    %mul3A_73 = arith.constant 6.250000e-02 : f32
    %mul3A_74 = vector.broadcast %mul3A_73 : f32 to vector<1024x1024xf32>
    %mul3A_75 = arith.mulf %dot_general3A_72, %mul3A_74 : vector<1024x1024xf32>
    %reduce_max3A_76 = arith.constant dense<0xFF800000> : vector<1024xf32>
    %reduce_max3A_77 = vector.multi_reduction <maximumf>, %mul3A_75, %reduce_max3A_76 [1] : vector<1024x1024xf32> to vector<1024xf32>
    %broadcast_in_dim3A_78 = vector.shape_cast %reduce_max3A_77 : vector<1024xf32> to vector<1024x1xf32>
    %sub3A_79 = vector.broadcast %broadcast_in_dim3A_78 : vector<1024x1xf32> to vector<1024x1024xf32>
    %sub3A_80 = arith.subf %mul3A_75, %sub3A_79 : vector<1024x1024xf32>
    %exp3A_81 = math.exp %sub3A_80 : vector<1024x1024xf32>
    %reduce_sum3A_82 = arith.constant dense<0.000000e+00> : vector<1024xf32>
    %reduce_sum3A_83 = vector.multi_reduction <add>, %exp3A_81, %reduce_sum3A_82 [1] : vector<1024x1024xf32> to vector<1024xf32>
    %broadcast_in_dim3A_84 = vector.shape_cast %reduce_sum3A_83 : vector<1024xf32> to vector<1024x1xf32>
    %div3A_85 = vector.broadcast %broadcast_in_dim3A_84 : vector<1024x1xf32> to vector<1024x1024xf32>
    %div3A_86 = arith.divf %exp3A_81, %div3A_85 : vector<1024x1024xf32>
    %dot_general3A_87 = arith.constant dense<0.000000e+00> : vector<1024x32xf32>
    %dot_general3A_88 = tpu.matmul %div3A_86, %slice3A_70, %dot_general3A_87 {dimension_numbers = #tpu.dot_dimension_numbers<[1], [0], [0], [1], [0, 0, 1, 1], [], []>, transpose_lhs_hint = false} : vector<1024x1024xf32>, vector<1024x32xf32>, vector<1024x32xf32> -> vector<1024x32xf32>
    %slice3A_89 = vector.extract_strided_slice %add3A_34 {offsets = [0, 64], sizes = [1024, 32], strides = [1, 1]} : vector<1024x256xf32> to vector<1024x32xf32>
    %slice3A_90 = vector.extract_strided_slice %add3A_44 {offsets = [0, 64], sizes = [1024, 32], strides = [1, 1]} : vector<1024x256xf32> to vector<1024x32xf32>
    %slice3A_91 = vector.extract_strided_slice %add3A_54 {offsets = [0, 64], sizes = [1024, 32], strides = [1, 1]} : vector<1024x256xf32> to vector<1024x32xf32>
    %dot_general3A_92 = arith.constant dense<0.000000e+00> : vector<1024x1024xf32>
    %dot_general3A_93 = tpu.matmul %slice3A_89, %slice3A_90, %dot_general3A_92 {dimension_numbers = #tpu.dot_dimension_numbers<[1], [1], [0], [0], [0, 0, 1, 0], [], []>, transpose_lhs_hint = false} : vector<1024x32xf32>, vector<1024x32xf32>, vector<1024x1024xf32> -> vector<1024x1024xf32>
    %mul3A_94 = arith.constant 6.250000e-02 : f32
    %mul3A_95 = vector.broadcast %mul3A_94 : f32 to vector<1024x1024xf32>
    %mul3A_96 = arith.mulf %dot_general3A_93, %mul3A_95 : vector<1024x1024xf32>
    %reduce_max3A_97 = arith.constant dense<0xFF800000> : vector<1024xf32>
    %reduce_max3A_98 = vector.multi_reduction <maximumf>, %mul3A_96, %reduce_max3A_97 [1] : vector<1024x1024xf32> to vector<1024xf32>
    %broadcast_in_dim3A_99 = vector.shape_cast %reduce_max3A_98 : vector<1024xf32> to vector<1024x1xf32>
    %sub3A_100 = vector.broadcast %broadcast_in_dim3A_99 : vector<1024x1xf32> to vector<1024x1024xf32>
    %sub3A_101 = arith.subf %mul3A_96, %sub3A_100 : vector<1024x1024xf32>
    %exp3A_102 = math.exp %sub3A_101 : vector<1024x1024xf32>
    %reduce_sum3A_103 = arith.constant dense<0.000000e+00> : vector<1024xf32>
    %reduce_sum3A_104 = vector.multi_reduction <add>, %exp3A_102, %reduce_sum3A_103 [1] : vector<1024x1024xf32> to vector<1024xf32>
    %broadcast_in_dim3A_105 = vector.shape_cast %reduce_sum3A_104 : vector<1024xf32> to vector<1024x1xf32>
    %div3A_106 = vector.broadcast %broadcast_in_dim3A_105 : vector<1024x1xf32> to vector<1024x1024xf32>
    %div3A_107 = arith.divf %exp3A_102, %div3A_106 : vector<1024x1024xf32>
    %dot_general3A_108 = arith.constant dense<0.000000e+00> : vector<1024x32xf32>
    %dot_general3A_109 = tpu.matmul %div3A_107, %slice3A_91, %dot_general3A_108 {dimension_numbers = #tpu.dot_dimension_numbers<[1], [0], [0], [1], [0, 0, 1, 1], [], []>, transpose_lhs_hint = false} : vector<1024x1024xf32>, vector<1024x32xf32>, vector<1024x32xf32> -> vector<1024x32xf32>
    %slice3A_110 = vector.extract_strided_slice %add3A_34 {offsets = [0, 96], sizes = [1024, 32], strides = [1, 1]} : vector<1024x256xf32> to vector<1024x32xf32>
    %slice3A_111 = vector.extract_strided_slice %add3A_44 {offsets = [0, 96], sizes = [1024, 32], strides = [1, 1]} : vector<1024x256xf32> to vector<1024x32xf32>
    %slice3A_112 = vector.extract_strided_slice %add3A_54 {offsets = [0, 96], sizes = [1024, 32], strides = [1, 1]} : vector<1024x256xf32> to vector<1024x32xf32>
    %dot_general3A_113 = arith.constant dense<0.000000e+00> : vector<1024x1024xf32>
    %dot_general3A_114 = tpu.matmul %slice3A_110, %slice3A_111, %dot_general3A_113 {dimension_numbers = #tpu.dot_dimension_numbers<[1], [1], [0], [0], [0, 0, 1, 0], [], []>, transpose_lhs_hint = false} : vector<1024x32xf32>, vector<1024x32xf32>, vector<1024x1024xf32> -> vector<1024x1024xf32>
    %mul3A_115 = arith.constant 6.250000e-02 : f32
    %mul3A_116 = vector.broadcast %mul3A_115 : f32 to vector<1024x1024xf32>
    %mul3A_117 = arith.mulf %dot_general3A_114, %mul3A_116 : vector<1024x1024xf32>
    %reduce_max3A_118 = arith.constant dense<0xFF800000> : vector<1024xf32>
    %reduce_max3A_119 = vector.multi_reduction <maximumf>, %mul3A_117, %reduce_max3A_118 [1] : vector<1024x1024xf32> to vector<1024xf32>
    %broadcast_in_dim3A_120 = vector.shape_cast %reduce_max3A_119 : vector<1024xf32> to vector<1024x1xf32>
    %sub3A_121 = vector.broadcast %broadcast_in_dim3A_120 : vector<1024x1xf32> to vector<1024x1024xf32>
    %sub3A_122 = arith.subf %mul3A_117, %sub3A_121 : vector<1024x1024xf32>
    %exp3A_123 = math.exp %sub3A_122 : vector<1024x1024xf32>
    %reduce_sum3A_124 = arith.constant dense<0.000000e+00> : vector<1024xf32>
    %reduce_sum3A_125 = vector.multi_reduction <add>, %exp3A_123, %reduce_sum3A_124 [1] : vector<1024x1024xf32> to vector<1024xf32>
    %broadcast_in_dim3A_126 = vector.shape_cast %reduce_sum3A_125 : vector<1024xf32> to vector<1024x1xf32>
    %div3A_127 = vector.broadcast %broadcast_in_dim3A_126 : vector<1024x1xf32> to vector<1024x1024xf32>
    %div3A_128 = arith.divf %exp3A_123, %div3A_127 : vector<1024x1024xf32>
    %dot_general3A_129 = arith.constant dense<0.000000e+00> : vector<1024x32xf32>
    %dot_general3A_130 = tpu.matmul %div3A_128, %slice3A_112, %dot_general3A_129 {dimension_numbers = #tpu.dot_dimension_numbers<[1], [0], [0], [1], [0, 0, 1, 1], [], []>, transpose_lhs_hint = false} : vector<1024x1024xf32>, vector<1024x32xf32>, vector<1024x32xf32> -> vector<1024x32xf32>
    %slice3A_131 = vector.extract_strided_slice %add3A_34 {offsets = [0, 128], sizes = [1024, 32], strides = [1, 1]} : vector<1024x256xf32> to vector<1024x32xf32>
    %slice3A_132 = vector.extract_strided_slice %add3A_44 {offsets = [0, 128], sizes = [1024, 32], strides = [1, 1]} : vector<1024x256xf32> to vector<1024x32xf32>
    %slice3A_133 = vector.extract_strided_slice %add3A_54 {offsets = [0, 128], sizes = [1024, 32], strides = [1, 1]} : vector<1024x256xf32> to vector<1024x32xf32>
    %dot_general3A_134 = arith.constant dense<0.000000e+00> : vector<1024x1024xf32>
    %dot_general3A_135 = tpu.matmul %slice3A_131, %slice3A_132, %dot_general3A_134 {dimension_numbers = #tpu.dot_dimension_numbers<[1], [1], [0], [0], [0, 0, 1, 0], [], []>, transpose_lhs_hint = false} : vector<1024x32xf32>, vector<1024x32xf32>, vector<1024x1024xf32> -> vector<1024x1024xf32>
    %mul3A_136 = arith.constant 6.250000e-02 : f32
    %mul3A_137 = vector.broadcast %mul3A_136 : f32 to vector<1024x1024xf32>
    %mul3A_138 = arith.mulf %dot_general3A_135, %mul3A_137 : vector<1024x1024xf32>
    %reduce_max3A_139 = arith.constant dense<0xFF800000> : vector<1024xf32>
    %reduce_max3A_140 = vector.multi_reduction <maximumf>, %mul3A_138, %reduce_max3A_139 [1] : vector<1024x1024xf32> to vector<1024xf32>
    %broadcast_in_dim3A_141 = vector.shape_cast %reduce_max3A_140 : vector<1024xf32> to vector<1024x1xf32>
    %sub3A_142 = vector.broadcast %broadcast_in_dim3A_141 : vector<1024x1xf32> to vector<1024x1024xf32>
    %sub3A_143 = arith.subf %mul3A_138, %sub3A_142 : vector<1024x1024xf32>
    %exp3A_144 = math.exp %sub3A_143 : vector<1024x1024xf32>
    %reduce_sum3A_145 = arith.constant dense<0.000000e+00> : vector<1024xf32>
    %reduce_sum3A_146 = vector.multi_reduction <add>, %exp3A_144, %reduce_sum3A_145 [1] : vector<1024x1024xf32> to vector<1024xf32>
    %broadcast_in_dim3A_147 = vector.shape_cast %reduce_sum3A_146 : vector<1024xf32> to vector<1024x1xf32>
    %div3A_148 = vector.broadcast %broadcast_in_dim3A_147 : vector<1024x1xf32> to vector<1024x1024xf32>
    %div3A_149 = arith.divf %exp3A_144, %div3A_148 : vector<1024x1024xf32>
    %dot_general3A_150 = arith.constant dense<0.000000e+00> : vector<1024x32xf32>
    %dot_general3A_151 = tpu.matmul %div3A_149, %slice3A_133, %dot_general3A_150 {dimension_numbers = #tpu.dot_dimension_numbers<[1], [0], [0], [1], [0, 0, 1, 1], [], []>, transpose_lhs_hint = false} : vector<1024x1024xf32>, vector<1024x32xf32>, vector<1024x32xf32> -> vector<1024x32xf32>
    %slice3A_152 = vector.extract_strided_slice %add3A_34 {offsets = [0, 160], sizes = [1024, 32], strides = [1, 1]} : vector<1024x256xf32> to vector<1024x32xf32>
    %slice3A_153 = vector.extract_strided_slice %add3A_44 {offsets = [0, 160], sizes = [1024, 32], strides = [1, 1]} : vector<1024x256xf32> to vector<1024x32xf32>
    %slice3A_154 = vector.extract_strided_slice %add3A_54 {offsets = [0, 160], sizes = [1024, 32], strides = [1, 1]} : vector<1024x256xf32> to vector<1024x32xf32>
    %dot_general3A_155 = arith.constant dense<0.000000e+00> : vector<1024x1024xf32>
    %dot_general3A_156 = tpu.matmul %slice3A_152, %slice3A_153, %dot_general3A_155 {dimension_numbers = #tpu.dot_dimension_numbers<[1], [1], [0], [0], [0, 0, 1, 0], [], []>, transpose_lhs_hint = false} : vector<1024x32xf32>, vector<1024x32xf32>, vector<1024x1024xf32> -> vector<1024x1024xf32>
    %mul3A_157 = arith.constant 6.250000e-02 : f32
    %mul3A_158 = vector.broadcast %mul3A_157 : f32 to vector<1024x1024xf32>
    %mul3A_159 = arith.mulf %dot_general3A_156, %mul3A_158 : vector<1024x1024xf32>
    %reduce_max3A_160 = arith.constant dense<0xFF800000> : vector<1024xf32>
    %reduce_max3A_161 = vector.multi_reduction <maximumf>, %mul3A_159, %reduce_max3A_160 [1] : vector<1024x1024xf32> to vector<1024xf32>
    %broadcast_in_dim3A_162 = vector.shape_cast %reduce_max3A_161 : vector<1024xf32> to vector<1024x1xf32>
    %sub3A_163 = vector.broadcast %broadcast_in_dim3A_162 : vector<1024x1xf32> to vector<1024x1024xf32>
    %sub3A_164 = arith.subf %mul3A_159, %sub3A_163 : vector<1024x1024xf32>
    %exp3A_165 = math.exp %sub3A_164 : vector<1024x1024xf32>
    %reduce_sum3A_166 = arith.constant dense<0.000000e+00> : vector<1024xf32>
    %reduce_sum3A_167 = vector.multi_reduction <add>, %exp3A_165, %reduce_sum3A_166 [1] : vector<1024x1024xf32> to vector<1024xf32>
    %broadcast_in_dim3A_168 = vector.shape_cast %reduce_sum3A_167 : vector<1024xf32> to vector<1024x1xf32>
    %div3A_169 = vector.broadcast %broadcast_in_dim3A_168 : vector<1024x1xf32> to vector<1024x1024xf32>
    %div3A_170 = arith.divf %exp3A_165, %div3A_169 : vector<1024x1024xf32>
    %dot_general3A_171 = arith.constant dense<0.000000e+00> : vector<1024x32xf32>
    %dot_general3A_172 = tpu.matmul %div3A_170, %slice3A_154, %dot_general3A_171 {dimension_numbers = #tpu.dot_dimension_numbers<[1], [0], [0], [1], [0, 0, 1, 1], [], []>, transpose_lhs_hint = false} : vector<1024x1024xf32>, vector<1024x32xf32>, vector<1024x32xf32> -> vector<1024x32xf32>
    %slice3A_173 = vector.extract_strided_slice %add3A_34 {offsets = [0, 192], sizes = [1024, 32], strides = [1, 1]} : vector<1024x256xf32> to vector<1024x32xf32>
    %slice3A_174 = vector.extract_strided_slice %add3A_44 {offsets = [0, 192], sizes = [1024, 32], strides = [1, 1]} : vector<1024x256xf32> to vector<1024x32xf32>
    %slice3A_175 = vector.extract_strided_slice %add3A_54 {offsets = [0, 192], sizes = [1024, 32], strides = [1, 1]} : vector<1024x256xf32> to vector<1024x32xf32>
    %dot_general3A_176 = arith.constant dense<0.000000e+00> : vector<1024x1024xf32>
    %dot_general3A_177 = tpu.matmul %slice3A_173, %slice3A_174, %dot_general3A_176 {dimension_numbers = #tpu.dot_dimension_numbers<[1], [1], [0], [0], [0, 0, 1, 0], [], []>, transpose_lhs_hint = false} : vector<1024x32xf32>, vector<1024x32xf32>, vector<1024x1024xf32> -> vector<1024x1024xf32>
    %mul3A_178 = arith.constant 6.250000e-02 : f32
    %mul3A_179 = vector.broadcast %mul3A_178 : f32 to vector<1024x1024xf32>
    %mul3A_180 = arith.mulf %dot_general3A_177, %mul3A_179 : vector<1024x1024xf32>
    %reduce_max3A_181 = arith.constant dense<0xFF800000> : vector<1024xf32>
    %reduce_max3A_182 = vector.multi_reduction <maximumf>, %mul3A_180, %reduce_max3A_181 [1] : vector<1024x1024xf32> to vector<1024xf32>
    %broadcast_in_dim3A_183 = vector.shape_cast %reduce_max3A_182 : vector<1024xf32> to vector<1024x1xf32>
    %sub3A_184 = vector.broadcast %broadcast_in_dim3A_183 : vector<1024x1xf32> to vector<1024x1024xf32>
    %sub3A_185 = arith.subf %mul3A_180, %sub3A_184 : vector<1024x1024xf32>
    %exp3A_186 = math.exp %sub3A_185 : vector<1024x1024xf32>
    %reduce_sum3A_187 = arith.constant dense<0.000000e+00> : vector<1024xf32>
    %reduce_sum3A_188 = vector.multi_reduction <add>, %exp3A_186, %reduce_sum3A_187 [1] : vector<1024x1024xf32> to vector<1024xf32>
    %broadcast_in_dim3A_189 = vector.shape_cast %reduce_sum3A_188 : vector<1024xf32> to vector<1024x1xf32>
    %div3A_190 = vector.broadcast %broadcast_in_dim3A_189 : vector<1024x1xf32> to vector<1024x1024xf32>
    %div3A_191 = arith.divf %exp3A_186, %div3A_190 : vector<1024x1024xf32>
    %dot_general3A_192 = arith.constant dense<0.000000e+00> : vector<1024x32xf32>
    %dot_general3A_193 = tpu.matmul %div3A_191, %slice3A_175, %dot_general3A_192 {dimension_numbers = #tpu.dot_dimension_numbers<[1], [0], [0], [1], [0, 0, 1, 1], [], []>, transpose_lhs_hint = false} : vector<1024x1024xf32>, vector<1024x32xf32>, vector<1024x32xf32> -> vector<1024x32xf32>
    %slice3A_194 = vector.extract_strided_slice %add3A_34 {offsets = [0, 224], sizes = [1024, 32], strides = [1, 1]} : vector<1024x256xf32> to vector<1024x32xf32>
    %slice3A_195 = vector.extract_strided_slice %add3A_44 {offsets = [0, 224], sizes = [1024, 32], strides = [1, 1]} : vector<1024x256xf32> to vector<1024x32xf32>
    %slice3A_196 = vector.extract_strided_slice %add3A_54 {offsets = [0, 224], sizes = [1024, 32], strides = [1, 1]} : vector<1024x256xf32> to vector<1024x32xf32>
    %dot_general3A_197 = arith.constant dense<0.000000e+00> : vector<1024x1024xf32>
    %dot_general3A_198 = tpu.matmul %slice3A_194, %slice3A_195, %dot_general3A_197 {dimension_numbers = #tpu.dot_dimension_numbers<[1], [1], [0], [0], [0, 0, 1, 0], [], []>, transpose_lhs_hint = false} : vector<1024x32xf32>, vector<1024x32xf32>, vector<1024x1024xf32> -> vector<1024x1024xf32>
    %mul3A_199 = arith.constant 6.250000e-02 : f32
    %mul3A_200 = vector.broadcast %mul3A_199 : f32 to vector<1024x1024xf32>
    %mul3A_201 = arith.mulf %dot_general3A_198, %mul3A_200 : vector<1024x1024xf32>
    %reduce_max3A_202 = arith.constant dense<0xFF800000> : vector<1024xf32>
    %reduce_max3A_203 = vector.multi_reduction <maximumf>, %mul3A_201, %reduce_max3A_202 [1] : vector<1024x1024xf32> to vector<1024xf32>
    %broadcast_in_dim3A_204 = vector.shape_cast %reduce_max3A_203 : vector<1024xf32> to vector<1024x1xf32>
    %sub3A_205 = vector.broadcast %broadcast_in_dim3A_204 : vector<1024x1xf32> to vector<1024x1024xf32>
    %sub3A_206 = arith.subf %mul3A_201, %sub3A_205 : vector<1024x1024xf32>
    %exp3A_207 = math.exp %sub3A_206 : vector<1024x1024xf32>
    %reduce_sum3A_208 = arith.constant dense<0.000000e+00> : vector<1024xf32>
    %reduce_sum3A_209 = vector.multi_reduction <add>, %exp3A_207, %reduce_sum3A_208 [1] : vector<1024x1024xf32> to vector<1024xf32>
    %broadcast_in_dim3A_210 = vector.shape_cast %reduce_sum3A_209 : vector<1024xf32> to vector<1024x1xf32>
    %div3A_211 = vector.broadcast %broadcast_in_dim3A_210 : vector<1024x1xf32> to vector<1024x1024xf32>
    %div3A_212 = arith.divf %exp3A_207, %div3A_211 : vector<1024x1024xf32>
    %dot_general3A_213 = arith.constant dense<0.000000e+00> : vector<1024x32xf32>
    %dot_general3A_214 = tpu.matmul %div3A_212, %slice3A_196, %dot_general3A_213 {dimension_numbers = #tpu.dot_dimension_numbers<[1], [0], [0], [1], [0, 0, 1, 1], [], []>, transpose_lhs_hint = false} : vector<1024x1024xf32>, vector<1024x32xf32>, vector<1024x32xf32> -> vector<1024x32xf32>
    %concatenate3A = tpu.concatenate %dot_general3A_67, %dot_general3A_88, %dot_general3A_109, %dot_general3A_130, %dot_general3A_151, %dot_general3A_172, %dot_general3A_193, %dot_general3A_214 in 1 : vector<1024x32xf32>, vector<1024x32xf32>, vector<1024x32xf32>, vector<1024x32xf32>, vector<1024x32xf32>, vector<1024x32xf32>, vector<1024x32xf32>, vector<1024x32xf32> -> vector<1024x256xf32>
    %swap3A = arith.constant 0 : index
    %swap3A_215 = arith.constant 0 : index
    %swap3A_216 = vector.load %arg10[%swap3A, %swap3A_215] : memref<1024x256xf32, #tpu.memory_space<vmem>>, vector<1024x256xf32>
    tpu.vector_store %arg10[%swap3A, %swap3A_215], %concatenate3A {strides = array<i32>} : memref<1024x256xf32, #tpu.memory_space<vmem>>, vector<1024x256xf32>,
    return
  }
}

module attributes {stable_mosaic.version = 14 : i64} {
  func.func @_final_body(%arg0: i32, %arg1: memref<1000x256xbf16, #tpu.memory_space<vmem>>, %arg2: memref<1000x256xf32, #tpu.memory_space<vmem>>, %arg3: memref<1024x256xf32, #tpu.memory_space<vmem>>, %arg4: memref<1x1024xi32, #tpu.memory_space<vmem>>, %arg5: memref<256x512xbf16, #tpu.memory_space<vmem>>, %arg6: memref<256x512xbf16, #tpu.memory_space<vmem>>, %arg7: memref<1x512xf32, #tpu.memory_space<vmem>>, %arg8: memref<512x256xbf16, #tpu.memory_space<vmem>>, %arg9: memref<1x256xf32, #tpu.memory_space<vmem>>, %arg10: memref<256x256xbf16, #tpu.memory_space<vmem>>, %arg11: memref<256x256xbf16, #tpu.memory_space<vmem>>, %arg12: memref<1x256xf32, #tpu.memory_space<vmem>>, %arg13: memref<1000x256xf32, #tpu.memory_space<vmem>>) attributes {dimension_semantics = [#tpu.dimension_semantics<arbitrary>], iteration_bounds = array<i64: 10>, scalar_prefetch = 0 : i64, scratch_operands = 0 : i64, tpu.core_type = #tpu.core_type<tc>, window_params = [{transform_indices = @transform_0, window_bounds = array<i64: 1000, 256>}, {transform_indices = @transform_1, window_bounds = array<i64: 1000, 256>}, {pipeline_mode = #tpu.pipeline_mode<synchronous>, transform_indices = @transform_2, window_bounds = array<i64: 1024, 256>}, {pipeline_mode = #tpu.pipeline_mode<synchronous>, transform_indices = @transform_3, window_bounds = array<i64: 1, 1024>}, {pipeline_mode = #tpu.pipeline_mode<synchronous>, transform_indices = @transform_4, window_bounds = array<i64: 256, 512>}, {pipeline_mode = #tpu.pipeline_mode<synchronous>, transform_indices = @transform_5, window_bounds = array<i64: 256, 512>}, {pipeline_mode = #tpu.pipeline_mode<synchronous>, transform_indices = @transform_6, window_bounds = array<i64: 1, 512>}, {pipeline_mode = #tpu.pipeline_mode<synchronous>, transform_indices = @transform_7, window_bounds = array<i64: 512, 256>}, {pipeline_mode = #tpu.pipeline_mode<synchronous>, transform_indices = @transform_8, window_bounds = array<i64: 1, 256>}, {pipeline_mode = #tpu.pipeline_mode<synchronous>, transform_indices = @transform_9, window_bounds = array<i64: 256, 256>}, {pipeline_mode = #tpu.pipeline_mode<synchronous>, transform_indices = @transform_10, window_bounds = array<i64: 256, 256>}, {pipeline_mode = #tpu.pipeline_mode<synchronous>, transform_indices = @transform_11, window_bounds = array<i64: 1, 256>}, {transform_indices = @transform_12, window_bounds = array<i64: 1000, 256>}]} {
    %get3A = arith.constant 0 : index
    %get3A_0 = arith.constant 0 : index
    %get3A_1 = vector.load %arg3[%get3A, %get3A_0] : memref<1024x256xf32, #tpu.memory_space<vmem>>, vector<1024x256xf32>
    %convert_element_type3A = arith.truncf %get3A_1 : vector<1024x256xf32> to vector<1024x256xbf16>
    %get3A_2 = arith.constant 0 : index
    %get3A_3 = arith.constant 0 : index
    %get3A_4 = vector.load %arg1[%get3A_2, %get3A_3] : memref<1000x256xbf16, #tpu.memory_space<vmem>>, vector<1000x256xbf16>
    %get3A_5 = arith.constant 0 : index
    %get3A_6 = arith.constant 0 : index
    %get3A_7 = vector.load %arg5[%get3A_5, %get3A_6] : memref<256x512xbf16, #tpu.memory_space<vmem>>, vector<256x512xbf16>
    %dot_general3A = arith.constant dense<0.000000e+00> : vector<1000x512xf32>
    %dot_general3A_8 = tpu.matmul %get3A_4, %get3A_7, %dot_general3A {dimension_numbers = #tpu.dot_dimension_numbers<[1], [0], [0], [1], [0, 0, 1, 1], [], []>, transpose_lhs_hint = false} : vector<1000x256xbf16>, vector<256x512xbf16>, vector<1000x512xf32> -> vector<1000x512xf32>
    %get3A_9 = arith.constant 0 : index
    %get3A_10 = arith.constant 0 : index
    %get3A_11 = vector.load %arg2[%get3A_9, %get3A_10] : memref<1000x256xf32, #tpu.memory_space<vmem>>, vector<1000x256xf32>
    %get3A_12 = arith.constant 0 : index
    %get3A_13 = arith.constant 0 : index
    %get3A_14 = vector.load %arg6[%get3A_12, %get3A_13] : memref<256x512xbf16, #tpu.memory_space<vmem>>, vector<256x512xbf16>
    %convert_element_type3A_15 = arith.truncf %get3A_11 : vector<1000x256xf32> to vector<1000x256xbf16>
    %dot_general3A_16 = arith.constant dense<0.000000e+00> : vector<1000x512xf32>
    %dot_general3A_17 = tpu.matmul %convert_element_type3A_15, %get3A_14, %dot_general3A_16 {dimension_numbers = #tpu.dot_dimension_numbers<[1], [0], [0], [1], [0, 0, 1, 1], [], []>, transpose_lhs_hint = false} : vector<1000x256xbf16>, vector<256x512xbf16>, vector<1000x512xf32> -> vector<1000x512xf32>
    %add3A = arith.addf %dot_general3A_8, %dot_general3A_17 : vector<1000x512xf32>
    %get3A_18 = arith.constant 0 : index
    %get3A_19 = arith.constant 0 : index
    %get3A_20 = vector.load %arg7[%get3A_18, %get3A_19] : memref<1x512xf32, #tpu.memory_space<vmem>>, vector<1x512xf32>
    %add3A_21 = vector.broadcast %get3A_20 : vector<1x512xf32> to vector<1000x512xf32>
    %add3A_22 = arith.addf %add3A, %add3A_21 : vector<1000x512xf32>
    %max3A = arith.constant 0.000000e+00 : f32
    %max3A_23 = vector.broadcast %max3A : f32 to vector<1000x512xf32>
    %max3A_24 = arith.maximumf %add3A_22, %max3A_23 : vector<1000x512xf32>
    %get3A_25 = arith.constant 0 : index
    %get3A_26 = arith.constant 0 : index
    %get3A_27 = vector.load %arg8[%get3A_25, %get3A_26] : memref<512x256xbf16, #tpu.memory_space<vmem>>, vector<512x256xbf16>
    %convert_element_type3A_28 = arith.truncf %max3A_24 : vector<1000x512xf32> to vector<1000x512xbf16>
    %dot_general3A_29 = arith.constant dense<0.000000e+00> : vector<1000x256xf32>
    %dot_general3A_30 = tpu.matmul %convert_element_type3A_28, %get3A_27, %dot_general3A_29 {dimension_numbers = #tpu.dot_dimension_numbers<[1], [0], [0], [1], [0, 0, 1, 1], [], []>, transpose_lhs_hint = false} : vector<1000x512xbf16>, vector<512x256xbf16>, vector<1000x256xf32> -> vector<1000x256xf32>
    %get3A_31 = arith.constant 0 : index
    %get3A_32 = arith.constant 0 : index
    %get3A_33 = vector.load %arg9[%get3A_31, %get3A_32] : memref<1x256xf32, #tpu.memory_space<vmem>>, vector<1x256xf32>
    %add3A_34 = vector.broadcast %get3A_33 : vector<1x256xf32> to vector<1000x256xf32>
    %add3A_35 = arith.addf %dot_general3A_30, %add3A_34 : vector<1000x256xf32>
    %iota3A = tpu.iota {dimensions = array<i32: 0>} : vector<1000x1024xi32>
    %mul3A = arith.constant 1000 : i32
    %mul3A_36 = arith.muli %arg0, %mul3A : i32
    %add3A_37 = vector.broadcast %mul3A_36 : i32 to vector<1000x1024xi32>
    %add3A_38 = arith.addi %iota3A, %add3A_37 : vector<1000x1024xi32>
    %get3A_39 = arith.constant 0 : index
    %get3A_40 = arith.constant 0 : index
    %get3A_41 = vector.load %arg4[%get3A_39, %get3A_40] : memref<1x1024xi32, #tpu.memory_space<vmem>>, vector<1x1024xi32>
    %eq3A = vector.broadcast %get3A_41 : vector<1x1024xi32> to vector<1000x1024xi32>
    %eq3A_42 = arith.cmpi eq, %add3A_38, %eq3A : vector<1000x1024xi32>
    %convert_element_type3A_43 = arith.extui %eq3A_42 : vector<1000x1024xi1> to vector<1000x1024xi32>
    %convert_element_type3A_44 = arith.sitofp %convert_element_type3A_43 : vector<1000x1024xi32> to vector<1000x1024xf32>
    %convert_element_type3A_45 = arith.truncf %convert_element_type3A_44 : vector<1000x1024xf32> to vector<1000x1024xbf16>
    %dot_general3A_46 = arith.constant dense<0.000000e+00> : vector<1000x256xf32>
    %dot_general3A_47 = tpu.matmul %convert_element_type3A_45, %convert_element_type3A, %dot_general3A_46 {dimension_numbers = #tpu.dot_dimension_numbers<[1], [0], [0], [1], [0, 0, 1, 1], [], []>, transpose_lhs_hint = false} : vector<1000x1024xbf16>, vector<1024x256xbf16>, vector<1000x256xf32> -> vector<1000x256xf32>
    %get3A_48 = arith.constant 0 : index
    %get3A_49 = arith.constant 0 : index
    %get3A_50 = vector.load %arg10[%get3A_48, %get3A_49] : memref<256x256xbf16, #tpu.memory_space<vmem>>, vector<256x256xbf16>
    %convert_element_type3A_51 = arith.truncf %add3A_35 : vector<1000x256xf32> to vector<1000x256xbf16>
    %dot_general3A_52 = arith.constant dense<0.000000e+00> : vector<1000x256xf32>
    %dot_general3A_53 = tpu.matmul %convert_element_type3A_51, %get3A_50, %dot_general3A_52 {dimension_numbers = #tpu.dot_dimension_numbers<[1], [0], [0], [1], [0, 0, 1, 1], [], []>, transpose_lhs_hint = false} : vector<1000x256xbf16>, vector<256x256xbf16>, vector<1000x256xf32> -> vector<1000x256xf32>
    %get3A_54 = arith.constant 0 : index
    %get3A_55 = arith.constant 0 : index
    %get3A_56 = vector.load %arg11[%get3A_54, %get3A_55] : memref<256x256xbf16, #tpu.memory_space<vmem>>, vector<256x256xbf16>
    %convert_element_type3A_57 = arith.truncf %dot_general3A_47 : vector<1000x256xf32> to vector<1000x256xbf16>
    %dot_general3A_58 = arith.constant dense<0.000000e+00> : vector<1000x256xf32>
    %dot_general3A_59 = tpu.matmul %convert_element_type3A_57, %get3A_56, %dot_general3A_58 {dimension_numbers = #tpu.dot_dimension_numbers<[1], [0], [0], [1], [0, 0, 1, 1], [], []>, transpose_lhs_hint = false} : vector<1000x256xbf16>, vector<256x256xbf16>, vector<1000x256xf32> -> vector<1000x256xf32>
    %add3A_60 = arith.addf %dot_general3A_53, %dot_general3A_59 : vector<1000x256xf32>
    %get3A_61 = arith.constant 0 : index
    %get3A_62 = arith.constant 0 : index
    %get3A_63 = vector.load %arg12[%get3A_61, %get3A_62] : memref<1x256xf32, #tpu.memory_space<vmem>>, vector<1x256xf32>
    %add3A_64 = vector.broadcast %get3A_63 : vector<1x256xf32> to vector<1000x256xf32>
    %add3A_65 = arith.addf %add3A_60, %add3A_64 : vector<1000x256xf32>
    %swap3A = arith.constant 0 : index
    %swap3A_66 = arith.constant 0 : index
    %swap3A_67 = vector.load %arg13[%swap3A, %swap3A_66] : memref<1000x256xf32, #tpu.memory_space<vmem>>, vector<1000x256xf32>
    tpu.vector_store %arg13[%swap3A, %swap3A_66], %add3A_65 {strides = array<i32>} : memref<1000x256xf32, #tpu.memory_space<vmem>>, vector<1000x256xf32>,
    return
  }
  func.func @transform_0(%arg0: i32) -> (i32, i32) {
    %c0_i32 = arith.constant 0 : i32
    %c0_i32_0 = arith.constant 0 : i32
    return %arg0, %c0_i32 : i32, i32
  }
  func.func @transform_1(%arg0: i32) -> (i32, i32) {
    %c0_i32 = arith.constant 0 : i32
    %c0_i32_0 = arith.constant 0 : i32
    return %arg0, %c0_i32 : i32, i32
  }
  func.func @transform_2(%arg0: i32) -> (i32, i32) {
    %c0_i32 = arith.constant 0 : i32
    %c0_i32_0 = arith.constant 0 : i32
    %c0_i32_1 = arith.constant 0 : i32
    return %c0_i32, %c0_i32_0 : i32, i32
  }
  func.func @transform_3(%arg0: i32) -> (i32, i32) {
    %c0_i32 = arith.constant 0 : i32
    %c0_i32_0 = arith.constant 0 : i32
    %c0_i32_1 = arith.constant 0 : i32
    return %c0_i32, %c0_i32_0 : i32, i32
  }
  func.func @transform_4(%arg0: i32) -> (i32, i32) {
    %c0_i32 = arith.constant 0 : i32
    %c0_i32_0 = arith.constant 0 : i32
    %c0_i32_1 = arith.constant 0 : i32
    return %c0_i32, %c0_i32_0 : i32, i32
  }
  func.func @transform_5(%arg0: i32) -> (i32, i32) {
    %c0_i32 = arith.constant 0 : i32
    %c0_i32_0 = arith.constant 0 : i32
    %c0_i32_1 = arith.constant 0 : i32
    return %c0_i32, %c0_i32_0 : i32, i32
  }
  func.func @transform_6(%arg0: i32) -> (i32, i32) {
    %c0_i32 = arith.constant 0 : i32
    %c0_i32_0 = arith.constant 0 : i32
    %c0_i32_1 = arith.constant 0 : i32
    return %c0_i32, %c0_i32_0 : i32, i32
  }
  func.func @transform_7(%arg0: i32) -> (i32, i32) {
    %c0_i32 = arith.constant 0 : i32
    %c0_i32_0 = arith.constant 0 : i32
    %c0_i32_1 = arith.constant 0 : i32
    return %c0_i32, %c0_i32_0 : i32, i32
  }
  func.func @transform_8(%arg0: i32) -> (i32, i32) {
    %c0_i32 = arith.constant 0 : i32
    %c0_i32_0 = arith.constant 0 : i32
    %c0_i32_1 = arith.constant 0 : i32
    return %c0_i32, %c0_i32_0 : i32, i32
  }
  func.func @transform_9(%arg0: i32) -> (i32, i32) {
    %c0_i32 = arith.constant 0 : i32
    %c0_i32_0 = arith.constant 0 : i32
    %c0_i32_1 = arith.constant 0 : i32
    return %c0_i32, %c0_i32_0 : i32, i32
  }
  func.func @transform_10(%arg0: i32) -> (i32, i32) {
    %c0_i32 = arith.constant 0 : i32
    %c0_i32_0 = arith.constant 0 : i32
    %c0_i32_1 = arith.constant 0 : i32
    return %c0_i32, %c0_i32_0 : i32, i32
  }
  func.func @transform_11(%arg0: i32) -> (i32, i32) {
    %c0_i32 = arith.constant 0 : i32
    %c0_i32_0 = arith.constant 0 : i32
    %c0_i32_1 = arith.constant 0 : i32
    return %c0_i32, %c0_i32_0 : i32, i32
  }
  func.func @transform_12(%arg0: i32) -> (i32, i32) {
    %c0_i32 = arith.constant 0 : i32
    %c0_i32_0 = arith.constant 0 : i32
    return %arg0, %c0_i32 : i32, i32
  }
}

</mosaic_0001>

<sc_bundles>
// kernel: kernel.6.cloned.1.call-start
scs
__scs_entry_jumppad:
0x0: {  	(pc) =	sbr.rel $0x88, $3  }
0x1: {  	(tag) =	ssettag $0x0;
	lr =	simm.s32 $0x1  }
0x2: {  	[smem:$0x3F82] =	sst lr;
	_ =	strace $0xD0000000  }
0x3: {  	_ = 	snop  }
0x4: {  	_ = 	snop  }
0x5: {  	_ = 	snop  }
0x6: {  	_ = 	snop  }
0x7: {  	_ = 	snop  }
__scs_overlays_trampoline_lowered:
0x8: {  	[smem:$0x3F91] =	sst s0  }
0x9: {  	[smem:$0x3F92] =	sst s1  }
0xa: {  	[smem:$0x3F93] =	sst s2  }
0xb: {  	[smem:$0x3F94] =	sst s3  }
0xc: {  	[smem:$0x3F95] =	sst s4  }
0xd: {  	[smem:$0x3F96] =	sst s5  }
0xe: {  	[smem:$0x3F97] =	sst s6  }
0xf: {  	[smem:$0x3F98] =	sst s7  }
0x10: {  	[smem:$0x3F99] =	sst s8  }
0x11: {  	[smem:$0x3F9A] =	sst s9;
	s0 =	simm.s32 @!p0 $0x0  }
0x12: {  	s1 =	sld [smem:$0x3F80];
	s0 =	simm.s32 @p0 $0x1  }
0x13: {  	[smem:$0x3F9B] =	sst s0;
	s0 =	simm.s32 @!p1 $0x0  }
0x14: {  	s2 =	sld [smem:$0x3F7F];
	s0 =	simm.s32 @p1 $0x1  }
0x15: {  	[smem:$0x3F9C] =	sst s0;
	s0 =	simm.s32 @!p2 $0x0  }
0x16: {  	s3 =	sld [smem:$0x3FDB];
	s0 =	simm.s32 @p2 $0x1  }
0x17: {  	s4 =	simm.s32 $0x1BF5;
	[smem:$0x3F9E] =	sst s0  }
0x18: {  	s0 =	sld [smem:$0x3F81];
	_ =	swait.ge [sflag:s4], $0x0  }
0x19: {  	s7 =	sld [smem:$0x3F82]  }
0x1a: {  	s8 =	sadd.s32 $0xFFFFE003, lr  }
0x1b: {  	s9 =	sadd.s32 $0xFFFFFEF7, lr;
	s5 =	simm.s32 $0xFFFFFFFF;
	p2 =	slt.u32 s8, $0xFFFFF086  }
0x1c: {  	p1 =	slt.u32 s9, $0xF7A;
	s5 =	simm.s32 @!p2 $0x0  }
0x1d: {  	s5 =	simm.s32 @p1 $0x1;
	p0 =	seq.s32 s7, s2  }
0x1e: {  	s7 =	smul.u32 @!p0 $0xF7A, s2;
	p2 =	seq.s32 @!p0 s5, $0x0  }
0x1f: {  	s9 =	smul.u32 $0xF7A, s1;
	s8 =	simm.s32 @!p0 $0x1BF5;
	p2 =	por !p2, p0  }
0x20: {  	[sflag:s8] =	ssyncset.s32 @!p0 $0xFFFFF086;
	s6 =	sadd.s32 @!p0 s3, s7;
	s7 =	simm.s32 @!p0 $0x108  }
0x21: {  	s3 =	sadd.s32 s3, s9;
	s6 =	sadd.s32 @!p0 $0x88, s6;
	s7 =	simm.s32 @p2 $0x1082  }
0x22: {  	[simem:s7], [sflag:s8] =	dma.local @!p0 [hbm:s6], $0xF7A  }
0x23: {  	s9 =	sor.u32 $0xD0000000, s2;
	s6 =	simm.s32 $0x108;
	_ =	swait.ge @!p0 [sflag:s8], $0x0  }
0x24: {  	s3 =	sadd.s32 $0x88, s3;
	s6 =	simm.s32 @!p1 $0x1082;
	[sflag:s4] =	ssyncset.s32 $0xFFFFF086  }
0x25: {  	[simem:s6], [sflag:s4] =	dma.local [hbm:s3], $0xF7A  }
0x26: {  	[smem:$0x3F82] =	sst s1;
	(tag) =	ssettag s2;
	_ =	strace s9  }
0x27: {  	s1 =	sld [smem:$0x3F92]  }
0x28: {  	s2 =	sld [smem:$0x3F93]  }
0x29: {  	s4 =	sld [smem:$0x3F95]  }
0x2a: {  	p0 =	seq.s32 s5, $0x0;
	s5 =	sld [smem:$0x3F96]  }
0x2b: {  	s6 =	sld [smem:$0x3F97]  }
0x2c: {  	s7 =	sld [smem:$0x3F98]  }
0x2d: {  	s3 =	simm.s32 $0x108;
	s8 =	sld [smem:$0x3F99]  }
0x2e: {  	s3 =	simm.s32 @!p0 $0x1082;
	s9 =	sld [smem:$0x3F9A]  }
0x2f: {  	lr =	sadd.s32 s0, s3;
	s0 =	sld [smem:$0x3F91]  }
0x30: {  	s3 =	sld [smem:$0x3F94]  }
0x31: {  	[smem:$0x3F9D] =	sst s10  }
0x32: {  	s10 =	sld [smem:$0x3F9B];
	_ =	sdelay $0x3  }
0x33: {  	p0 =	seq.s32 s10, $0x1;
	s10 =	sld [smem:$0x3F9D];
	_ =	sdelay $0x3  }
0x34: {  	[smem:$0x3F9D] =	sst s10  }
0x35: {  	s10 =	sld [smem:$0x3F9C];
	_ =	sdelay $0x3  }
0x36: {  	p1 =	seq.s32 s10, $0x1;
	s10 =	sld [smem:$0x3F9D];
	_ =	sdelay $0x3  }
0x37: {  	[smem:$0x3F9D] =	sst s10  }
0x38: {  	s10 =	sld [smem:$0x3F9E]  }
0x39: {  	_ = 	snop;
	(pc) =	sbr.ind lr, $3  }
0x3a: {  	_ = 	snop  }
0x3b: {  	_ = 	snop  }
0x3c: {  	p2 =	seq.s32 s10, $0x1;
	s10 =	sld [smem:$0x3F9D]  }
0x3d: {  	_ =	shalt  }
0x3e: {  	_ =	shalt  }
0x3f: {  	_ =	shalt  }
0x40: {  	_ =	shalt  }
0x41: {  	_ =	shalt  }
0x42: {  	_ =	shalt  }
0x43: {  	_ =	shalt  }
0x44: {  	_ =	shalt  }
0x45: {  	_ =	shalt  }
0x46: {  	_ =	shalt  }
0x47: {  	_ =	shalt  }
0x48: {  	_ =	shalt  }
0x49: {  	_ =	shalt  }
0x4a: {  	_ =	shalt  }
0x4b: {  	_ =	shalt  }
0x4c: {  	_ =	shalt  }
0x4d: {  	_ =	shalt  }
0x4e: {  	_ =	shalt  }
0x4f: {  	_ =	shalt  }
0x50: {  	_ =	shalt  }
0x51: {  	_ =	shalt  }
0x52: {  	_ =	shalt  }
0x53: {  	_ =	shalt  }
0x54: {  	_ =	shalt  }
0x55: {  	_ =	shalt  }
0x56: {  	_ =	shalt  }
0x57: {  	_ =	shalt  }
0x58: {  	_ =	shalt  }
0x59: {  	_ =	shalt  }
0x5a: {  	_ =	shalt  }
0x5b: {  	_ =	shalt  }
0x5c: {  	_ =	shalt  }
0x5d: {  	_ =	shalt  }
0x5e: {  	_ =	shalt  }
0x5f: {  	_ =	shalt  }
0x60: {  	_ =	shalt  }
0x61: {  	_ =	shalt  }
0x62: {  	_ =	shalt  }
0x63: {  	_ =	shalt  }
0x64: {  	_ =	shalt  }
0x65: {  	_ =	shalt  }
0x66: {  	_ =	shalt  }
0x67: {  	_ =	shalt  }
0x68: {  	_ =	shalt  }
0x69: {  	_ =	shalt  }
0x6a: {  	_ =	shalt  }
0x6b: {  	_ =	shalt  }
0x6c: {  	_ =	shalt  }
0x6d: {  	_ =	shalt  }
0x6e: {  	_ =	shalt  }
0x6f: {  	_ =	shalt  }
0x70: {  	_ =	shalt  }
0x71: {  	_ =	shalt  }
0x72: {  	_ =	shalt  }
0x73: {  	_ =	shalt  }
0x74: {  	_ =	shalt  }
0x75: {  	_ =	shalt  }
0x76: {  	_ =	shalt  }
0x77: {  	_ =	shalt  }
0x78: {  	_ =	shalt  }
0x79: {  	_ =	shalt  }
0x7a: {  	_ =	shalt  }
0x7b: {  	_ =	shalt  }
0x7c: {  	_ =	shalt  }
0x7d: {  	_ =	shalt  }
0x7e: {  	_ =	shalt  }
0x7f: {  	_ =	shalt  }
0x80: {  	_ =	shalt  }
0x81: {  	_ =	shalt  }
0x82: {  	_ =	shalt  }
0x83: {  	_ =	shalt  }
0x84: {  	_ =	shalt  }
0x85: {  	_ =	shalt  }
0x86: {  	_ =	shalt  }
0x87: {  	_ =	shalt  }
.Lfunc_end0:
.L_simem_size_0:
called_computation.1_lowered:
.L_overlay_start_0:
0x88: {  	s2 =	sld [smem:$0x3FD9]  }
0x89: {  	s3 =	sld [smem:$0x3FFE];
	_ =	sdelay $0x1  }
0x8a: {  	s1 =	srdreg.scid  }
0x8b: {  	s0 =	sand.u32 $0x1, s1  }
0x8c: {  	s14 =	sshll.u32 s0, $0xA;
	s2 =	sadd.s32 s3, s2  }
0x8d: {  	s2 =	sadd.s32 s2, s14  }
0x8e: {  	[smem:$0x3FA9] =	sst s2  }
0x8f: {  	_ = 	snop  }
0x90: {  	s2 =	sld [smem:$0x3FD0];
	_ =	sdelay $0x2  }
0x91: {  	s15 =	simm.s32 $0xA;
	s4 =	simm.s32 $0x10  }
0x92: {  	[smem:s4], [sflag:s15] =	dma.local [hbm:s2], $0x1  }
0x93: {  	_ =	swait.eq [sflag:s15], $0x1  }
0x94: {  	s16 =	sld [smem:$0x10];
	[sflag:s15] =	ssyncset.done $0x0  }
0x95: {  	s17 =	sld [smem:$0x11];
	[sflag:s15] =	ssyncadd.s32 $0xFFFFFFFF  }
0x96: {  	s18 =	sld [smem:$0x12];
	(tm) =	ssettm $0x1  }
0x97: {  	s5 =	sld [smem:$0x3FFB];
	_ =	sdelay $0x3  }
0x98: {  	_ =	strace s5  }
0x99: {  	s5 =	sld [smem:$0x3FFC];
	_ =	sdelay $0x3  }
0x9a: {  	_ =	strace s5  }
0x9b: {  	s5 =	sld [smem:$0x3FFD];
	_ =	sdelay $0x3  }
0x9c: {  	_ =	strace s5  }
0x9d: {  	_ =	strace $0x8FFFFFFF  }
0x9e: {  	s19 =	sld [smem:$0x3FDB];
	_ =	sdelay $0x1  }
0x9f: {  	s6 =	simm.s32 $_scs_section_size  }
0xa0: {  	s7 =	simm.s32 $_size__tile_overlayer_lowered;
	s8 =	simm.s32 $_tile_overlayer_lowered  }
0xa1: {  	s22 =	simm.s32 $0x1BFF;
	s21 =	sshll.u32 s8, $0x1;
	s5 =	sadd.s32 s6, s19  }
0xa2: {  	s9 =	simm.s32 $0x0;
	s20 =	sshll.u32 s7, $0x1;
	s7 =	sadd.s32 s21, s5  }
0xa3: {  	[timem:s9], [sflag:s22] =	dma.local [hbm:s7], s20  }
0xa4: {  	_ =	swait.ge [sflag:s22], s20  }
0xa5: {  	s6 =	ssub.s32 $0x0, s20;
	[sflag:s22] =	ssyncset.done $0x0  }
0xa6: {  	[sflag:s22] =	ssyncadd.s32 s6;
	_ =	sdelay $0x1  }
0xa7: {  	s23 =	simm.s32 $0x1B8B  }
0xa8: {  	_ =	swait.ge [sflag:s23], $0x1  }
0xa9: {  	[sflag:s23] =	ssyncset.done $0x0  }
0xaa: {  	s25 =	simm.s32 $0x1B8E;
	s24 =	sld [smem:$0x3FFE];
	[sflag:s23] =	ssyncadd.s32 $0xFFFFFFFF  }
0xab: {  	s26 =	simm.s32 $execute0_lowered;
	[smem:$0x3FD2] =	sst s25  }
0xac: {  	s7 =	sshll.u32 s26, $0x1;
	_ =	strace $0x80000046;
	[dreg:$0x1] =	wrdreg $0xFFFFFFFF  }
0xad: {  	s28 =	simm.s32 $_size_execute0_lowered;
	s5 =	sadd.s32 s5, s7;
	[dreg:$0x0] =	wrdreg $0x0  }
0xae: {  	s7 =	sshll.u32 s28, $0x1;
	[dreg:$0x2] =	wrdreg s5  }
0xaf: {  	[dreg:$0x3] =	wrdreg s7  }
0xb0: {  	[dreg:$0x4] =	wrdreg $0xC0  }
0xb1: {  	_ =	task [dreg:s9], $0x5FFFF  }
0xb2: {  	[dreg:$0x1] =	wrdreg $0xFFFFFFFF  }
0xb3: {  	[dreg:$0x0] =	wrdreg $0x60  }
0xb4: {  	[dreg:$0x2] =	wrdreg s16  }
0xb5: {  	[dreg:$0x3] =	wrdreg s17  }
0xb6: {  	[dreg:$0x4] =	wrdreg s24  }
0xb7: {  	[dreg:$0x5] =	wrdreg s18  }
0xb8: {  	[dreg:$0x6] =	wrdreg $0x9  }
0xb9: {  	_ =	task.clear_ibuf [dreg:s9], $0x7FFFF;
	_ =	strace $0x90000046  }
0xba: {  	s29 =	simm.s32 $0x9;
	_ =	strace $0x80000048  }
0xbb: {  	_ =	swait.ge [sflag:s29], $0x1  }
0xbc: {  	[sflag:s29] =	ssyncadd.s32 $0xFFFFFFFF  }
0xbd: {  	_ =	strace $0x90000048  }
0xbe: {  	_ =	sfence  }
0xbf: {  	s30 =	sld [smem:$0x0];
	_ =	sdelay $0x2  }
0xc0: {  	s31 =	sshll.u32 s1, $0xD;
	s1 =	sshrl.u32 s1, $0x2  }
0xc1: {  	s3 =	sand.u32 $0x4000, s31;
	s1 =	sadd.s32 s1, s30  }
0xc2: {  	s0 =	sor.u32 s3, s0;
	s1 =	sshll.u32 s1, $0x11  }
0xc3: {  	s0 =	sor.u32 s1, s0  }
0xc4: {  	s0 =	sadd.s32 $0x8F2B, s0  }
0xc5: {  	[sflag:s0] =	ssyncadd.remote.s32 $0x1  }
0xc6: {  	_ =	sfence.sel $0xFFFF  }
0xc7: {  	[dreg:$0x0] =	wrdreg $0xFFFFFFFF;
	(pc) =	sbr.abs _section_cstart, $3  }
0xc8: {  	[dreg:$0x1] =	wrdreg $0xFFFFFFFF  }
0xc9: {  	_ =	task.clear_ibuf [dreg:s9], $0x2FFFF;
	_ =	strace $0x9FFFFFFF  }
0xca: {  	(tm) =	ssettm $0x7FFFFFFF  }
0xcb: {  	_ =	shalt  }
tec
execute0_lowered:
.L_overlay_start_1:
0x0: {  	(tag) =	ssettag $0x1  }
0x1: {  	s1 =	rddreg [dreg:$0x0]  }
0x2: {  	s2 =	srdreg.scid;
	s4 =	rddreg [dreg:$0x1]  }
0x3: {  	s0 =	stileid.u32;
	s5 =	rddreg [dreg:$0x2]  }
0x4: {  	s10 =	rddreg [dreg:$0x3];
	s3 =	simm.s32 $0x0;
	s17 =	simm.s32 $0x1  }
0x5: {  	s18 =	simm.s32 $0x80;
	s19 =	simm.s32 $0x2880;
	s20 =	simm.s32 $0x6880  }
0x6: {  	s21 =	simm.s32 $0xA880;
	s22 =	simm.s32 $0xE880;
	s23 =	simm.s32 $0x2  }
0x7: {  	s8 =	sand.u32 $0x1, s2;
	s24 =	sshll.u32 s0, $0x1;
	s15 =	smul.u32 $0x140000, s0  }
0x8: {  	[smem:$0x7FF] =	sst s3;
	s12 =	sadd.s32 $0x2FE00, s5;
	s26 =	smul.u32 $0x28000, s0  }
0x9: {  	s6 =	sor.u32 s8, s24;
	_ =	strace $0x80000047;
	s16 =	smul.u32 $0xA0000, s8  }
0xa: {  	s13 =	ssub.s32 $0x2, s8;
	s29 =	smul.u32 $0x14000, s8;
	s24 =	simm.s32 $0x3  }
0xb: {  	s7 =	smul.u32 $0x1400, s6;
	s9 =	sshll.u32 s6, $0x4;
	s6 =	sshll.u32 s6, $0x9  }
0xc: {  	s25 =	sshrl.u32 s13, $0x1;
	s31 =	sadd.s32 s26, s10;
	s9 =	sadd.s32 s9, s5  }
0xd: {  	s14 =	sadd.s32 s6, s5;
	s13 =	ssub.s32 s13, s25;
	s28 =	sadd.s32 s16, s15  }
0xe: {  	s15 =	sadd.s32 s29, s31;
	s16 =	simm.s32 $0x12880;
	s25 =	simm.s32 $0x4  }
0xf: {  	s7 =	sshrl.u32 s7, $0x3;
	s6 =	sadd.s32 $0x3A00, s9;
	s8 =	smax.u32 s13, $0x1  }
0x10: {  	s30 =	sshrl.u32 s28, $0x3;
	s13 =	simm.s32 $0x5;
	s11 =	sadd.s32 s7, s5  }
0x11: {  	s4 =	sadd.s32 s4, s7;
	s7 =	sadd.s32 $0x2AFE00, s14;
	s9 =	sadd.s32 s30, s12  }
0x12: {  	s12 =	sadd.s32 s26, s12;
	s10 =	sadd.s32 s30, s10;
	s14 =	simm.s32 $0x2800  }
0x13: {  	s26 =	simm.s32 $0x0;
	s5 =	sadd.s32 $0x2AE00, s11;
	s12 =	sadd.s32 s29, s12  }
0x14: {  	s11 =	sadd.s32 $0x800, s15;
	s15 =	simm.s32 $0x20;
	s12 =	sadd.s32 $0x800, s12  }
.LBB2_1:
0x15: {  	[tilespmem:s3], [sflag:$0x5] =	stream.linear.gather [hbm4b:s4+s3], $0x1400, $0x38;
	[tilespmem:$0x13880] =	vst v63  }
0x16: {  	_ =	swait.ge [sflag:s13], $0x1400  }
0x17: {  	[sflag:s13] =	ssyncset.done $0x0  }
0x18: {  	s28 =	simm.s32 $0x1400;
	[sflag:s13] =	ssyncadd.s32 $0xFFFFEC00  }
0x19: {  	[tilespmem:s28], [sflag:$0x5] =	stream.linear.gather [hbm4b:s5+s3], $0x1400, $0x38;
	[tilespmem:$0x13880] =	vst v63  }
0x1a: {  	_ =	swait.ge [sflag:s13], $0x1400  }
0x1b: {  	[sflag:s13] =	ssyncset.done $0x0  }
0x1c: {  	[sflag:s13] =	ssyncadd.s32 $0xFFFFEC00  }
0x1d: {  	[tilespmem:s14], [sflag:$0x5] =	stream.linear.gather [hbm4b:s6+s3], $0x80, $0x38;
	[tilespmem:$0x13880] =	vst v63  }
0x1e: {  	_ =	swait.ge [sflag:s13], $0x80  }
0x1f: {  	[sflag:s13] =	ssyncset.done $0x0  }
0x20: {  	[sflag:s13] =	ssyncadd.s32 $0xFFFFFF80  }
0x21: {  	[tilespmem:s16], [sflag:$0x1] =	stream.indirect.gather [hbm4b:s1+s15], $0x80, s14, s15, $0xb8;
	[tilespmem:$0x13880] =	vst v63  }
0x22: {  	_ =	swait.ge [sflag:s17], $0x1000  }
0x23: {  	[sflag:s17] =	ssyncset.done $0x0  }
0x24: {  	[sflag:s17] =	ssyncadd.s32 $0xFFFFF000  }
0x25: {  	[hbm4b:s7+s3] =	stream.linear.scatter [tilespmem:s16], [sflag:$0x5], $0x1000, $0x38;
	[tilespmem:$0x13880] =	vst v63  }
0x26: {  	_ =	swait.ge [sflag:s13], $0x1000  }
0x27: {  	[sflag:s13] =	ssyncset.done $0x0  }
0x28: {  	[sflag:s13] =	ssyncadd.s32 $0xFFFFF000  }
0x29: {  	[tilespmem:s19], [sflag:$0x1] =	stream.indirect.gather [hbm4b:s1+s18], $0x80, s3, s18, $0xb8;
	[tilespmem:$0x13880] =	vst v63  }
0x2a: {  	_ = 	snop  }
0x2b: {  	[tilespmem:s20], [sflag:$0x2] =	stream.indirect.gather [hbm4b:s1+s18], $0x80, s28, s18, $0xb8;
	[tilespmem:$0x13880] =	vst v63  }
0x2c: {  	s29 =	simm.s32 $0x80  }
0x2d: {  	[tilespmem:s21], [sflag:$0x3] =	stream.indirect.gather [hbm4b:s1+s18], $0x80, s29, s18, $0xb8;
	[tilespmem:$0x13880] =	vst v63  }
0x2e: {  	s29 =	simm.s32 $0x1480  }
0x2f: {  	[tilespmem:s22], [sflag:$0x4] =	stream.indirect.gather [hbm4b:s1+s18], $0x80, s29, s18, $0xb8;
	[tilespmem:$0x13880] =	vst v63  }
0x30: {  	_ =	swait.ge [sflag:s17], $0x4000  }
0x31: {  	[sflag:s17] =	ssyncset.done $0x0  }
0x32: {  	s29 =	sadd.s32 $0x0, s10;
	[sflag:s17] =	ssyncadd.s32 $0xFFFFC000  }
0x33: {  	[hbm4b:s29+s3] =	stream.linear.scatter [tilespmem:s19], [sflag:$0x5], $0x4000, $0x38;
	[tilespmem:$0x13880] =	vst v63  }
0x34: {  	_ =	swait.ge [sflag:s13], $0x4000  }
0x35: {  	[sflag:s13] =	ssyncset.done $0x0  }
0x36: {  	[sflag:s13] =	ssyncadd.s32 $0xFFFFC000  }
0x37: {  	_ =	swait.ge [sflag:s23], $0x4000  }
0x38: {  	[sflag:s23] =	ssyncset.done $0x0  }
0x39: {  	s29 =	sadd.s32 $0x0, s9;
	[sflag:s23] =	ssyncadd.s32 $0xFFFFC000  }
0x3a: {  	[hbm4b:s29+s3] =	stream.linear.scatter [tilespmem:s20], [sflag:$0x5], $0x4000, $0x38;
	[tilespmem:$0x13880] =	vst v63  }
0x3b: {  	_ =	swait.ge [sflag:s13], $0x4000  }
0x3c: {  	[sflag:s13] =	ssyncset.done $0x0  }
0x3d: {  	[sflag:s13] =	ssyncadd.s32 $0xFFFFC000  }
0x3e: {  	_ =	swait.ge [sflag:s24], $0x4000  }
0x3f: {  	[sflag:s24] =	ssyncset.done $0x0  }
0x40: {  	s29 =	sadd.s32 $0x0, s11;
	[sflag:s24] =	ssyncadd.s32 $0xFFFFC000  }
0x41: {  	[hbm4b:s29+s3] =	stream.linear.scatter [tilespmem:s21], [sflag:$0x5], $0x4000, $0x38;
	[tilespmem:$0x13880] =	vst v63  }
0x42: {  	_ =	swait.ge [sflag:s13], $0x4000  }
0x43: {  	[sflag:s13] =	ssyncset.done $0x0  }
0x44: {  	[sflag:s13] =	ssyncadd.s32 $0xFFFFC000  }
0x45: {  	_ =	swait.ge [sflag:s25], $0x4000  }
0x46: {  	[sflag:s25] =	ssyncset.done $0x0  }
0x47: {  	s29 =	sadd.s32 $0x0, s12;
	[sflag:s25] =	ssyncadd.s32 $0xFFFFC000  }
0x48: {  	[hbm4b:s29+s3] =	stream.linear.scatter [tilespmem:s22], [sflag:$0x5], $0x4000, $0x38;
	[tilespmem:$0x13880] =	vst v63  }
0x49: {  	_ =	swait.ge [sflag:s13], $0x4000  }
0x4a: {  	s30 =	simm.s32 $0x0;
	s29 =	simm.s32 $0x1000;
	[sflag:s13] =	ssyncset.done $0x0  }
.LBB2_2:
0x4b: {  	[sflag:s13] =	ssyncadd.s32 $0xFFFFC000;
	s30 =	sadd.s32 $0x100, s30;
	s28 =	sadd.s32 $0x100, s28  }
0x4c: {  	[tilespmem:s19], [sflag:$0x1] =	stream.indirect.gather [hbm4b:s1+s18], $0x80, s30, s18, $0xb8;
	[tilespmem:$0x13880] =	vst v63  }
0x4d: {  	p0 =	sne.s32 s29, $0x13000;
	s31 =	smov.u32 s29;
	s29 =	sadd.s32 $0x1000, s29  }
0x4e: {  	[tilespmem:s20], [sflag:$0x2] =	stream.indirect.gather [hbm4b:s1+s18], $0x80, s28, s18, $0xb8;
	[tilespmem:$0x13880] =	vst v63  }
0x4f: {  	s2 =	sadd.s32 $0x80, s30  }
0x50: {  	[tilespmem:s21], [sflag:$0x3] =	stream.indirect.gather [hbm4b:s1+s18], $0x80, s2, s18, $0xb8;
	[tilespmem:$0x13880] =	vst v63  }
0x51: {  	s2 =	sadd.s32 $0x80, s28  }
0x52: {  	[tilespmem:s22], [sflag:$0x4] =	stream.indirect.gather [hbm4b:s1+s18], $0x80, s2, s18, $0xb8;
	[tilespmem:$0x13880] =	vst v63  }
0x53: {  	_ =	swait.ge [sflag:s17], $0x4000  }
0x54: {  	[sflag:s17] =	ssyncset.done $0x0  }
0x55: {  	s2 =	sadd.s32 s31, s10;
	[sflag:s17] =	ssyncadd.s32 $0xFFFFC000  }
0x56: {  	[hbm4b:s2+s3] =	stream.linear.scatter [tilespmem:s19], [sflag:$0x5], $0x4000, $0x38;
	[tilespmem:$0x13880] =	vst v63  }
0x57: {  	_ =	swait.ge [sflag:s13], $0x4000  }
0x58: {  	[sflag:s13] =	ssyncset.done $0x0  }
0x59: {  	[sflag:s13] =	ssyncadd.s32 $0xFFFFC000  }
0x5a: {  	_ =	swait.ge [sflag:s23], $0x4000  }
0x5b: {  	[sflag:s23] =	ssyncset.done $0x0  }
0x5c: {  	s2 =	sadd.s32 s31, s9;
	[sflag:s23] =	ssyncadd.s32 $0xFFFFC000  }
0x5d: {  	[hbm4b:s2+s3] =	stream.linear.scatter [tilespmem:s20], [sflag:$0x5], $0x4000, $0x38;
	[tilespmem:$0x13880] =	vst v63  }
0x5e: {  	_ =	swait.ge [sflag:s13], $0x4000  }
0x5f: {  	[sflag:s13] =	ssyncset.done $0x0  }
0x60: {  	[sflag:s13] =	ssyncadd.s32 $0xFFFFC000  }
0x61: {  	_ =	swait.ge [sflag:s24], $0x4000  }
0x62: {  	[sflag:s24] =	ssyncset.done $0x0  }
0x63: {  	s2 =	sadd.s32 s31, s11;
	[sflag:s24] =	ssyncadd.s32 $0xFFFFC000  }
0x64: {  	[hbm4b:s2+s3] =	stream.linear.scatter [tilespmem:s21], [sflag:$0x5], $0x4000, $0x38;
	[tilespmem:$0x13880] =	vst v63  }
0x65: {  	_ =	swait.ge [sflag:s13], $0x4000  }
0x66: {  	[sflag:s13] =	ssyncset.done $0x0  }
0x67: {  	[sflag:s13] =	ssyncadd.s32 $0xFFFFC000  }
0x68: {  	_ =	swait.ge [sflag:s25], $0x4000  }
.Ltmp0:
0x69: {  	[sflag:s25] =	ssyncset.done $0x0;
	(pc) =	sbr.rel @p0 .LBB2_2-.Ltmp0, $4  }
0x6a: {  	s2 =	sadd.s32 s31, s12;
	[sflag:s25] =	ssyncadd.s32 $0xFFFFC000  }
0x6b: {  	[hbm4b:s2+s3] =	stream.linear.scatter [tilespmem:s22], [sflag:$0x5], $0x4000, $0x38;
	[tilespmem:$0x13880] =	vst v63  }
0x6c: {  	_ =	swait.ge [sflag:s13], $0x4000  }
0x6d: {  	[sflag:s13] =	ssyncset.done $0x0  }
0x6e: {  	s26 =	sadd.s32 $0x1, s26  }
0x6f: {  	p0 =	sne.s32 s26, s8  }
.Ltmp1:
0x70: {  	_ = 	snop;
	(pc) =	sbr.rel @p0 .LBB2_1-.Ltmp1, $2  }
0x71: {  	_ =	sdelay $0x2  }
0x72: {  	[sflag:s13] =	ssyncadd.s32 $0xFFFFC000  }
0x73: {  	_ =	sfence.sel $0x180000  }
0x74: {  	[bflag:$0x0] =	sbarrier.arrive $0xFFFF  }
0x75: {  	_ =	strace $0x90000047  }
0x76: {  	[bflag:$0x2] =	sbarrier.arrive $0xFFFF  }
0x77: {  	p0 =	sne.s32 s0, $0x0;
	s0 =	rddreg [dreg:$0x4]  }
0x78: {  	s0 =	sadd.s32 @!p0 $0x100000, s0  }
0x79: {  	[sflag:s0] =	ssyncadd.tile.s32 @!p0 $0x1;
	_ =	shalt  }
.Lfunc_end2:
_tile_overlayer_lowered:
.L_overlay_start_2:
0x7a: {  	(tag) =	ssettag $0x2  }
0x7b: {  	s0 =	rddreg [dreg:$0x0];
	s2 =	stileid.u32  }
0x7c: {  	s1 =	rddreg [dreg:$0x1];
	p0 =	sne.s32 s2, $0x0  }
0x7d: {  	s3 =	rddreg [dreg:$0x2];
	[bflag:$0x3] =	sbarrier.arrive $0xFFFF;
	s2 =	simm.s32 @!p0 $0x1C05  }
0x7e: {  	[timem:s3], [sflag:s2] =	dma.local @!p0 [hbm:s0], s1  }
0x7f: {  	s0 =	simm.s32 @!p0 $0x5  }
0x80: {  	_ =	swait.ge @!p0 [sflag:s0], s1  }
0x81: {  	s1 =	ssub.s32 @!p0 $0x0, s1;
	[sflag:s0] =	ssyncset.done @!p0 $0x0  }
0x82: {  	[sflag:s0] =	ssyncadd.s32 @!p0 s1  }
0x83: {  	[bflag:$0x3] =	sbarrier.arrive $0xFFFF  }
0x84: {  	_ =	shalt  }

// kernel: scatter_offload_async_start
scs
__scs_entry_jumppad:
0x0: {  	(pc) =	sbr.rel $0x88, $3  }
0x1: {  	(tag) =	ssettag $0x0;
	lr =	simm.s32 $0x1  }
0x2: {  	[smem:$0x3F82] =	sst lr;
	_ =	strace $0xD0000000  }
0x3: {  	_ = 	snop  }
0x4: {  	_ = 	snop  }
0x5: {  	_ = 	snop  }
0x6: {  	_ = 	snop  }
0x7: {  	_ = 	snop  }
__scs_overlays_trampoline_lowered:
0x8: {  	[smem:$0x3F91] =	sst s0  }
0x9: {  	[smem:$0x3F92] =	sst s1  }
0xa: {  	[smem:$0x3F93] =	sst s2  }
0xb: {  	[smem:$0x3F94] =	sst s3  }
0xc: {  	[smem:$0x3F95] =	sst s4  }
0xd: {  	[smem:$0x3F96] =	sst s5  }
0xe: {  	[smem:$0x3F97] =	sst s6  }
0xf: {  	[smem:$0x3F98] =	sst s7  }
0x10: {  	[smem:$0x3F99] =	sst s8  }
0x11: {  	[smem:$0x3F9A] =	sst s9;
	s0 =	simm.s32 @!p0 $0x0  }
0x12: {  	s1 =	sld [smem:$0x3F80];
	s0 =	simm.s32 @p0 $0x1  }
0x13: {  	[smem:$0x3F9B] =	sst s0;
	s0 =	simm.s32 @!p1 $0x0  }
0x14: {  	s2 =	sld [smem:$0x3F7F];
	s0 =	simm.s32 @p1 $0x1  }
0x15: {  	[smem:$0x3F9C] =	sst s0;
	s0 =	simm.s32 @!p2 $0x0  }
0x16: {  	s3 =	sld [smem:$0x3FDB];
	s0 =	simm.s32 @p2 $0x1  }
0x17: {  	s4 =	simm.s32 $0x1BF5;
	[smem:$0x3F9E] =	sst s0  }
0x18: {  	s0 =	sld [smem:$0x3F81];
	_ =	swait.ge [sflag:s4], $0x0  }
0x19: {  	s7 =	sld [smem:$0x3F82]  }
0x1a: {  	s8 =	sadd.s32 $0xFFFFE003, lr  }
0x1b: {  	s9 =	sadd.s32 $0xFFFFFEF7, lr;
	s5 =	simm.s32 $0xFFFFFFFF;
	p2 =	slt.u32 s8, $0xFFFFF086  }
0x1c: {  	p1 =	slt.u32 s9, $0xF7A;
	s5 =	simm.s32 @!p2 $0x0  }
0x1d: {  	s5 =	simm.s32 @p1 $0x1;
	p0 =	seq.s32 s7, s2  }
0x1e: {  	s7 =	smul.u32 @!p0 $0xF7A, s2;
	p2 =	seq.s32 @!p0 s5, $0x0  }
0x1f: {  	s9 =	smul.u32 $0xF7A, s1;
	s8 =	simm.s32 @!p0 $0x1BF5;
	p2 =	por !p2, p0  }
0x20: {  	[sflag:s8] =	ssyncset.s32 @!p0 $0xFFFFF086;
	s6 =	sadd.s32 @!p0 s3, s7;
	s7 =	simm.s32 @!p0 $0x108  }
0x21: {  	s3 =	sadd.s32 s3, s9;
	s6 =	sadd.s32 @!p0 $0x88, s6;
	s7 =	simm.s32 @p2 $0x1082  }
0x22: {  	[simem:s7], [sflag:s8] =	dma.local @!p0 [hbm:s6], $0xF7A  }
0x23: {  	s9 =	sor.u32 $0xD0000000, s2;
	s6 =	simm.s32 $0x108;
	_ =	swait.ge @!p0 [sflag:s8], $0x0  }
0x24: {  	s3 =	sadd.s32 $0x88, s3;
	s6 =	simm.s32 @!p1 $0x1082;
	[sflag:s4] =	ssyncset.s32 $0xFFFFF086  }
0x25: {  	[simem:s6], [sflag:s4] =	dma.local [hbm:s3], $0xF7A  }
0x26: {  	[smem:$0x3F82] =	sst s1;
	(tag) =	ssettag s2;
	_ =	strace s9  }
0x27: {  	s1 =	sld [smem:$0x3F92]  }
0x28: {  	s2 =	sld [smem:$0x3F93]  }
0x29: {  	s4 =	sld [smem:$0x3F95]  }
0x2a: {  	p0 =	seq.s32 s5, $0x0;
	s5 =	sld [smem:$0x3F96]  }
0x2b: {  	s6 =	sld [smem:$0x3F97]  }
0x2c: {  	s7 =	sld [smem:$0x3F98]  }
0x2d: {  	s3 =	simm.s32 $0x108;
	s8 =	sld [smem:$0x3F99]  }
0x2e: {  	s3 =	simm.s32 @!p0 $0x1082;
	s9 =	sld [smem:$0x3F9A]  }
0x2f: {  	lr =	sadd.s32 s0, s3;
	s0 =	sld [smem:$0x3F91]  }
0x30: {  	s3 =	sld [smem:$0x3F94]  }
0x31: {  	[smem:$0x3F9D] =	sst s10  }
0x32: {  	s10 =	sld [smem:$0x3F9B];
	_ =	sdelay $0x3  }
0x33: {  	p0 =	seq.s32 s10, $0x1;
	s10 =	sld [smem:$0x3F9D];
	_ =	sdelay $0x3  }
0x34: {  	[smem:$0x3F9D] =	sst s10  }
0x35: {  	s10 =	sld [smem:$0x3F9C];
	_ =	sdelay $0x3  }
0x36: {  	p1 =	seq.s32 s10, $0x1;
	s10 =	sld [smem:$0x3F9D];
	_ =	sdelay $0x3  }
0x37: {  	[smem:$0x3F9D] =	sst s10  }
0x38: {  	s10 =	sld [smem:$0x3F9E]  }
0x39: {  	_ = 	snop;
	(pc) =	sbr.ind lr, $3  }
0x3a: {  	_ = 	snop  }
0x3b: {  	_ = 	snop  }
0x3c: {  	p2 =	seq.s32 s10, $0x1;
	s10 =	sld [smem:$0x3F9D]  }
0x3d: {  	_ =	shalt  }
0x3e: {  	_ =	shalt  }
0x3f: {  	_ =	shalt  }
0x40: {  	_ =	shalt  }
0x41: {  	_ =	shalt  }
0x42: {  	_ =	shalt  }
0x43: {  	_ =	shalt  }
0x44: {  	_ =	shalt  }
0x45: {  	_ =	shalt  }
0x46: {  	_ =	shalt  }
0x47: {  	_ =	shalt  }
0x48: {  	_ =	shalt  }
0x49: {  	_ =	shalt  }
0x4a: {  	_ =	shalt  }
0x4b: {  	_ =	shalt  }
0x4c: {  	_ =	shalt  }
0x4d: {  	_ =	shalt  }
0x4e: {  	_ =	shalt  }
0x4f: {  	_ =	shalt  }
0x50: {  	_ =	shalt  }
0x51: {  	_ =	shalt  }
0x52: {  	_ =	shalt  }
0x53: {  	_ =	shalt  }
0x54: {  	_ =	shalt  }
0x55: {  	_ =	shalt  }
0x56: {  	_ =	shalt  }
0x57: {  	_ =	shalt  }
0x58: {  	_ =	shalt  }
0x59: {  	_ =	shalt  }
0x5a: {  	_ =	shalt  }
0x5b: {  	_ =	shalt  }
0x5c: {  	_ =	shalt  }
0x5d: {  	_ =	shalt  }
0x5e: {  	_ =	shalt  }
0x5f: {  	_ =	shalt  }
0x60: {  	_ =	shalt  }
0x61: {  	_ =	shalt  }
0x62: {  	_ =	shalt  }
0x63: {  	_ =	shalt  }
0x64: {  	_ =	shalt  }
0x65: {  	_ =	shalt  }
0x66: {  	_ =	shalt  }
0x67: {  	_ =	shalt  }
0x68: {  	_ =	shalt  }
0x69: {  	_ =	shalt  }
0x6a: {  	_ =	shalt  }
0x6b: {  	_ =	shalt  }
0x6c: {  	_ =	shalt  }
0x6d: {  	_ =	shalt  }
0x6e: {  	_ =	shalt  }
0x6f: {  	_ =	shalt  }
0x70: {  	_ =	shalt  }
0x71: {  	_ =	shalt  }
0x72: {  	_ =	shalt  }
0x73: {  	_ =	shalt  }
0x74: {  	_ =	shalt  }
0x75: {  	_ =	shalt  }
0x76: {  	_ =	shalt  }
0x77: {  	_ =	shalt  }
0x78: {  	_ =	shalt  }
0x79: {  	_ =	shalt  }
0x7a: {  	_ =	shalt  }
0x7b: {  	_ =	shalt  }
0x7c: {  	_ =	shalt  }
0x7d: {  	_ =	shalt  }
0x7e: {  	_ =	shalt  }
0x7f: {  	_ =	shalt  }
0x80: {  	_ =	shalt  }
0x81: {  	_ =	shalt  }
0x82: {  	_ =	shalt  }
0x83: {  	_ =	shalt  }
0x84: {  	_ =	shalt  }
0x85: {  	_ =	shalt  }
0x86: {  	_ =	shalt  }
0x87: {  	_ =	shalt  }
.Lfunc_end0:
.L_simem_size_0:
called_computation_lowered:
.L_overlay_start_0:
0x88: {  	s2 =	sld [smem:$0x3FD9]  }
0x89: {  	s3 =	sld [smem:$0x3FFE];
	_ =	sdelay $0x1  }
0x8a: {  	s1 =	srdreg.scid  }
0x8b: {  	s0 =	sand.u32 $0x1, s1  }
0x8c: {  	s13 =	sshll.u32 s0, $0xA;
	s2 =	sadd.s32 s3, s2  }
0x8d: {  	s2 =	sadd.s32 s2, s13  }
0x8e: {  	[smem:$0x3FA9] =	sst s2  }
0x8f: {  	_ = 	snop  }
0x90: {  	s2 =	sld [smem:$0x3FD0];
	_ =	sdelay $0x2  }
0x91: {  	s14 =	simm.s32 $0xA;
	s4 =	simm.s32 $0x10  }
0x92: {  	[smem:s4], [sflag:s14] =	dma.local [hbm:s2], $0x1  }
0x93: {  	_ =	swait.eq [sflag:s14], $0x1  }
0x94: {  	[sflag:s14] =	ssyncset.done $0x0  }
0x95: {  	[sflag:s14] =	ssyncadd.s32 $0xFFFFFFFF  }
0x96: {  	s15 =	sld [smem:$0x10];
	(tm) =	ssettm $0x1  }
0x97: {  	s16 =	sld [smem:$0x3FFB];
	_ =	sdelay $0x3  }
0x98: {  	_ =	strace s16  }
0x99: {  	s3 =	sld [smem:$0x3FFC];
	_ =	sdelay $0x3  }
0x9a: {  	_ =	strace s3  }
0x9b: {  	s3 =	sld [smem:$0x3FFD];
	_ =	sdelay $0x3  }
0x9c: {  	_ =	strace s3  }
0x9d: {  	_ =	strace $0x8FFFFFFF  }
0x9e: {  	s17 =	sld [smem:$0x3FDB];
	_ =	sdelay $0x1  }
0x9f: {  	s18 =	simm.s32 $_scs_section_size  }
0xa0: {  	s5 =	simm.s32 $_size__tile_overlayer_lowered;
	s6 =	simm.s32 $_tile_overlayer_lowered  }
0xa1: {  	s21 =	simm.s32 $0x1BFF;
	s20 =	sshll.u32 s6, $0x1;
	s3 =	sadd.s32 s18, s17  }
0xa2: {  	s7 =	simm.s32 $0x0;
	s19 =	sshll.u32 s5, $0x1;
	s5 =	sadd.s32 s20, s3  }
0xa3: {  	[timem:s7], [sflag:s21] =	dma.local [hbm:s5], s19  }
0xa4: {  	_ =	swait.ge [sflag:s21], s19  }
0xa5: {  	s4 =	ssub.s32 $0x0, s19;
	[sflag:s21] =	ssyncset.done $0x0  }
0xa6: {  	[sflag:s21] =	ssyncadd.s32 s4;
	_ =	sdelay $0x1  }
0xa7: {  	s22 =	simm.s32 $0x1B8B  }
0xa8: {  	_ =	swait.ge [sflag:s22], $0x1  }
0xa9: {  	[sflag:s22] =	ssyncset.done $0x0  }
0xaa: {  	s23 =	sld [smem:$0x3FFE];
	[sflag:s22] =	ssyncadd.s32 $0xFFFFFFFF  }
0xab: {  	s25 =	simm.s32 $0x1B8E;
	s24 =	sld [smem:$0x0]  }
0xac: {  	s26 =	simm.s32 $execute0_lowered;
	[smem:$0x3FD2] =	sst s25  }
0xad: {  	s6 =	sshll.u32 s26, $0x1;
	_ =	strace $0x80000049;
	[dreg:$0x1] =	wrdreg $0xFFFFFFFF  }
0xae: {  	s28 =	simm.s32 $_size_execute0_lowered;
	s3 =	sadd.s32 s3, s6;
	[dreg:$0x0] =	wrdreg $0x0  }
0xaf: {  	s6 =	sshll.u32 s28, $0x1;
	[dreg:$0x2] =	wrdreg s3  }
0xb0: {  	[dreg:$0x3] =	wrdreg s6  }
0xb1: {  	[dreg:$0x4] =	wrdreg $0xC0  }
0xb2: {  	_ =	task [dreg:s7], $0x5FFFF  }
0xb3: {  	[dreg:$0x1] =	wrdreg $0xFFFFFFFF  }
0xb4: {  	[dreg:$0x0] =	wrdreg $0x60  }
0xb5: {  	[dreg:$0x2] =	wrdreg s15  }
0xb6: {  	[dreg:$0x3] =	wrdreg s23  }
0xb7: {  	[dreg:$0x4] =	wrdreg s1  }
0xb8: {  	[dreg:$0x5] =	wrdreg s24  }
0xb9: {  	[dreg:$0x6] =	wrdreg $0x9  }
0xba: {  	_ =	task.clear_ibuf [dreg:s7], $0x7FFFF;
	_ =	strace $0x90000049  }
0xbb: {  	s29 =	simm.s32 $0x9;
	_ =	strace $0x8000004B  }
0xbc: {  	_ =	swait.ge [sflag:s29], $0x1  }
0xbd: {  	[sflag:s29] =	ssyncadd.s32 $0xFFFFFFFF  }
0xbe: {  	_ =	strace $0x9000004B  }
0xbf: {  	_ =	sfence  }
0xc0: {  	s30 =	sld [smem:$0x0];
	_ =	sdelay $0x2  }
0xc1: {  	s31 =	sshll.u32 s1, $0xD;
	s1 =	sshrl.u32 s1, $0x2  }
0xc2: {  	s3 =	sand.u32 $0x4000, s31;
	s1 =	sadd.s32 s1, s30  }
0xc3: {  	s0 =	sor.u32 s3, s0;
	s1 =	sshll.u32 s1, $0x11  }
0xc4: {  	s0 =	sor.u32 s1, s0  }
0xc5: {  	s0 =	sadd.s32 $0x8F2B, s0  }
0xc6: {  	[sflag:s0] =	ssyncadd.remote.s32 $0x1  }
0xc7: {  	_ =	sfence.sel $0xFFFF  }
0xc8: {  	[dreg:$0x0] =	wrdreg $0xFFFFFFFF;
	(pc) =	sbr.abs _section_cstart, $3  }
0xc9: {  	[dreg:$0x1] =	wrdreg $0xFFFFFFFF  }
0xca: {  	_ =	task.clear_ibuf [dreg:s7], $0x2FFFF;
	_ =	strace $0x9FFFFFFF  }
0xcb: {  	(tm) =	ssettm $0x7FFFFFFF  }
tec
execute0_lowered:
.L_overlay_start_1:
0x0: {  	(tag) =	ssettag $0x1  }
0x1: {  	s1 =	rddreg [dreg:$0x0]  }
0x2: {  	s2 =	rddreg [dreg:$0x1]  }
0x3: {  	s3 =	rddreg [dreg:$0x2];
	_ =	strace $0x8000004A;
	s0 =	simm.s32 $0x1  }
0x4: {  	s5 =	simm.s32 $0x208;
	v0 =	vimm.s32 $0x0;
	[sflag:s0] =	ssyncpa.u1 $0x0  }
0x5: {  	[tilespmem:s5+$0x70] =	vst v0  }
0x6: {  	[tilespmem:s5+$0x60] =	vst v0  }
0x7: {  	[tilespmem:s5+$0x50] =	vst v0  }
0x8: {  	[tilespmem:s5+$0x40] =	vst v0  }
0x9: {  	[tilespmem:s5+$0x30] =	vst v0  }
0xa: {  	s0 =	sadd.s32 $0x2B3E00, s2;
	s6 =	sadd.s32 $0x79FE00, s2;
	[tilespmem:s5+$0x20] =	vst v0  }
0xb: {  	s4 =	sadd.s32 $0x2B8E00, s2;
	s10 =	sand.u32 $0x1, s3;
	s2 =	simm.s32 $0x40;
	[tilespmem:s5+$0x10] =	vst v0  }
.LBB2_1:
0xc: {  	s2 =	sadd.s32 $0x40, s2;
	[tilespmem:s5+$0x0] =	vst v0;
	s5 =	sadd.s32 $0x80, s5  }
0xd: {  	p0 =	slt.u32 s2, $0x3880;
	[tilespmem:s5+$0x70] =	vst v0  }
0xe: {  	[tilespmem:s5+$0x60] =	vst v0  }
.Ltmp0:
0xf: {  	[tilespmem:s5+$0x50] =	vst v0;
	(pc) =	sbr.rel @p0 .LBB2_1-.Ltmp0, $4  }
0x10: {  	[tilespmem:s5+$0x40] =	vst v0  }
0x11: {  	[tilespmem:s5+$0x30] =	vst v0  }
0x12: {  	[tilespmem:s5+$0x20] =	vst v0  }
0x13: {  	[tilespmem:s5+$0x10] =	vst v0  }
0x14: {  	s11 =	stileid.u32  }
0x15: {  	s2 =	smul.u32 $0x2C, s11  }
0x16: {  	s3 =	smin.u32 s11, $0xB  }
0x17: {  	s2 =	sadd.s32 s3, s2  }
0x18: {  	p0 =	slt.u32 s11, $0xB;
	s20 =	smul.u32 $0x70, s2;
	s2 =	simm.s32 $0x13B0  }
0x19: {  	s2 =	simm.s32 @!p0 $0x1340  }
0x1a: {  	s2 =	sadd.s32 s2, s20  }
0x1b: {  	s8 =	smin.u32 s2, $0x13880  }
0x1c: {  	s26 =	simm.s32 $0x2;
	s2 =	ssub.s32 s8, s20  }
0x1d: {  	s9 =	simm.s32 $0x9;
	s29 =	simm.s32 $0xA;
	p0 =	sgt.s32 s2, $0x0  }
0x1e: {  	s30 =	simm.s32 $0xB;
	s31 =	smul.u32 $0x2710, s10;
	s2 =	simm.s32 @!p0 $0x0  }
0x1f: {  	[dreg:$0x5] =	wrdreg s10;
	s12 =	simm.s32 $0x1;
	s25 =	smulhi.u32 $0x92492493, s2  }
0x20: {  	s24 =	simm.s32 $0x0;
	p1 =	por $0x0, $0x0;
	s18 =	simm.s32 $0x80  }
0x21: {  	s19 =	simm.s32 $0x400;
	s17 =	simm.s32 $0xC;
	s3 =	sshrl.u32 s25, $0x6  }
0x22: {  	s21 =	simm.s32 $0x0;
	s23 =	simm.s32 $0x0;
	s28 =	smul.u32 $0x70, s3  }
.Ltmp1:
0x23: {  	[tilespmem:s5+$0x0] =	vst v0;
	v0 =	vimm.s32 $0xFFFFFFFF;
	[sflag:s26] =	ssyncpa.u1 $0x0;
	s16 =	sshll.u32 s11, $0x9;
	(pc) =	sbr.rel .LBB2_3-.Ltmp1, $4  }
0x24: {  	[tilespmem:$0xE408] =	vst v0;
	[sflag:s9] =	ssyncpa.u1 $0x0;
	p0 =	sne.s32 s2, s28;
	s2 =	simm.s32 $0x1  }
0x25: {  	s14 =	sadd.s32 s31, s4;
	[sflag:s29] =	ssyncpa.u1 $0x0;
	s2 =	simm.s32 @!p0 $0x0  }
0x26: {  	s15 =	sadd.s32 s31, s0;
	[sflag:s30] =	ssyncpa.u1 $0x0;
	s13 =	sadd.s32 s2, s3  }
0x27: {  	v0 =	vlaneseq.u32;
	s22 =	smov.u32 s20;
	p0 =	por $0x1, $0x1;
	s11 =	sadd.s32 $0x1, s13  }
.LBB2_24:
0x28: {  	s2 =	sshrl.u32 s4, $0x2  }
.LBB2_26:
0x29: {  	_ =	swait.ge [sflag:s17], s2  }
0x2a: {  	s31 =	ssub.s32 $0x0, s2;
	v1 =	vmov s26;
	vm0 =	veq.s32 v0, $0x0;
	[sflag:s17] =	ssyncset.done $0x0  }
0x2b: {  	vm15 =	veq.s32 v0, $0x2;
	v1 =	vsel vm0, s0, v1;
	[sflag:s17] =	ssyncadd.s32 s31  }
0x2c: {  	v1 =	vsel vm15, s24, v1;
	[sflag:s17] =	ssyncpa.u1 $0x1  }
0x2d: {  	[tilespmem:$0xE408] =	vst v1  }
.LBB2_27:
0x2e: {  	s0 =	sadd.s32 $0x70, s22  }
0x2f: {  	s2 =	smov.u32 s20;
	p2 =	slt.s32 s0, s8  }
0x30: {  	s2 =	smov.u32 @p2 s0;
	p2 =	sne.s32 s23, s11  }
.Ltmp2:
0x31: {  	_ = 	snop;
	(pc) =	sbr.rel @!p2 .LBB2_28-.Ltmp2, $4  }
0x32: {  	_ = 	snop  }
0x33: {  	s24 =	smov.u32 s21  }
0x34: {  	s31 =	sadd.s32 $0x1, s23;
	s21 =	smov.u32 s22;
	p0 =	por !p0, !p0  }
0x35: {  	p1 =	por !p1, !p1;
	s23 =	smov.u32 s31;
	s22 =	smov.u32 s2  }
.LBB2_3:
0x36: {  	p2 =	sge.u32 s23, s13  }
0x37: {  	s0 =	smulhi.u32 @!p2 $0xAAAAAAAB, s23  }
0x38: {  	s2 =	smov.u32 s22;
	p3 =	sgt.s32 @!p2 s22, $0x13810  }
0x39: {  	s3 =	sshra.s32 @!p2 s22, $0x1F;
	p3 =	por !p3, p2;
	s0 =	sshrl.u32 @!p2 s0, $0x1  }
0x3a: {  	s3 =	sand.u32 @!p2 s3, s22;
	s2 =	simm.s32 @p3 $0x13810;
	s0 =	smul.u32 @!p2 $0x3, s0  }
0x3b: {  	s2 =	ssub.s32 @!p2 s2, s3  }
0x3c: {  	s2 =	sadd.s32 @!p2 $0xFFFEC7F0, s2;
	s0 =	ssub.s32 @!p2 s23, s0  }
0x3d: {  	s3 =	sshll.u32 @!p2 s2, $0x2;
	p3 =	sgt.s32 @!p2 s2, $0x6F;
	s0 =	smul.u32 @!p2 $0x1C0, s0  }
0x3e: {  	s4 =	sand.u32 @!p2 $0x7, s22;
	s2 =	ssub.s32 @!p2 $0x1C0, s3;
	p3 =	por !p3, p2  }
0x3f: {  	s3 =	sshrl.u32 @!p2 s22, $0x3;
	s2 =	sshrl.u32 @!p2 s2, $0x2;
	s0 =	sshrl.u32 @!p2 s0, $0x2  }
0x40: {  	s3 =	sadd.s32 @!p2 s3, s14;
	s2 =	simm.s32 @!p3 $0x0;
	s0 =	sadd.s32 @!p2 $0x10448, s0  }
0x41: {  	[tilespmem:s0], [sflag:$0xA] =	stream.linear.gather @!p2 [hbm4b:s3+s4], s2, $0x38;
	[tilespmem:$0x1E678] =	vst v63  }
0x42: {  	s2 =	sadd.s32 $0xFFFFFFFF, s23  }
0x43: {  	p2 =	sge.u32 s2, s13  }
0x44: {  	p3 =	sgt.s32 @!p2 s21, $0x13810  }
0x45: {  	s0 =	smov.u32 s21;
	s3 =	sshra.s32 @!p2 s21, $0x1F;
	p3 =	por !p3, p2  }
0x46: {  	s3 =	sand.u32 @!p2 s3, s21;
	s0 =	simm.s32 @p3 $0x13810  }
0x47: {  	s0 =	ssub.s32 @!p2 s0, s3  }
0x48: {  	s0 =	sadd.s32 @!p2 $0xFFFEC7F0, s0  }
0x49: {  	s3 =	sshll.u32 @!p2 s0, $0x2  }
0x4a: {  	p3 =	sgt.s32 @!p2 s0, $0x6F;
	s0 =	ssub.s32 @!p2 $0x1C0, s3  }
0x4b: {  	p3 =	por !p3, p2;
	s0 =	sshrl.u32 @!p2 s0, $0x2  }
0x4c: {  	s4 =	simm.s32 @!p2 $0xA;
	s3 =	sand.u32 @!p2 $0x1, s2;
	s0 =	simm.s32 @!p3 $0x0  }
0x4d: {  	s3 =	smul.u32 @!p2 $0x1C0, s3;
	_ =	swait.ge @!p2 [sflag:s4], s0  }
0x4e: {  	s5 =	ssub.s32 @!p2 $0x0, s0;
	[sflag:s4] =	ssyncset.done @!p2 $0x0  }
0x4f: {  	s3 =	sshrl.u32 @!p2 s3, $0x2;
	[sflag:s4] =	ssyncadd.s32 @!p2 s5;
	s4 =	sshrl.u32 @!p2 s21, $0x3  }
0x50: {  	s3 =	sadd.s32 @!p2 $0x10598, s3;
	s5 =	sand.u32 @!p2 $0x7, s21;
	s4 =	sadd.s32 @!p2 s4, s15  }
0x51: {  	[tilespmem:s3], [sflag:$0xB] =	stream.linear.gather @!p2 [hbm4b:s4+s5], s0, $0x38;
	[tilespmem:$0x1E678] =	vst v63  }
0x52: {  	s0 =	ssub.s32 @!p2 $0x13880, s21  }
0x53: {  	p3 =	slt.s32 @!p2 s0, $0x1  }
0x54: {  	p3 =	por p2, p3  }
.Ltmp3:
0x55: {  	_ = 	snop;
	(pc) =	sbr.rel @p3 .LBB2_9-.Ltmp3, $1  }
0x56: {  	_ =	sdelay $0x3  }
0x57: {  	s3 =	smulhi.u32 $0xAAAAAAAB, s2;
	_ =	sdelay $0x1  }
0x58: {  	s3 =	sshrl.u32 s3, $0x1  }
0x59: {  	s3 =	smul.u32 $0x3, s3;
	_ =	sdelay $0x1  }
0x5a: {  	s30 =	ssub.s32 s2, s3  }
0x5b: {  	s4 =	simm.s32 $0x1;
	s2 =	smul.u32 $0x1C0, s30  }
.Ltmp4:
0x5c: {  	s4 =	simm.s32 @!p0 $0x0;
	(pc) =	sbr.rel .LBB2_6-.Ltmp4, $4  }
0x5d: {  	s31 =	smul.u32 $0x1C000, s4  }
0x5e: {  	p3 =	slt.s32 @!p2 s0, $0x70;
	s2 =	sshrl.u32 s2, $0x2  }
0x5f: {  	p2 =	por !p3, p2;
	s3 =	sshrl.u32 s31, $0x2;
	s5 =	sadd.s32 $0x10448, s2  }
0x60: {  	s0 =	simm.s32 @p2 $0x70;
	s4 =	sor.u32 $0x10678, s3;
	s2 =	simm.s32 $0x0;
	v1 =	vmov s5  }
.LBB2_5:
0x61: {  	p2 =	sge.s32 s2, s0  }
.Ltmp5:
0x62: {  	_ = 	snop;
	(pc) =	sbr.rel @p2 .LBB2_9-.Ltmp5, $2  }
0x63: {  	_ =	sdelay $0x2  }
0x64: {  	s4 =	sadd.s32 $0x1000, s4  }
.LBB2_6:
0x65: {  	p2 =	sle.s32 s0, s2  }
.Ltmp6:
0x66: {  	_ = 	snop;
	(pc) =	sbr.rel @p2 .LBB2_5-.Ltmp6, $2  }
0x67: {  	_ =	sdelay $0x2  }
0x68: {  	s5 =	smov.u32 s2;
	s2 =	sadd.s32 $0x10, s2  }
0x69: {  	s3 =	ssub.s32 s0, s5  }
0x6a: {  	p2 =	slt.s32 s3, $0x10  }
0x6b: {  	s3 =	simm.s32 @!p2 $0x10  }
0x6c: {  	v2 =	vmov s3  }
0x6d: {  	vm0 =	vgt.s32 v2, v0;
	_ =	sdelay $0x5  }
0x6e: {  	v2 =	vld.idx.msk [tilespmem:v1+s5+$0x0 ss:$0x1], vm0;
	_ =	sdelay $0x2  }
0x6f: {  	p2 =	slt.s32 s2, s0;
	s3 =	smov.u32 s0  }
0x70: {  	s9 =	smov.u32 s4;
	s25 =	simm.s32 $0x0;
	s3 =	smov.u32 @p2 s2  }
.LBB2_8:
0x71: {  	(v2sf) =	vpush v2, s25;
	_ =	sdelay $0xe  }
0x72: {  	s25 =	sadd.s32 $0x1, s25;
	s10 =	spop (v2sf)  }
0x73: {  	s31 =	sadd.s32 s25, s5;
	s26 =	sshll.u32 s10, $0x8;
	s10 =	sshll.u32 s10, $0x7  }
0x74: {  	p2 =	slt.s32 s31, s3;
	s26 =	sand.u32 $0xFFFFF800, s26;
	s10 =	sand.u32 $0x380, s10  }
.Ltmp7:
0x75: {  	s10 =	sor.u32 s10, s26;
	(pc) =	sbr.rel @p2 .LBB2_8-.Ltmp7, $4  }
0x76: {  	s10 =	sshrl.u32 s10, $0x3  }
0x77: {  	s10 =	sadd.s32 s6, s10  }
0x78: {  	[tilespmem:s9], [sflag:$0x9] =	stream.strided.gather [hbm4b:s10+s18], $0x100, s19, s18, $0x38;
	[tilespmem:$0x1E678] =	vst v63  }
0x79: {  	s9 =	sadd.s32 $0x100, s9  }
.Ltmp8:
0x7a: {  	_ = 	snop;
	(pc) =	sbr.rel .LBB2_5-.Ltmp8, $1  }
0x7b: {  	_ =	sdelay $0x3  }
.LBB2_9:
0x7c: {  	p2 =	slt.u32 s23, $0x2  }
.Ltmp9:
0x7d: {  	_ = 	snop;
	(pc) =	sbr.rel @p2 .LBB2_27-.Ltmp9, $1  }
0x7e: {  	_ =	sdelay $0x3  }
0x7f: {  	p2 =	sgt.s32 s24, $0x13810  }
0x80: {  	s0 =	smov.u32 s24;
	s2 =	sshra.s32 s24, $0x1F;
	s3 =	ssub.s32 $0x13880, s24  }
0x81: {  	s0 =	simm.s32 @!p2 $0x13810;
	s2 =	sand.u32 s2, s24;
	p2 =	slt.s32 s3, $0x70  }
0x82: {  	s0 =	ssub.s32 s0, s2;
	s3 =	simm.s32 @!p2 $0x70  }
0x83: {  	s0 =	sadd.s32 $0xFFFEC7F0, s0;
	s9 =	sshll.u32 s3, $0x8  }
0x84: {  	s26 =	simm.s32 $0x9;
	s10 =	sshll.u32 s0, $0x2;
	s2 =	sand.u32 $0x3FFFFF00, s9  }
0x85: {  	p2 =	sgt.s32 s0, $0x6F;
	s25 =	ssub.s32 $0x1C0, s10;
	_ =	swait.ge [sflag:s26], s2  }
0x86: {  	s2 =	ssub.s32 $0x0, s2;
	[sflag:s26] =	ssyncset.done $0x0;
	s0 =	sshrl.u32 s25, $0x2  }
0x87: {  	s29 =	simm.s32 $0xB;
	[sflag:s26] =	ssyncadd.s32 s2;
	s0 =	simm.s32 @p2 $0x0  }
0x88: {  	_ =	swait.ge [sflag:s29], s0  }
0x89: {  	s0 =	ssub.s32 $0x0, s0;
	[sflag:s29] =	ssyncset.done $0x0  }
0x8a: {  	[sflag:s29] =	ssyncadd.s32 s0  }
0x8b: {  	v1 =	vld [tilespmem:$0xE408];
	_ =	sdelay $0x4  }
0x8c: {  	(v2sf) =	vpush v1, $0x0  }
0x8d: {  	(v2sf) =	vpush v1, $0x1  }
0x8e: {  	(v2sf) =	vpush v1, $0x2;
	_ =	sdelay $0x3  }
0x8f: {  	s0 =	sadd.s32 $0x70, s24  }
0x90: {  	s2 =	ssub.s32 $0x27100, s24;
	p2 =	slt.s32 s8, s0  }
0x91: {  	s0 =	smov.u32 @p2 s8;
	p2 =	sgt.s32 s2, $0x0  }
0x92: {  	s0 =	ssub.s32 s0, s24;
	s2 =	simm.s32 @!p2 $0x0  }
0x93: {  	p2 =	slt.s32 s2, s0  }
0x94: {  	s0 =	smov.u32 @p2 s2  }
0x95: {  	s4 =	simm.s32 $0x1;
	p2 =	slt.s32 s0, $0x1  }
.Ltmp10:
0x96: {  	s4 =	simm.s32 @!p1 $0x0;
	(pc) =	sbr.rel @p2 .LBB2_14-.Ltmp10, $4  }
0x97: {  	s30 =	smul.u32 $0x1C0, s4  }
0x98: {  	s5 =	spop (v2sf)  }
0x99: {  	s31 =	sshrl.u32 s30, $0x2;
	s28 =	spop (v2sf)  }
0x9a: {  	s25 =	sadd.s32 $0x10598, s31;
	s24 =	spop (v2sf)  }
0x9b: {  	s2 =	smin.u32 s0, $0x10  }
0x9c: {  	v1 =	vmov s2  }
0x9d: {  	vm1 =	vgt.u32 v1, v0  }
0x9e: {  	p3 =	sgt.s32 s0, $0x10  }
.Ltmp11:
0x9f: {  	_ = 	snop;
	(pc) =	sbr.rel @!p3 .LBB2_13-.Ltmp11, $2  }
0xa0: {  	_ =	sdelay $0x2  }
0xa1: {  	s26 =	simm.s32 $0x10;
	s29 =	sadd.s32 $0xFFFFFFF0, s0;
	s2 =	smov.u32 s25;
	vm0 =	vmmov vm1;
	v1 =	vld.msk [tilespmem:s25+$0x0 ss:$0x1], vm1  }
.LBB2_12:
0xa2: {  	s3 =	smin.u32 s29, $0x10;
	s26 =	sadd.s32 $0x10, s26  }
0xa3: {  	v2 =	vmov s3;
	p3 =	slt.s32 s26, s0  }
0xa4: {  	vm1 =	vgt.u32 v2, v0;
	_ =	sdelay $0x1  }
0xa5: {  	v2 =	vshll.u32 v1, $0x5;
	v1 =	vshll.u32 v1, $0x4  }
.Ltmp12:
0xa6: {  	v2 =	vand.u32 $0xFFFFFF00, v2;
	v1 =	vand.u32 $0x70, v1;
	(pc) =	sbr.rel @p3 .LBB2_12-.Ltmp12, $4  }
0xa7: {  	v1 =	vor.u32 v1, v2  }
0xa8: {  	[tilespmem:s2+$0x0] =	vst.msk vm0, v1;
	s2 =	sadd.s32 $0x10, s2;
	vm0 =	vmmov vm1  }
0xa9: {  	v1 =	vld.msk [tilespmem:s2+$0x0 ss:$0x1], vm1  }
0xaa: {  	s29 =	sadd.s32 $0xFFFFFFF0, s29  }
.LBB2_13:
0xab: {  	_ =	sdelay $0x3  }
0xac: {  	v2 =	vshll.u32 v1, $0x5;
	v1 =	vshll.u32 v1, $0x4  }
0xad: {  	v2 =	vand.u32 $0xFFFFFF00, v2;
	v1 =	vand.u32 $0x70, v1  }
0xae: {  	v1 =	vor.u32 v1, v2  }
0xaf: {  	[tilespmem:s2+$0x0] =	vst.msk vm0, v1  }
.LBB2_14:
0xb0: {  	s2 =	sand.u32 $0x1, s23  }
0xb1: {  	s2 =	smul.u32 $0x70, s2  }
0xb2: {  	p3 =	sne.s32 s28, $0xFFFFFFFF  }
0xb3: {  	v1 =	vld.msk @!p3 [tilespmem:s2+$0x10598], $0x1;
	_ =	sdelay $0x4  }
0xb4: {  	(v2sf) =	vpush @!p3 v1, $0x0;
	_ =	sdelay $0xc  }
.Ltmp13:
0xb5: {  	_ = 	snop;
	(pc) =	sbr.rel @p2 .LBB2_25-.Ltmp13, $4  }
0xb6: {  	_ = 	snop  }
0xb7: {  	s31 =	spop @!p3 (v2sf)  }
0xb8: {  	s24 =	simm.s32 @!p3 $0x0;
	s26 =	smov.u32 s31  }
0xb9: {  	[sflag:s17] =	ssyncpa.u1 $0x0;
	s31 =	smov.u32 @p3 s5;
	s26 =	smov.u32 @p3 s28  }
0xba: {  	v1 =	vld.msk [tilespmem:s25+$0x0], $0x1;
	_ =	sdelay $0x4  }
0xbb: {  	(v2sf) =	vpush v1, $0x0;
	_ =	sdelay $0xe  }
0xbc: {  	s7 =	smov.u32 s11;
	s5 =	spop (v2sf)  }
0xbd: {  	s17 =	smov.u32 s15;
	s2 =	smul.u32 $0x1C000, s4;
	p2 =	seq.s32 s31, s5  }
0xbe: {  	s3 =	smov.u32 s31;
	s29 =	ssub.s32 $0x0, s0;
	p3 =	sgt.s32 @!p2 s31, $0x0  }
0xbf: {  	s30 =	simm.s32 $0x0;
	s2 =	sshrl.u32 s2, $0x2;
	p3 =	por !p3, p2  }
0xc0: {  	s0 =	sadd.s32 $0x1, s29;
	s28 =	sor.u32 $0x106F8, s2;
	s3 =	simm.s32 @p3 $0x0  }
0xc1: {  	s2 =	simm.s32 @!p2 $0x1;
	p3 =	seq.s32 s0, $0x0;
	s3 =	smin.u32 @!p2 s3, $0x4E170  }
.Ltmp14:
0xc2: {  	s4 =	simm.s32 @!p2 $0x7308;
	s9 =	sand.u32 @!p2 $0x7FFF8, s3;
	(pc) =	sbr.rel @p3 .LBB2_17-.Ltmp14, $4  }
0xc3: {  	s10 =	sadd.s32 @!p2 $0x80, s3;
	s11 =	sadd.s32 @!p2 s1, s9;
	s9 =	sand.u32 @!p2 $0x7, s3  }
0xc4: {  	[tilespmem:s4], [sflag:$0x2] =	stream.linear.gather @!p2 [hbm4b:s11+s9], $0x80, $0x38;
	[tilespmem:$0x1E678] =	vst v63  }
0xc5: {  	s15 =	smov.u32 s14;
	s2 =	smov.u32 @p2 s30;
	s4 =	sand.u32 @!p2 $0xFFFF8, s10  }
0xc6: {  	s3 =	simm.s32 @!p2 $0x7388;
	s10 =	sadd.s32 @!p2 s1, s4;
	s4 =	sadd.s32 $0x1, s25  }
.LBB2_16:
0xc7: {  	s11 =	smov.u32 s2  }
0xc8: {  	[tilespmem:s3], [sflag:$0x2] =	stream.linear.gather @!p2 [hbm4b:s10+s9], $0x80, $0x38;
	[tilespmem:$0x1E678] =	vst v63  }
0xc9: {  	s0 =	sadd.s32 $0x1, s0;
	s9 =	smov.u32 s5;
	v1 =	vld.msk [tilespmem:s4+$0x0], $0x1  }
0xca: {  	p3 =	seq.s32 s0, $0x0;
	_ =	sdelay $0x3  }
0xcb: {  	(v2sf) =	vpush v1, $0x0;
	_ =	sdelay $0xe  }
0xcc: {  	s5 =	spop (v2sf)  }
0xcd: {  	p2 =	seq.s32 s9, s5  }
0xce: {  	p4 =	sgt.s32 @!p2 s9, $0x0;
	s3 =	sshll.u32 @!p2 s2, $0xA;
	s2 =	sadd.s32 @!p2 $0x1, s2  }
0xcf: {  	p4 =	por !p4, p2;
	s3 =	sshra.s32 @!p2 s3, $0x2;
	s2 =	smov.u32 @p2 s11  }
0xd0: {  	s9 =	simm.s32 @p4 $0x0;
	s10 =	sadd.s32 @!p2 $0x7308, s3;
	s3 =	sadd.s32 @!p2 $0x7388, s3  }
.Ltmp15:
0xd1: {  	s9 =	smin.u32 @!p2 s9, $0x4E170;
	(pc) =	sbr.rel @!p3 .LBB2_16-.Ltmp15, $4  }
0xd2: {  	s11 =	sand.u32 @!p2 $0x7FFF8, s9;
	s14 =	sadd.s32 @!p2 $0x80, s9  }
0xd3: {  	s9 =	sand.u32 @!p2 $0x7, s9;
	s11 =	sadd.s32 @!p2 s1, s11;
	s14 =	sand.u32 @!p2 $0xFFFF8, s14  }
0xd4: {  	[tilespmem:s10], [sflag:$0x2] =	stream.linear.gather @!p2 [hbm4b:s11+s9], $0x80, $0x38;
	[tilespmem:$0x1E678] =	vst v63  }
0xd5: {  	s4 =	sadd.s32 $0x1, s4;
	s10 =	sadd.s32 @!p2 s1, s14  }
.LBB2_17:
0xd6: {  	[tilespmem:s3], [sflag:$0x2] =	stream.linear.gather @!p2 [hbm4b:s10+s9], $0x80, $0x38;
	[tilespmem:$0x1E678] =	vst v63  }
0xd7: {  	s0 =	sshll.u32 s2, $0x8  }
.Ltmp16:
0xd8: {  	s14 =	simm.s32 $0x2;
	s0 =	sand.u32 $0x3FFFFF00, s0;
	(pc) =	sbr.rel .LBB2_18-.Ltmp16, $4  }
0xd9: {  	_ =	swait.ge [sflag:s14], s0  }
0xda: {  	s0 =	ssub.s32 $0x0, s0;
	[sflag:s14] =	ssyncset.done $0x0  }
0xdb: {  	s4 =	simm.s32 $0x0;
	s11 =	smov.u32 s7;
	[sflag:s14] =	ssyncadd.s32 s0  }
0xdc: {  	s14 =	smov.u32 s15;
	s15 =	smov.u32 s17;
	s17 =	simm.s32 $0xC  }
.LBB2_19:
0xdd: {  	v1 =	vld [tilespmem:s28+$0xFFFFFF80];
	_ =	sdelay $0x4  }
0xde: {  	[tilespmem:s5+$0x208] =	vst.add.f32.msk $0xffff, v1  }
0xdf: {  	v1 =	vld [tilespmem:s28+$0xFFFFFF90];
	_ =	sdelay $0x4  }
0xe0: {  	[tilespmem:s5+$0x218] =	vst.add.f32.msk $0xffff, v1  }
0xe1: {  	v1 =	vld [tilespmem:s28+$0xFFFFFFA0];
	_ =	sdelay $0x4  }
0xe2: {  	[tilespmem:s5+$0x228] =	vst.add.f32.msk $0xffff, v1  }
0xe3: {  	v1 =	vld [tilespmem:s28+$0xFFFFFFB0];
	_ =	sdelay $0x4  }
0xe4: {  	[tilespmem:s5+$0x238] =	vst.add.f32.msk $0xffff, v1  }
0xe5: {  	v1 =	vld [tilespmem:s28+$0xFFFFFFC0];
	_ =	sdelay $0x4  }
0xe6: {  	[tilespmem:s5+$0x248] =	vst.add.f32.msk $0xffff, v1  }
0xe7: {  	v1 =	vld [tilespmem:s28+$0xFFFFFFD0];
	_ =	sdelay $0x4  }
0xe8: {  	[tilespmem:s5+$0x258] =	vst.add.f32.msk $0xffff, v1  }
0xe9: {  	v1 =	vld [tilespmem:s28+$0xFFFFFFE0];
	_ =	sdelay $0x4  }
0xea: {  	[tilespmem:s5+$0x268] =	vst.add.f32.msk $0xffff, v1  }
0xeb: {  	v1 =	vld [tilespmem:s28+$0xFFFFFFF0];
	_ =	sdelay $0x4  }
0xec: {  	[tilespmem:s5+$0x278] =	vst.add.f32.msk $0xffff, v1  }
0xed: {  	v1 =	vld [tilespmem:s28+$0x0];
	_ =	sdelay $0x4  }
0xee: {  	[tilespmem:s5+$0x288] =	vst.add.f32.msk $0xffff, v1  }
0xef: {  	v1 =	vld [tilespmem:s28+$0x10];
	_ =	sdelay $0x4  }
0xf0: {  	[tilespmem:s5+$0x298] =	vst.add.f32.msk $0xffff, v1  }
0xf1: {  	v1 =	vld [tilespmem:s28+$0x20];
	_ =	sdelay $0x4  }
0xf2: {  	[tilespmem:s5+$0x2A8] =	vst.add.f32.msk $0xffff, v1  }
0xf3: {  	v1 =	vld [tilespmem:s28+$0x30];
	_ =	sdelay $0x4  }
0xf4: {  	[tilespmem:s5+$0x2B8] =	vst.add.f32.msk $0xffff, v1  }
0xf5: {  	v1 =	vld [tilespmem:s28+$0x40];
	_ =	sdelay $0x4  }
0xf6: {  	[tilespmem:s5+$0x2C8] =	vst.add.f32.msk $0xffff, v1  }
0xf7: {  	v1 =	vld [tilespmem:s28+$0x50];
	_ =	sdelay $0x4  }
0xf8: {  	[tilespmem:s5+$0x2D8] =	vst.add.f32.msk $0xffff, v1  }
0xf9: {  	v1 =	vld [tilespmem:s28+$0x60];
	_ =	sdelay $0x4  }
0xfa: {  	[tilespmem:s5+$0x2E8] =	vst.add.f32.msk $0xffff, v1  }
0xfb: {  	v1 =	vld [tilespmem:s28+$0x70];
	_ =	sdelay $0x4  }
0xfc: {  	[tilespmem:s5+$0x2F8] =	vst.add.f32.msk $0xffff, v1  }
.LBB2_23:
0xfd: {  	s29 =	sadd.s32 $0x1, s29  }
0xfe: {  	p2 =	seq.s32 s29, $0x0  }
.Ltmp17:
0xff: {  	_ = 	snop;
	(pc) =	sbr.rel @p2 .LBB2_24-.Ltmp17, $2  }
0x100: {  	_ =	sdelay $0x2  }
0x101: {  	s25 =	sadd.s32 $0x1, s25;
	s28 =	sadd.s32 $0x100, s28;
	s31 =	smov.u32 s0  }
.LBB2_18:
0x102: {  	v1 =	vld.msk [tilespmem:s25+$0x0], $0x1;
	_ =	sdelay $0x4  }
0x103: {  	(v2sf) =	vpush v1, $0x0;
	_ =	sdelay $0xe  }
0x104: {  	s0 =	spop (v2sf)  }
0x105: {  	p2 =	sne.s32 s31, s0  }
.Ltmp18:
0x106: {  	_ = 	snop;
	(pc) =	sbr.rel @!p2 .LBB2_19-.Ltmp18, $3  }
0x107: {  	_ =	sdelay $0x1  }
0x108: {  	s2 =	sshll.u32 s24, $0xA  }
0x109: {  	s5 =	sshra.s32 s2, $0x2  }
0x10a: {  	p2 =	seq.s32 s31, s26  }
.Ltmp19:
0x10b: {  	_ = 	snop;
	(pc) =	sbr.rel @!p2 .LBB2_21-.Ltmp19, $1  }
0x10c: {  	_ =	sdelay $0x3  }
.Ltmp20:
0x10d: {  	s2 =	sadd.s32 $0x208, s5;
	(pc) =	sbr.rel .LBB2_22-.Ltmp20, $4  }
0x10e: {  	[spmem:s16] =	stream.linear.scatter [tilespmem:s2], [sflag:$0x1], $0x100, $0x38;
	[tilespmem:$0x1E678] =	vst v63  }
0x10f: {  	_ =	swait.ge [sflag:s12], $0x100  }
0x110: {  	[sflag:s12] =	ssyncset.done $0x0  }
0x111: {  	[sflag:s12] =	ssyncadd.s32 $0xFFFFFF00  }
.LBB2_21:
0x112: {  	s2 =	sshll.u32 s30, $0xA  }
0x113: {  	s2 =	sshra.s32 s2, $0x2  }
0x114: {  	v1 =	vld [tilespmem:s2+$0x7308];
	_ =	sdelay $0x4  }
0x115: {  	[tilespmem:s5+$0x208] =	vst.add.f32.msk $0xffff, v1  }
0x116: {  	v1 =	vld [tilespmem:s2+$0x7318];
	_ =	sdelay $0x4  }
0x117: {  	[tilespmem:s5+$0x218] =	vst.add.f32.msk $0xffff, v1  }
0x118: {  	v1 =	vld [tilespmem:s2+$0x7328];
	_ =	sdelay $0x4  }
0x119: {  	[tilespmem:s5+$0x228] =	vst.add.f32.msk $0xffff, v1  }
0x11a: {  	v1 =	vld [tilespmem:s2+$0x7338];
	_ =	sdelay $0x4  }
0x11b: {  	[tilespmem:s5+$0x238] =	vst.add.f32.msk $0xffff, v1  }
0x11c: {  	v1 =	vld [tilespmem:s2+$0x7348];
	_ =	sdelay $0x4  }
0x11d: {  	[tilespmem:s5+$0x248] =	vst.add.f32.msk $0xffff, v1  }
0x11e: {  	v1 =	vld [tilespmem:s2+$0x7358];
	_ =	sdelay $0x4  }
0x11f: {  	[tilespmem:s5+$0x258] =	vst.add.f32.msk $0xffff, v1  }
0x120: {  	v1 =	vld [tilespmem:s2+$0x7368];
	_ =	sdelay $0x4  }
0x121: {  	[tilespmem:s5+$0x268] =	vst.add.f32.msk $0xffff, v1  }
0x122: {  	v1 =	vld [tilespmem:s2+$0x7378];
	_ =	sdelay $0x4  }
0x123: {  	[tilespmem:s5+$0x278] =	vst.add.f32.msk $0xffff, v1  }
0x124: {  	v1 =	vld [tilespmem:s2+$0x7388];
	_ =	sdelay $0x4  }
0x125: {  	[tilespmem:s5+$0x288] =	vst.add.f32.msk $0xffff, v1  }
0x126: {  	v1 =	vld [tilespmem:s2+$0x7398];
	_ =	sdelay $0x4  }
0x127: {  	[tilespmem:s5+$0x298] =	vst.add.f32.msk $0xffff, v1  }
0x128: {  	v1 =	vld [tilespmem:s2+$0x73A8];
	_ =	sdelay $0x4  }
0x129: {  	[tilespmem:s5+$0x2A8] =	vst.add.f32.msk $0xffff, v1  }
0x12a: {  	v1 =	vld [tilespmem:s2+$0x73B8];
	_ =	sdelay $0x4  }
0x12b: {  	[tilespmem:s5+$0x2B8] =	vst.add.f32.msk $0xffff, v1  }
0x12c: {  	v1 =	vld [tilespmem:s2+$0x73C8];
	_ =	sdelay $0x4  }
0x12d: {  	[tilespmem:s5+$0x2C8] =	vst.add.f32.msk $0xffff, v1  }
0x12e: {  	v1 =	vld [tilespmem:s2+$0x73D8];
	_ =	sdelay $0x4  }
0x12f: {  	[tilespmem:s5+$0x2D8] =	vst.add.f32.msk $0xffff, v1  }
0x130: {  	v1 =	vld [tilespmem:s2+$0x73E8];
	_ =	sdelay $0x4  }
0x131: {  	[tilespmem:s5+$0x2E8] =	vst.add.f32.msk $0xffff, v1  }
0x132: {  	v1 =	vld [tilespmem:s2+$0x73F8];
	_ =	sdelay $0x2  }
0x133: {  	p2 =	sgt.u32 s31, $0x4E170  }
0x134: {  	s2 =	sand.u32 @!p2 $0x7FFF8, s31  }
0x135: {  	s3 =	sadd.s32 $0x208, s5;
	s9 =	sand.u32 @!p2 $0x7, s31;
	s2 =	sadd.s32 @!p2 s1, s2;
	[tilespmem:s5+$0x2F8] =	vst.add.f32.msk $0xffff, v1  }
0x136: {  	[hbm4b:s2+s9] =	stream.linear.scatter @!p2 [tilespmem:s3], [sflag:$0xC], $0x80, $0x38;
	[tilespmem:$0x1E678] =	vst v63  }
0x137: {  	s2 =	sadd.s32 @!p2 $0x80, s31  }
0x138: {  	s2 =	sand.u32 @!p2 $0xFFFF8, s2  }
0x139: {  	s3 =	sadd.s32 $0x288, s5;
	s2 =	sadd.s32 @!p2 s1, s2  }
0x13a: {  	[hbm4b:s2+s9] =	stream.linear.scatter @!p2 [tilespmem:s3], [sflag:$0xC], $0x80, $0x38;
	[tilespmem:$0x1E678] =	vst v63  }
0x13b: {  	s2 =	simm.s32 $0x0  }
0x13c: {  	s2 =	simm.s32 @!p2 $0x400  }
0x13d: {  	s4 =	sadd.s32 s2, s4  }
.LBB2_22:
0x13e: {  	s2 =	sadd.s32 $0x1, s24  }
0x13f: {  	s3 =	sshrl.u32 s2, $0x4  }
0x140: {  	s3 =	smulhi.u32 $0x24924925, s3  }
0x141: {  	v1 =	vld [tilespmem:s28+$0xFFFFFF80]  }
0x142: {  	s3 =	smul.u32 $0x70, s3;
	_ =	sdelay $0x1  }
0x143: {  	s24 =	ssub.s32 s2, s3  }
0x144: {  	s2 =	sshll.u32 s24, $0x8  }
0x145: {  	[tilespmem:s2+$0x208] =	vst v1  }
0x146: {  	v1 =	vld [tilespmem:s28+$0xFFFFFF90];
	_ =	sdelay $0x4  }
0x147: {  	[tilespmem:s2+$0x218] =	vst v1  }
0x148: {  	v1 =	vld [tilespmem:s28+$0xFFFFFFA0];
	_ =	sdelay $0x4  }
0x149: {  	[tilespmem:s2+$0x228] =	vst v1  }
0x14a: {  	v1 =	vld [tilespmem:s28+$0xFFFFFFB0];
	_ =	sdelay $0x4  }
0x14b: {  	[tilespmem:s2+$0x238] =	vst v1  }
0x14c: {  	v1 =	vld [tilespmem:s28+$0xFFFFFFC0];
	_ =	sdelay $0x4  }
0x14d: {  	[tilespmem:s2+$0x248] =	vst v1  }
0x14e: {  	v1 =	vld [tilespmem:s28+$0xFFFFFFD0];
	_ =	sdelay $0x4  }
0x14f: {  	[tilespmem:s2+$0x258] =	vst v1  }
0x150: {  	v1 =	vld [tilespmem:s28+$0xFFFFFFE0];
	_ =	sdelay $0x4  }
0x151: {  	[tilespmem:s2+$0x268] =	vst v1  }
0x152: {  	v1 =	vld [tilespmem:s28+$0xFFFFFFF0];
	_ =	sdelay $0x4  }
0x153: {  	[tilespmem:s2+$0x278] =	vst v1  }
0x154: {  	v1 =	vld [tilespmem:s28+$0x0];
	_ =	sdelay $0x4  }
0x155: {  	[tilespmem:s2+$0x288] =	vst v1  }
0x156: {  	v1 =	vld [tilespmem:s28+$0x10];
	_ =	sdelay $0x4  }
0x157: {  	[tilespmem:s2+$0x298] =	vst v1  }
0x158: {  	v1 =	vld [tilespmem:s28+$0x20];
	_ =	sdelay $0x4  }
0x159: {  	[tilespmem:s2+$0x2A8] =	vst v1  }
0x15a: {  	v1 =	vld [tilespmem:s28+$0x30];
	_ =	sdelay $0x4  }
0x15b: {  	[tilespmem:s2+$0x2B8] =	vst v1  }
0x15c: {  	v1 =	vld [tilespmem:s28+$0x40];
	_ =	sdelay $0x4  }
0x15d: {  	[tilespmem:s2+$0x2C8] =	vst v1  }
0x15e: {  	v1 =	vld [tilespmem:s28+$0x50];
	_ =	sdelay $0x4  }
0x15f: {  	[tilespmem:s2+$0x2D8] =	vst v1  }
0x160: {  	v1 =	vld [tilespmem:s28+$0x60];
	_ =	sdelay $0x4  }
0x161: {  	[tilespmem:s2+$0x2E8] =	vst v1  }
0x162: {  	v1 =	vld [tilespmem:s28+$0x70]  }
.Ltmp21:
0x163: {  	_ = 	snop;
	(pc) =	sbr.rel .LBB2_23-.Ltmp21, $2  }
0x164: {  	_ =	sdelay $0x2  }
0x165: {  	s30 =	sadd.s32 $0x1, s30;
	[tilespmem:s2+$0x2F8] =	vst v1  }
.LBB2_25:
.Ltmp22:
0x166: {  	(pc) =	sbr.rel .LBB2_26-.Ltmp22, $4  }
0x167: {  	_ = 	snop  }
0x168: {  	s0 =	simm.s32 $0x2  }
0x169: {  	_ =	swait.ge [sflag:s0], $0x0  }
0x16a: {  	s2 =	simm.s32 $0x0;
	[sflag:s0] =	ssyncset.done $0x0;
	s0 =	smov.u32 s31  }
.LBB2_28:
0x16b: {  	_ =	sfence.sel $0x180000  }
0x16c: {  	s0 =	simm.s32 $0x9;
	[bflag:$0x0] =	sbarrier.arrive $0xFFFF  }
0x16d: {  	s24 =	simm.s32 $0xA;
	[sflag:s0] =	ssyncpa.u1 $0x1  }
0x16e: {  	s25 =	simm.s32 $0xB;
	[sflag:s24] =	ssyncpa.u1 $0x1  }
0x16f: {  	s26 =	simm.s32 $0x2;
	[sflag:s25] =	ssyncpa.u1 $0x1  }
0x170: {  	[sflag:s26] =	ssyncpa.u1 $0x1  }
0x171: {  	v0 =	vld [tilespmem:$0xE408];
	_ =	sdelay $0x4  }
0x172: {  	(v2sf) =	vpush v0, $0x0  }
0x173: {  	(v2sf) =	vpush v0, $0x1;
	_ =	sdelay $0x1  }
0x174: {  	(v2sf) =	vpush v0, $0x2;
	_ =	sdelay $0xb  }
0x175: {  	s0 =	spop (v2sf)  }
0x176: {  	s2 =	spop (v2sf)  }
0x177: {  	s3 =	smov.u32 s0;
	p0 =	sne.s32 s0, s2  }
0x178: {  	s4 =	spop (v2sf);
	s3 =	simm.s32 @!p0 $0xFFFFFFFF  }
0x179: {  	v2 =	vimm.s32 $0x1;
	v3 =	vlaneseq.u32;
	p0 =	seq.s32 s4, $0xFFFFFFFF;
	v1 =	vmov s3  }
0x17a: {  	s15 =	stileid.u32;
	v0 =	vperm.xlane v0, v2;
	p1 =	sne.s32 @!p0 s0, s2;
	v1 =	vperm.xlane v1, v3  }
0x17b: {  	vm0 =	vcmask $0x3F04;
	s6 =	simm.s32 $0xE408;
	s0 =	simm.s32 @!p0 $0x1;
	p1 =	por !p1, p0  }
0x17c: {  	s3 =	sshll.u32 s15, $0x1;
	s2 =	sshll.u32 @!p0 s4, $0xA;
	s0 =	simm.s32 @p1 $0x0;
	v0 =	vsel vm0, v1, v0  }
0x17d: {  	s5 =	sor.u32 $0x2000, s3;
	s2 =	sshra.s32 @!p0 s2, $0x2;
	s0 =	sor.u32 @!p0 s0, s3;
	[tilespmem:$0xE408] =	vst v0  }
0x17e: {  	[spmem:s5] =	stream.linear.scatter [tilespmem:s6], [sflag:$0x1], $0x2, $0x38;
	[tilespmem:$0x1E678] =	vst v63  }
0x17f: {  	s2 =	sadd.s32 @!p0 $0x208, s2;
	s0 =	sshll.u32 @!p0 s0, $0x8  }
0x180: {  	[spmem:s0] =	stream.linear.scatter @!p0 [tilespmem:s2], [sflag:$0x1], $0x100, $0x38;
	[tilespmem:$0x1E678] =	vst v63  }
0x181: {  	s0 =	simm.s32 @!p0 $0x102  }
0x182: {  	s28 =	simm.s32 $0x1;
	s0 =	simm.s32 @p0 $0x2  }
0x183: {  	_ =	swait.ge [sflag:s28], s0  }
0x184: {  	s0 =	ssub.s32 $0x0, s0;
	[sflag:s28] =	ssyncset.done $0x0  }
0x185: {  	p0 =	sne.s32 s15, $0x0;
	[sflag:s28] =	ssyncadd.s32 s0  }
.Ltmp23:
0x186: {  	_ =	sfence.stream.spmem;
	(pc) =	sbr.rel @p0 .LBB2_45-.Ltmp23, $4  }
0x187: {  	s29 =	simm.s32 $0x3;
	[bflag:$0x0] =	sbarrier.arrive $0xFFFF  }
0x188: {  	s30 =	simm.s32 $0x4;
	[sflag:s29] =	ssyncpa.u1 $0x1  }
0x189: {  	s31 =	simm.s32 $0x3C;
	[sflag:s30] =	ssyncpa.u1 $0x1  }
0x18a: {  	s14 =	rddreg [dreg:$0x5];
	[sflag:s31] =	ssyncpa.u1 $0x1  }
0x18b: {  	_ =	sfence.stream.spmem;
	s0 =	simm.s32 $0x5  }
0x18c: {  	s2 =	simm.s32 $0x2000;
	s3 =	simm.s32 $0xE418;
	[sflag:s0] =	ssyncpa.u1 $0x0  }
0x18d: {  	[tilespmem:s3], [sflag:$0x5] =	stream.linear.gather [spmem:s2], $0x20, $0x38;
	[tilespmem:$0x1E678] =	vst v63  }
0x18e: {  	s26 =	simm.s32 $0x0;
	s28 =	simm.s32 $0xE438  }
0x18f: {  	[tilespmem:s28], [sflag:$0x5] =	stream.linear.gather [spmem:s26], $0x2000, $0x38;
	[tilespmem:$0x1E678] =	vst v63  }
0x190: {  	_ =	swait.ge [sflag:s0], $0x2020  }
0x191: {  	[sflag:s0] =	ssyncset.done $0x0  }
0x192: {  	s29 =	simm.s32 $0x0;
	[sflag:s0] =	ssyncadd.s32 $0xFFFFDFE0  }
0x193: {  	v0 =	vld.msk [tilespmem:s29+$0xE418], $0x1;
	_ =	sdelay $0x1  }
0x194: {  	s30 =	simm.s32 $0x1  }
0x195: {  	v1 =	vld.msk [tilespmem:s30+$0xE418], $0x1;
	_ =	sdelay $0x1  }
0x196: {  	(v2sf) =	vpush v0, $0x0;
	_ =	sdelay $0x2  }
0x197: {  	(v2sf) =	vpush v1, $0x0;
	_ =	sdelay $0x2  }
0x198: {  	s31 =	simm.s32 $0x2  }
0x199: {  	v0 =	vld.msk [tilespmem:s31+$0xE418], $0x1;
	_ =	sdelay $0x2  }
0x19a: {  	s2 =	simm.s32 $0xFFFFFFFF;
	s3 =	simm.s32 $0xFFFFFFFF;
	s0 =	simm.s32 $0xC  }
.LBB2_30:
0x19b: {  	s4 =	smov.u32 s3;
	s5 =	smov.u32 s2  }
0x19c: {  	s2 =	sshra.s32 s0, $0x2;
	p1 =	sne.s32 s0, $0x7C;
	s0 =	sadd.s32 $0x4, s0;
	(v2sf) =	vpush v0, $0x0  }
0x19d: {  	v0 =	vld.msk [tilespmem:s2+$0xE418], $0x1  }
.Ltmp24:
0x19e: {  	(pc) =	sbr.rel @p1 .LBB2_30-.Ltmp24, $4  }
0x19f: {  	s3 =	spop (v2sf)  }
0x1a0: {  	p2 =	sne.s32 s5, $0xFFFFFFFF;
	s2 =	smov.u32 s3  }
0x1a1: {  	p3 =	seq.s32 s3, $0xFFFFFFFF;
	s2 =	smov.u32 @p2 s5  }
0x1a2: {  	s3 =	smov.u32 @p3 s4;
	s2 =	smov.u32 @p3 s5  }
0x1a3: {  	(v2sf) =	vpush v0, $0x0;
	_ =	sdelay $0x8  }
0x1a4: {  	s0 =	spop (v2sf)  }
0x1a5: {  	p1 =	sne.s32 s2, $0xFFFFFFFF;
	s9 =	simm.s32 $0x6;
	s4 =	smov.u32 s0  }
0x1a6: {  	s6 =	simm.s32 $0x0;
	p2 =	seq.s32 s0, $0xFFFFFFFF;
	s4 =	smov.u32 @p1 s2  }
0x1a7: {  	s10 =	simm.s32 $0xE308;
	s4 =	smov.u32 @p2 s2;
	s2 =	spop (v2sf)  }
0x1a8: {  	s0 =	smov.u32 @p2 s3;
	p1 =	sne.s32 s4, $0xFFFFFFFF;
	s5 =	smov.u32 s2  }
.Ltmp25:
0x1a9: {  	p2 =	seq.s32 s2, $0xFFFFFFFF;
	s5 =	smov.u32 @p1 s4;
	(pc) =	sbr.rel .LBB2_32-.Ltmp25, $4  }
0x1aa: {  	s11 =	simm.s32 $0xE388;
	s5 =	smov.u32 @p2 s4;
	s7 =	spop (v2sf)  }
0x1ab: {  	s12 =	simm.s32 $0x0;
	p1 =	sne.s32 s5, $0xFFFFFFFF;
	s8 =	smov.u32 s7  }
0x1ac: {  	s2 =	smov.u32 @p2 s0;
	p2 =	seq.s32 s7, $0xFFFFFFFF;
	s8 =	smov.u32 @p1 s5  }
0x1ad: {  	[sflag:s9] =	ssyncpa.u1 $0x0;
	s7 =	smov.u32 @p2 s2;
	s8 =	smov.u32 @p2 s5  }
.LBB2_38:
0x1ae: {  	p1 =	sgt.u32 s0, $0x4E170  }
0x1af: {  	p2 =	seq.s32 @!p1 s0, s8  }
0x1b0: {  	p1 =	por p1, p2  }
0x1b1: {  	p2 =	sne.s32 @!p1 s0, s7  }
0x1b2: {  	p1 =	por p1, !p2  }
0x1b3: {  	s0 =	sshll.u32 @p1 s12, $0xA  }
0x1b4: {  	s2 =	sand.u32 @!p1 $0x7FFF8, s0;
	s3 =	sand.u32 @!p1 $0x7, s0;
	s0 =	sadd.s32 @!p1 $0x80, s0  }
0x1b5: {  	s2 =	sadd.s32 @!p1 s1, s2;
	s0 =	sand.u32 @!p1 $0xFFFF8, s0  }
0x1b6: {  	[tilespmem:s10], [sflag:$0x6] =	stream.linear.gather @!p1 [hbm4b:s2+s3], $0x80, $0x38;
	[tilespmem:$0x1E678] =	vst v63  }
0x1b7: {  	s0 =	sadd.s32 @!p1 s1, s0  }
0x1b8: {  	[tilespmem:s11], [sflag:$0x6] =	stream.linear.gather @!p1 [hbm4b:s0+s3], $0x80, $0x38;
	[tilespmem:$0x1E678] =	vst v63  }
0x1b9: {  	_ =	swait.ge @!p1 [sflag:s9], $0x100  }
0x1ba: {  	[sflag:s9] =	ssyncset.done @!p1 $0x0  }
0x1bb: {  	[sflag:s9] =	ssyncadd.s32 @!p1 $0xFFFFFF00  }
0x1bc: {  	v1 =	vld @!p1 [tilespmem:$0xE308];
	_ =	sdelay $0x2  }
0x1bd: {  	s0 =	sshll.u32 @!p1 s12, $0xA  }
0x1be: {  	s2 =	sshrl.u32 @!p1 s0, $0x2  }
0x1bf: {  	[tilespmem:s2+$0xE438] =	vst.add.f32.msk @!p1 $0xffff, v1  }
0x1c0: {  	v1 =	vld @!p1 [tilespmem:$0xE318];
	_ =	sdelay $0x4  }
0x1c1: {  	[tilespmem:s2+$0xE448] =	vst.add.f32.msk @!p1 $0xffff, v1  }
0x1c2: {  	v1 =	vld @!p1 [tilespmem:$0xE328];
	_ =	sdelay $0x4  }
0x1c3: {  	[tilespmem:s2+$0xE458] =	vst.add.f32.msk @!p1 $0xffff, v1  }
0x1c4: {  	v1 =	vld @!p1 [tilespmem:$0xE338];
	_ =	sdelay $0x4  }
0x1c5: {  	[tilespmem:s2+$0xE468] =	vst.add.f32.msk @!p1 $0xffff, v1  }
0x1c6: {  	v1 =	vld @!p1 [tilespmem:$0xE348];
	_ =	sdelay $0x4  }
0x1c7: {  	[tilespmem:s2+$0xE478] =	vst.add.f32.msk @!p1 $0xffff, v1  }
0x1c8: {  	v1 =	vld @!p1 [tilespmem:$0xE358];
	_ =	sdelay $0x4  }
0x1c9: {  	[tilespmem:s2+$0xE488] =	vst.add.f32.msk @!p1 $0xffff, v1  }
0x1ca: {  	v1 =	vld @!p1 [tilespmem:$0xE368];
	_ =	sdelay $0x4  }
0x1cb: {  	[tilespmem:s2+$0xE498] =	vst.add.f32.msk @!p1 $0xffff, v1  }
0x1cc: {  	v1 =	vld @!p1 [tilespmem:$0xE378];
	_ =	sdelay $0x4  }
0x1cd: {  	[tilespmem:s2+$0xE4A8] =	vst.add.f32.msk @!p1 $0xffff, v1  }
0x1ce: {  	v1 =	vld @!p1 [tilespmem:$0xE388];
	_ =	sdelay $0x4  }
0x1cf: {  	[tilespmem:s2+$0xE4B8] =	vst.add.f32.msk @!p1 $0xffff, v1  }
0x1d0: {  	v1 =	vld @!p1 [tilespmem:$0xE398];
	_ =	sdelay $0x4  }
0x1d1: {  	[tilespmem:s2+$0xE4C8] =	vst.add.f32.msk @!p1 $0xffff, v1  }
0x1d2: {  	v1 =	vld @!p1 [tilespmem:$0xE3A8];
	_ =	sdelay $0x4  }
0x1d3: {  	[tilespmem:s2+$0xE4D8] =	vst.add.f32.msk @!p1 $0xffff, v1  }
0x1d4: {  	v1 =	vld @!p1 [tilespmem:$0xE3B8];
	_ =	sdelay $0x4  }
0x1d5: {  	[tilespmem:s2+$0xE4E8] =	vst.add.f32.msk @!p1 $0xffff, v1  }
0x1d6: {  	v1 =	vld @!p1 [tilespmem:$0xE3C8];
	_ =	sdelay $0x4  }
0x1d7: {  	[tilespmem:s2+$0xE4F8] =	vst.add.f32.msk @!p1 $0xffff, v1  }
0x1d8: {  	v1 =	vld @!p1 [tilespmem:$0xE3D8];
	_ =	sdelay $0x4  }
0x1d9: {  	[tilespmem:s2+$0xE508] =	vst.add.f32.msk @!p1 $0xffff, v1  }
0x1da: {  	v1 =	vld @!p1 [tilespmem:$0xE3E8];
	_ =	sdelay $0x4  }
0x1db: {  	[tilespmem:s2+$0xE518] =	vst.add.f32.msk @!p1 $0xffff, v1  }
0x1dc: {  	v1 =	vld @!p1 [tilespmem:$0xE3F8];
	_ =	sdelay $0x4  }
0x1dd: {  	[tilespmem:s2+$0xE528] =	vst.add.f32.msk @!p1 $0xffff, v1  }
0x1de: {  	s0 =	sshrl.u32 s0, $0x2;
	[tilespmem:s6+$0xE418] =	vst.msk $0x1, v0  }
0x1df: {  	v0 =	vld [tilespmem:s0+$0xE438];
	_ =	sdelay $0x2  }
0x1e0: {  	s31 =	sshll.u32 s6, $0xA  }
0x1e1: {  	s2 =	sshra.s32 s31, $0x2  }
0x1e2: {  	[tilespmem:s2+$0xE438] =	vst v0  }
0x1e3: {  	v0 =	vld [tilespmem:s0+$0xE448];
	_ =	sdelay $0x4  }
0x1e4: {  	[tilespmem:s2+$0xE448] =	vst v0  }
0x1e5: {  	v0 =	vld [tilespmem:s0+$0xE458];
	_ =	sdelay $0x4  }
0x1e6: {  	[tilespmem:s2+$0xE458] =	vst v0  }
0x1e7: {  	v0 =	vld [tilespmem:s0+$0xE468];
	_ =	sdelay $0x4  }
0x1e8: {  	[tilespmem:s2+$0xE468] =	vst v0  }
0x1e9: {  	v0 =	vld [tilespmem:s0+$0xE478];
	_ =	sdelay $0x4  }
0x1ea: {  	[tilespmem:s2+$0xE478] =	vst v0  }
0x1eb: {  	v0 =	vld [tilespmem:s0+$0xE488];
	_ =	sdelay $0x4  }
0x1ec: {  	[tilespmem:s2+$0xE488] =	vst v0  }
0x1ed: {  	v0 =	vld [tilespmem:s0+$0xE498];
	_ =	sdelay $0x4  }
0x1ee: {  	[tilespmem:s2+$0xE498] =	vst v0  }
0x1ef: {  	v0 =	vld [tilespmem:s0+$0xE4A8];
	_ =	sdelay $0x4  }
0x1f0: {  	[tilespmem:s2+$0xE4A8] =	vst v0  }
0x1f1: {  	v0 =	vld [tilespmem:s0+$0xE4B8];
	_ =	sdelay $0x4  }
0x1f2: {  	[tilespmem:s2+$0xE4B8] =	vst v0  }
0x1f3: {  	v0 =	vld [tilespmem:s0+$0xE4C8];
	_ =	sdelay $0x4  }
0x1f4: {  	[tilespmem:s2+$0xE4C8] =	vst v0  }
0x1f5: {  	v0 =	vld [tilespmem:s0+$0xE4D8];
	_ =	sdelay $0x4  }
0x1f6: {  	[tilespmem:s2+$0xE4D8] =	vst v0  }
0x1f7: {  	v0 =	vld [tilespmem:s0+$0xE4E8];
	_ =	sdelay $0x4  }
0x1f8: {  	[tilespmem:s2+$0xE4E8] =	vst v0  }
0x1f9: {  	v0 =	vld [tilespmem:s0+$0xE4F8];
	_ =	sdelay $0x4  }
0x1fa: {  	[tilespmem:s2+$0xE4F8] =	vst v0  }
0x1fb: {  	v0 =	vld [tilespmem:s0+$0xE508];
	_ =	sdelay $0x4  }
0x1fc: {  	[tilespmem:s2+$0xE508] =	vst v0  }
0x1fd: {  	v0 =	vld [tilespmem:s0+$0xE518];
	_ =	sdelay $0x4  }
0x1fe: {  	[tilespmem:s2+$0xE518] =	vst v0  }
0x1ff: {  	v0 =	vld [tilespmem:s0+$0xE528];
	_ =	sdelay $0x4  }
0x200: {  	s6 =	sadd.s32 $0x1, s6;
	[tilespmem:s2+$0xE528] =	vst v0  }
.LBB2_39:
0x201: {  	s12 =	sadd.s32 $0x1, s12  }
0x202: {  	p1 =	sne.s32 s12, $0x20  }
.Ltmp26:
0x203: {  	_ = 	snop;
	(pc) =	sbr.rel @!p1 .LBB2_40-.Ltmp26, $1  }
0x204: {  	_ =	sdelay $0x3  }
.LBB2_32:
0x205: {  	v0 =	vld.msk [tilespmem:s12+$0xE418], $0x1;
	_ =	sdelay $0x4  }
0x206: {  	(v2sf) =	vpush v0, $0x0;
	_ =	sdelay $0xe  }
0x207: {  	s0 =	spop (v2sf)  }
0x208: {  	p1 =	seq.s32 s0, $0xFFFFFFFF  }
.Ltmp27:
0x209: {  	_ = 	snop;
	(pc) =	sbr.rel @p1 .LBB2_39-.Ltmp27, $1  }
0x20a: {  	_ =	sdelay $0x3  }
0x20b: {  	p1 =	slt.s32 s6, $0x1  }
.Ltmp28:
0x20c: {  	_ = 	snop;
	(pc) =	sbr.rel @p1 .LBB2_38-.Ltmp28, $1  }
0x20d: {  	_ =	sdelay $0x3  }
0x20e: {  	s4 =	simm.s32 $0xE418;
	p1 =	por $0x0, $0x0  }
0x20f: {  	v1 =	vld.msk @!p1 [tilespmem:s4+$0x0], $0x1;
	_ =	sdelay $0x4  }
0x210: {  	(v2sf) =	vpush @!p1 v1, $0x0;
	_ =	sdelay $0xd  }
0x211: {  	p3 =	sne.s32 s6, $0x1  }
.Ltmp29:
0x212: {  	s2 =	spop @!p1 (v2sf);
	(pc) =	sbr.rel @!p3 .LBB2_36-.Ltmp29, $4  }
0x213: {  	p2 =	seq.s32 @!p1 s0, s2  }
0x214: {  	s5 =	simm.s32 $0x0;
	p2 =	por !p2, p1  }
0x215: {  	s2 =	simm.s32 $0xFFFFFFFF;
	s5 =	simm.s32 @p2 $0xFFFFFFFF  }
0x216: {  	s13 =	simm.s32 $0x1;
	s5 =	smov.u32 @p1 s2  }
.LBB2_35:
0x217: {  	s2 =	smov.u32 s5;
	p1 =	sne.s32 s5, $0xFFFFFFFF  }
0x218: {  	s4 =	sadd.s32 $0x1, s4;
	s5 =	smov.u32 s13;
	s13 =	sadd.s32 $0x1, s13  }
0x219: {  	p2 =	sne.s32 s6, s13;
	v1 =	vld.msk @!p1 [tilespmem:s4+$0x0], $0x1;
	_ =	sdelay $0x4  }
0x21a: {  	(v2sf) =	vpush @!p1 v1, $0x0;
	_ =	sdelay $0xe  }
.Ltmp30:
0x21b: {  	s3 =	spop @!p1 (v2sf);
	(pc) =	sbr.rel @p2 .LBB2_35-.Ltmp30, $4  }
0x21c: {  	p3 =	seq.s32 @!p1 s0, s3  }
0x21d: {  	p3 =	por !p3, p1  }
0x21e: {  	s5 =	simm.s32 @p3 $0xFFFFFFFF  }
0x21f: {  	s5 =	smov.u32 @p1 s2  }
.LBB2_36:
0x220: {  	p1 =	seq.s32 s5, $0xFFFFFFFF  }
.Ltmp31:
0x221: {  	_ = 	snop;
	(pc) =	sbr.rel @p1 .LBB2_38-.Ltmp31, $1  }
0x222: {  	_ =	sdelay $0x3  }
0x223: {  	s0 =	sshll.u32 s12, $0x8  }
0x224: {  	s0 =	sand.u32 $0x3FFFFF00, s0  }
0x225: {  	v0 =	vld [tilespmem:s0+$0xE438];
	_ =	sdelay $0x2  }
0x226: {  	s2 =	sshll.u32 s5, $0xA  }
0x227: {  	s2 =	sshra.s32 s2, $0x2  }
0x228: {  	[tilespmem:s2+$0xE438] =	vst.add.f32.msk $0xffff, v0  }
0x229: {  	v0 =	vld [tilespmem:s0+$0xE448];
	_ =	sdelay $0x4  }
0x22a: {  	[tilespmem:s2+$0xE448] =	vst.add.f32.msk $0xffff, v0  }
0x22b: {  	v0 =	vld [tilespmem:s0+$0xE458];
	_ =	sdelay $0x4  }
0x22c: {  	[tilespmem:s2+$0xE458] =	vst.add.f32.msk $0xffff, v0  }
0x22d: {  	v0 =	vld [tilespmem:s0+$0xE468];
	_ =	sdelay $0x4  }
0x22e: {  	[tilespmem:s2+$0xE468] =	vst.add.f32.msk $0xffff, v0  }
0x22f: {  	v0 =	vld [tilespmem:s0+$0xE478];
	_ =	sdelay $0x4  }
0x230: {  	[tilespmem:s2+$0xE478] =	vst.add.f32.msk $0xffff, v0  }
0x231: {  	v0 =	vld [tilespmem:s0+$0xE488];
	_ =	sdelay $0x4  }
0x232: {  	[tilespmem:s2+$0xE488] =	vst.add.f32.msk $0xffff, v0  }
0x233: {  	v0 =	vld [tilespmem:s0+$0xE498];
	_ =	sdelay $0x4  }
0x234: {  	[tilespmem:s2+$0xE498] =	vst.add.f32.msk $0xffff, v0  }
0x235: {  	v0 =	vld [tilespmem:s0+$0xE4A8];
	_ =	sdelay $0x4  }
0x236: {  	[tilespmem:s2+$0xE4A8] =	vst.add.f32.msk $0xffff, v0  }
0x237: {  	v0 =	vld [tilespmem:s0+$0xE4B8];
	_ =	sdelay $0x4  }
0x238: {  	[tilespmem:s2+$0xE4B8] =	vst.add.f32.msk $0xffff, v0  }
0x239: {  	v0 =	vld [tilespmem:s0+$0xE4C8];
	_ =	sdelay $0x4  }
0x23a: {  	[tilespmem:s2+$0xE4C8] =	vst.add.f32.msk $0xffff, v0  }
0x23b: {  	v0 =	vld [tilespmem:s0+$0xE4D8];
	_ =	sdelay $0x4  }
0x23c: {  	[tilespmem:s2+$0xE4D8] =	vst.add.f32.msk $0xffff, v0  }
0x23d: {  	v0 =	vld [tilespmem:s0+$0xE4E8];
	_ =	sdelay $0x4  }
0x23e: {  	[tilespmem:s2+$0xE4E8] =	vst.add.f32.msk $0xffff, v0  }
0x23f: {  	v0 =	vld [tilespmem:s0+$0xE4F8];
	_ =	sdelay $0x4  }
0x240: {  	[tilespmem:s2+$0xE4F8] =	vst.add.f32.msk $0xffff, v0  }
0x241: {  	v0 =	vld [tilespmem:s0+$0xE508];
	_ =	sdelay $0x4  }
0x242: {  	[tilespmem:s2+$0xE508] =	vst.add.f32.msk $0xffff, v0  }
0x243: {  	v0 =	vld [tilespmem:s0+$0xE518];
	_ =	sdelay $0x4  }
0x244: {  	[tilespmem:s2+$0xE518] =	vst.add.f32.msk $0xffff, v0  }
0x245: {  	v0 =	vld [tilespmem:s0+$0xE528]  }
.Ltmp32:
0x246: {  	_ = 	snop;
	(pc) =	sbr.rel .LBB2_39-.Ltmp32, $2  }
0x247: {  	_ =	sdelay $0x2  }
0x248: {  	[tilespmem:s2+$0xE528] =	vst.add.f32.msk $0xffff, v0  }
.LBB2_40:
0x249: {  	s0 =	simm.s32 $0x6;
	p1 =	seq.s32 s6, $0x0  }
0x24a: {  	[sflag:s0] =	ssyncpa.u1 $0x1;
	v0 =	vimm.s32 @p1 $0xFFFFFFFF  }
0x24b: {  	s0 =	sadd.s32 $0xFFFFFFFF, s6;
	[tilespmem:$0x10438] =	vst @p1 v0  }
0x24c: {  	v0 =	vld.msk @!p1 [tilespmem:s0+$0xE418], $0x1;
	_ =	sdelay $0x1  }
0x24d: {  	v1 =	vld.msk @!p1 [tilespmem:$0xE418], $0x1;
	_ =	sdelay $0x2  }
0x24e: {  	p2 =	seq.s32 @!p1 s0, $0x0;
	v0 =	vbroadcast @!p1 v0, $0x0  }
0x24f: {  	vm0 =	vmmov @!p1 $0x1;
	p2 =	por !p2, p1  }
0x250: {  	v1 =	vnsel @!p1 vm0, $0xFFFFFFFF, v1;
	vm0 =	vcmask @!p1 $0x308;
	v0 =	vpsel !p2, $0xFFFFFFFF, v0  }
0x251: {  	p2 =	sne.s32 @!p1 s8, s7;
	v0 =	vsel @!p1 vm0, v1, v0  }
0x252: {  	s2 =	simm.s32 @!p1 $0xE438;
	s3 =	simm.s32 @!p1 $0x0;
	p3 =	por !p2, p1;
	[tilespmem:$0x10438] =	vst @!p1 v0  }
0x253: {  	[spmem:s3] =	stream.linear.scatter @!p1 [tilespmem:s2], [sflag:$0x1], $0x100, $0x38;
	[tilespmem:$0x1E678] =	vst v63  }
0x254: {  	s2 =	sshll.u32 @!p3 s0, $0xA  }
0x255: {  	s2 =	sshra.s32 @!p3 s2, $0x2  }
0x256: {  	s3 =	simm.s32 @!p3 $0x100;
	s2 =	sadd.s32 @!p3 $0xE438, s2  }
0x257: {  	[spmem:s3] =	stream.linear.scatter @!p3 [tilespmem:s2], [sflag:$0x1], $0x100, $0x38;
	[tilespmem:$0x1E678] =	vst v63  }
0x258: {  	s2 =	simm.s32 @!p3 $0x1  }
0x259: {  	_ =	swait.ge @!p3 [sflag:s2], $0x200  }
0x25a: {  	p1 =	por p2, p1;
	[sflag:s2] =	ssyncset.done @!p3 $0x0  }
0x25b: {  	[sflag:s2] =	ssyncadd.s32 @!p3 $0xFFFFFE00;
	s2 =	simm.s32 @!p1 $0x1  }
0x25c: {  	_ =	swait.ge @!p1 [sflag:s2], $0x100  }
0x25d: {  	s29 =	simm.s32 $0x10438;
	[sflag:s2] =	ssyncset.done @!p1 $0x0  }
0x25e: {  	s30 =	simm.s32 $0x2000;
	s31 =	simm.s32 $0x1;
	[sflag:s2] =	ssyncadd.s32 @!p1 $0xFFFFFF00  }
0x25f: {  	[spmem:s30] =	stream.linear.scatter [tilespmem:s29], [sflag:$0x1], $0x10, $0x38;
	[tilespmem:$0x1E678] =	vst v63  }
0x260: {  	_ =	swait.ge [sflag:s31], $0x10  }
0x261: {  	[sflag:s31] =	ssyncset.done $0x0  }
0x262: {  	p1 =	seq.s32 s14, $0x0;
	s9 =	rddreg [dreg:$0x2];
	[sflag:s31] =	ssyncadd.s32 $0xFFFFFFF0  }
0x263: {  	s3 =	sshll.u32 @p1 s9, $0xE;
	s8 =	rddreg [dreg:$0x3]  }
0x264: {  	s2 =	sadd.s32 @p1 $0x15C3C, s3;
	s3 =	sshll.u32 @p1 s8, $0x11  }
0x265: {  	_ =	sfence.stream.spmem;
	s2 =	sor.u32 @p1 s3, s2  }
0x266: {  	[sflag:s2] =	ssyncadd.remote.s32 @p1 $0x1;
	s2 =	simm.s32 @p1 $0x4  }
0x267: {  	s4 =	simm.s32 @!p1 $0x3C;
	s3 =	sand.u32 $0xFFFFFFFE, s9;
	_ =	swait.ge @p1 [sflag:s2], $0x42  }
0x268: {  	s5 =	simm.s32 @!p1 $0x0;
	s3 =	sadd.s32 @!p1 $0x4, s3;
	[sflag:s2] =	ssyncset.done @p1 $0x0  }
0x269: {  	s7 =	simm.s32 @!p1 $0x200;
	[sflag:s2] =	ssyncadd.s32 @p1 $0xFFFFFFBE;
	s2 =	sshll.u32 @!p1 s3, $0x1A  }
0x26a: {  	s3 =	sshll.u32 @!p1 s3, $0xD;
	s2 =	sor.u32 @!p1 s2, s8;
	_ =	swait.eq @!p1 [sflag:s4], $0x1  }
0x26b: {  	s3 =	sor.u32 @!p1 $0x1C04, s3;
	s4 =	simm.s32 @!p1 $0x1C03;
	s2 =	sor.u32 @!p1 $0x80004000, s2  }
0x26c: {  	[spmem:s7], [sflag:s3] =	dma.general @!p1 [spmem:s5], [sflag:s4], length:$0x40, [dreg:$0x0], stride_count:$0x0, ici_dest:s2, dma_misc:DstOpCode:WRITE  }
0x26d: {  	p2 =	slt.s32 s0, $0x2;
	s5 =	simm.s32 @!p1 $0x400;
	s7 =	simm.s32 @!p1 $0x402  }
0x26e: {  	[spmem:s7], [sflag:s3] =	dma.general @!p1 [spmem:s5], [sflag:s4], length:$0x2, [dreg:$0x0], stride_count:$0x0, ici_dest:s2, dma_misc:DstOpCode:WRITE  }
.Ltmp33:
0x26f: {  	s2 =	simm.s32 @!p1 $0x3;
	(pc) =	sbr.rel @p2 .LBB2_44-.Ltmp33, $4  }
0x270: {  	s3 =	sshll.u32 @!p1 s9, $0xE;
	_ =	swait.ge @!p1 [sflag:s2], $0x42  }
0x271: {  	s4 =	sshll.u32 @!p1 s8, $0x11;
	s3 =	sadd.s32 @!p1 $0x11C3C, s3;
	[sflag:s2] =	ssyncset.done @!p1 $0x0  }
0x272: {  	[sflag:s2] =	ssyncadd.s32 @!p1 $0xFFFFFFBE;
	s2 =	sor.u32 @!p1 s4, s3  }
0x273: {  	s0 =	simm.s32 $0x0;
	[sflag:s2] =	ssyncadd.remote.s32 @!p1 $0xFFFFFFFF  }
0x274: {  	s0 =	simm.s32 $0xE419  }
0x275: {  	v0 =	vld.msk [tilespmem:s0+$0x0], $0x1;
	_ =	sdelay $0x4  }
0x276: {  	(v2sf) =	vpush v0, $0x0;
	_ =	sdelay $0xd  }
0x277: {  	s31 =	sadd.s32 $0xFFFFFFFE, s6  }
0x278: {  	s6 =	simm.s32 $0x0;
	s0 =	sadd.s32 $0xFFFFFFFF, s31;
	s2 =	spop (v2sf)  }
0x279: {  	s3 =	simm.s32 $0xE538;
	p1 =	sne.s32 s0, $0x0;
	p2 =	sgt.u32 s2, $0x4E170  }
.Ltmp34:
0x27a: {  	s4 =	simm.s32 $0xE638;
	s5 =	sand.u32 @!p2 $0x7FFF8, s2;
	(pc) =	sbr.rel @!p1 .LBB2_43-.Ltmp34, $4  }
0x27b: {  	s7 =	sadd.s32 @!p2 $0x80, s2;
	s2 =	sand.u32 @!p2 $0x7, s2;
	s6 =	simm.s32 @!p2 $0x400  }
0x27c: {  	s5 =	sadd.s32 @!p2 s1, s5;
	s7 =	sand.u32 @!p2 $0xFFFF8, s7;
	s6 =	sadd.s32 $0x0, s6  }
0x27d: {  	[hbm4b:s5+s2] =	stream.linear.scatter @!p2 [tilespmem:s3], [sflag:$0x5], $0x80, $0x38;
	[tilespmem:$0x1E678] =	vst v63  }
0x27e: {  	s5 =	simm.s32 $0xE41A;
	s3 =	simm.s32 @!p2 $0xE5B8;
	s7 =	sadd.s32 @!p2 s1, s7  }
.LBB2_42:
0x27f: {  	[hbm4b:s7+s2] =	stream.linear.scatter @!p2 [tilespmem:s3], [sflag:$0x5], $0x80, $0x38;
	[tilespmem:$0x1E678] =	vst v63  }
0x280: {  	s0 =	sadd.s32 $0xFFFFFFFF, s0;
	s3 =	smov.u32 s4;
	v0 =	vld.msk [tilespmem:s5+$0x0], $0x1  }
0x281: {  	p1 =	sne.s32 s0, $0x0;
	_ =	sdelay $0x3  }
0x282: {  	(v2sf) =	vpush v0, $0x0;
	_ =	sdelay $0xe  }
0x283: {  	s4 =	sadd.s32 $0x100, s4;
	s8 =	simm.s32 $0x0;
	s2 =	spop (v2sf)  }
.Ltmp35:
0x284: {  	s5 =	sadd.s32 $0x1, s5;
	p2 =	sgt.u32 s2, $0x4E170;
	(pc) =	sbr.rel @p1 .LBB2_42-.Ltmp35, $4  }
0x285: {  	s8 =	simm.s32 @!p2 $0x400;
	s7 =	sand.u32 @!p2 $0x7FFF8, s2;
	s9 =	sadd.s32 @!p2 $0x80, s2  }
0x286: {  	s2 =	sand.u32 @!p2 $0x7, s2;
	s7 =	sadd.s32 @!p2 s1, s7;
	s9 =	sand.u32 @!p2 $0xFFFF8, s9  }
0x287: {  	[hbm4b:s7+s2] =	stream.linear.scatter @!p2 [tilespmem:s3], [sflag:$0x5], $0x80, $0x38;
	[tilespmem:$0x1E678] =	vst v63  }
0x288: {  	s6 =	sadd.s32 s6, s8;
	s3 =	sadd.s32 @!p2 $0x80, s3;
	s7 =	sadd.s32 @!p2 s1, s9  }
.LBB2_43:
0x289: {  	[hbm4b:s7+s2] =	stream.linear.scatter @!p2 [tilespmem:s3], [sflag:$0x5], $0x80, $0x38;
	[tilespmem:$0x1E678] =	vst v63  }
0x28a: {  	s0 =	sshrl.u32 s6, $0x2  }
.LBB2_44:
0x28b: {  	s2 =	simm.s32 $0x5  }
0x28c: {  	_ =	swait.ge [sflag:s2], s0  }
0x28d: {  	s31 =	ssub.s32 $0x0, s0;
	[sflag:s2] =	ssyncset.done $0x0  }
0x28e: {  	[sflag:s2] =	ssyncadd.s32 s31  }
0x28f: {  	[sflag:s2] =	ssyncpa.u1 $0x1  }
.LBB2_45:
0x290: {  	s0 =	sor.u32 s14, s15  }
0x291: {  	p1 =	sne.s32 s0, $0x0  }
.Ltmp36:
0x292: {  	_ = 	snop;
	(pc) =	sbr.rel @p1 .LBB2_60-.Ltmp36, $3  }
0x293: {  	_ =	sdelay $0x1  }
0x294: {  	[bflag:$0x0] =	sbarrier.arrive $0xFFFF  }
0x295: {  	_ =	sfence  }
0x296: {  	s0 =	simm.s32 $0x7  }
0x297: {  	s2 =	simm.s32 $0x2000;
	s3 =	simm.s32 $0xE418;
	[sflag:s0] =	ssyncpa.u1 $0x0  }
0x298: {  	[tilespmem:s3], [sflag:$0x7] =	stream.linear.gather [spmem:s2], $0x20, $0x38;
	[tilespmem:$0x1E678] =	vst v63  }
0x299: {  	s30 =	simm.s32 $0xE438;
	s2 =	simm.s32 $0x0  }
0x29a: {  	[tilespmem:s30], [sflag:$0x7] =	stream.linear.gather [spmem:s2], $0x2000, $0x38;
	[tilespmem:$0x1E678] =	vst v63  }
.Ltmp37:
0x29b: {  	_ = 	snop;
	(pc) =	sbr.rel .LBB2_47-.Ltmp37, $4  }
0x29c: {  	_ =	swait.ge [sflag:s0], $0x2020  }
0x29d: {  	[sflag:s0] =	ssyncset.done $0x0  }
0x29e: {  	s31 =	simm.s32 $0x8;
	[sflag:s0] =	ssyncadd.s32 $0xFFFFDFE0  }
0x29f: {  	s3 =	simm.s32 $0x0;
	[sflag:s31] =	ssyncpa.u1 $0x0  }
.LBB2_53:
0x2a0: {  	p1 =	slt.u32 s0, $0x4E171  }
0x2a1: {  	s4 =	sand.u32 @p1 $0x7FFF8, s0;
	s5 =	sand.u32 @p1 $0x7, s0;
	s0 =	sadd.s32 @p1 $0x80, s0  }
0x2a2: {  	s6 =	simm.s32 @p1 $0xE308;
	s4 =	sadd.s32 @p1 s1, s4;
	s0 =	sand.u32 @p1 $0xFFFF8, s0  }
0x2a3: {  	[tilespmem:s6], [sflag:$0x8] =	stream.linear.gather @p1 [hbm4b:s4+s5], $0x80, $0x38;
	[tilespmem:$0x1E678] =	vst v63  }
0x2a4: {  	s0 =	sadd.s32 @p1 s1, s0;
	s4 =	simm.s32 @p1 $0xE388  }
0x2a5: {  	[tilespmem:s4], [sflag:$0x8] =	stream.linear.gather @p1 [hbm4b:s0+s5], $0x80, $0x38;
	[tilespmem:$0x1E678] =	vst v63  }
0x2a6: {  	s0 =	simm.s32 @p1 $0x8  }
0x2a7: {  	_ =	swait.ge @p1 [sflag:s0], $0x100  }
0x2a8: {  	[sflag:s0] =	ssyncset.done @p1 $0x0  }
0x2a9: {  	[sflag:s0] =	ssyncadd.s32 @p1 $0xFFFFFF00  }
0x2aa: {  	v1 =	vld @p1 [tilespmem:$0xE308];
	_ =	sdelay $0x2  }
0x2ab: {  	s0 =	sshll.u32 @p1 s3, $0xA  }
0x2ac: {  	s4 =	sshrl.u32 @p1 s0, $0x2  }
0x2ad: {  	[tilespmem:s4+$0xE438] =	vst.add.f32.msk @p1 $0xffff, v1  }
0x2ae: {  	v1 =	vld @p1 [tilespmem:$0xE318];
	_ =	sdelay $0x4  }
0x2af: {  	[tilespmem:s4+$0xE448] =	vst.add.f32.msk @p1 $0xffff, v1  }
0x2b0: {  	v1 =	vld @p1 [tilespmem:$0xE328];
	_ =	sdelay $0x4  }
0x2b1: {  	[tilespmem:s4+$0xE458] =	vst.add.f32.msk @p1 $0xffff, v1  }
0x2b2: {  	v1 =	vld @p1 [tilespmem:$0xE338];
	_ =	sdelay $0x4  }
0x2b3: {  	[tilespmem:s4+$0xE468] =	vst.add.f32.msk @p1 $0xffff, v1  }
0x2b4: {  	v1 =	vld @p1 [tilespmem:$0xE348];
	_ =	sdelay $0x4  }
0x2b5: {  	[tilespmem:s4+$0xE478] =	vst.add.f32.msk @p1 $0xffff, v1  }
0x2b6: {  	v1 =	vld @p1 [tilespmem:$0xE358];
	_ =	sdelay $0x4  }
0x2b7: {  	[tilespmem:s4+$0xE488] =	vst.add.f32.msk @p1 $0xffff, v1  }
0x2b8: {  	v1 =	vld @p1 [tilespmem:$0xE368];
	_ =	sdelay $0x4  }
0x2b9: {  	[tilespmem:s4+$0xE498] =	vst.add.f32.msk @p1 $0xffff, v1  }
0x2ba: {  	v1 =	vld @p1 [tilespmem:$0xE378];
	_ =	sdelay $0x4  }
0x2bb: {  	[tilespmem:s4+$0xE4A8] =	vst.add.f32.msk @p1 $0xffff, v1  }
0x2bc: {  	v1 =	vld @p1 [tilespmem:$0xE388];
	_ =	sdelay $0x4  }
0x2bd: {  	[tilespmem:s4+$0xE4B8] =	vst.add.f32.msk @p1 $0xffff, v1  }
0x2be: {  	v1 =	vld @p1 [tilespmem:$0xE398];
	_ =	sdelay $0x4  }
0x2bf: {  	[tilespmem:s4+$0xE4C8] =	vst.add.f32.msk @p1 $0xffff, v1  }
0x2c0: {  	v1 =	vld @p1 [tilespmem:$0xE3A8];
	_ =	sdelay $0x4  }
0x2c1: {  	[tilespmem:s4+$0xE4D8] =	vst.add.f32.msk @p1 $0xffff, v1  }
0x2c2: {  	v1 =	vld @p1 [tilespmem:$0xE3B8];
	_ =	sdelay $0x4  }
0x2c3: {  	[tilespmem:s4+$0xE4E8] =	vst.add.f32.msk @p1 $0xffff, v1  }
0x2c4: {  	v1 =	vld @p1 [tilespmem:$0xE3C8];
	_ =	sdelay $0x4  }
0x2c5: {  	[tilespmem:s4+$0xE4F8] =	vst.add.f32.msk @p1 $0xffff, v1  }
0x2c6: {  	v1 =	vld @p1 [tilespmem:$0xE3D8];
	_ =	sdelay $0x4  }
0x2c7: {  	[tilespmem:s4+$0xE508] =	vst.add.f32.msk @p1 $0xffff, v1  }
0x2c8: {  	v1 =	vld @p1 [tilespmem:$0xE3E8];
	_ =	sdelay $0x4  }
0x2c9: {  	[tilespmem:s4+$0xE518] =	vst.add.f32.msk @p1 $0xffff, v1  }
0x2ca: {  	v1 =	vld @p1 [tilespmem:$0xE3F8];
	_ =	sdelay $0x3  }
0x2cb: {  	s5 =	sshll.u32 @!p1 s3, $0xA  }
0x2cc: {  	s5 =	smov.u32 @p1 s0;
	[tilespmem:s4+$0xE528] =	vst.add.f32.msk @p1 $0xffff, v1  }
0x2cd: {  	s0 =	sshrl.u32 s5, $0x2;
	[tilespmem:s2+$0xE418] =	vst.msk $0x1, v0  }
0x2ce: {  	v0 =	vld [tilespmem:s0+$0xE438];
	_ =	sdelay $0x2  }
0x2cf: {  	s31 =	sshll.u32 s2, $0xA  }
0x2d0: {  	s4 =	sshra.s32 s31, $0x2  }
0x2d1: {  	[tilespmem:s4+$0xE438] =	vst v0  }
0x2d2: {  	v0 =	vld [tilespmem:s0+$0xE448];
	_ =	sdelay $0x4  }
0x2d3: {  	[tilespmem:s4+$0xE448] =	vst v0  }
0x2d4: {  	v0 =	vld [tilespmem:s0+$0xE458];
	_ =	sdelay $0x4  }
0x2d5: {  	[tilespmem:s4+$0xE458] =	vst v0  }
0x2d6: {  	v0 =	vld [tilespmem:s0+$0xE468];
	_ =	sdelay $0x4  }
0x2d7: {  	[tilespmem:s4+$0xE468] =	vst v0  }
0x2d8: {  	v0 =	vld [tilespmem:s0+$0xE478];
	_ =	sdelay $0x4  }
0x2d9: {  	[tilespmem:s4+$0xE478] =	vst v0  }
0x2da: {  	v0 =	vld [tilespmem:s0+$0xE488];
	_ =	sdelay $0x4  }
0x2db: {  	[tilespmem:s4+$0xE488] =	vst v0  }
0x2dc: {  	v0 =	vld [tilespmem:s0+$0xE498];
	_ =	sdelay $0x4  }
0x2dd: {  	[tilespmem:s4+$0xE498] =	vst v0  }
0x2de: {  	v0 =	vld [tilespmem:s0+$0xE4A8];
	_ =	sdelay $0x4  }
0x2df: {  	[tilespmem:s4+$0xE4A8] =	vst v0  }
0x2e0: {  	v0 =	vld [tilespmem:s0+$0xE4B8];
	_ =	sdelay $0x4  }
0x2e1: {  	[tilespmem:s4+$0xE4B8] =	vst v0  }
0x2e2: {  	v0 =	vld [tilespmem:s0+$0xE4C8];
	_ =	sdelay $0x4  }
0x2e3: {  	[tilespmem:s4+$0xE4C8] =	vst v0  }
0x2e4: {  	v0 =	vld [tilespmem:s0+$0xE4D8];
	_ =	sdelay $0x4  }
0x2e5: {  	[tilespmem:s4+$0xE4D8] =	vst v0  }
0x2e6: {  	v0 =	vld [tilespmem:s0+$0xE4E8];
	_ =	sdelay $0x4  }
0x2e7: {  	[tilespmem:s4+$0xE4E8] =	vst v0  }
0x2e8: {  	v0 =	vld [tilespmem:s0+$0xE4F8];
	_ =	sdelay $0x4  }
0x2e9: {  	[tilespmem:s4+$0xE4F8] =	vst v0  }
0x2ea: {  	v0 =	vld [tilespmem:s0+$0xE508];
	_ =	sdelay $0x4  }
0x2eb: {  	[tilespmem:s4+$0xE508] =	vst v0  }
0x2ec: {  	v0 =	vld [tilespmem:s0+$0xE518];
	_ =	sdelay $0x4  }
0x2ed: {  	[tilespmem:s4+$0xE518] =	vst v0  }
0x2ee: {  	v0 =	vld [tilespmem:s0+$0xE528];
	_ =	sdelay $0x4  }
0x2ef: {  	s2 =	sadd.s32 $0x1, s2;
	[tilespmem:s4+$0xE528] =	vst v0  }
.LBB2_54:
0x2f0: {  	s3 =	sadd.s32 $0x1, s3  }
0x2f1: {  	p1 =	sne.s32 s3, $0x20  }
.Ltmp38:
0x2f2: {  	_ = 	snop;
	(pc) =	sbr.rel @!p1 .LBB2_55-.Ltmp38, $1  }
0x2f3: {  	_ =	sdelay $0x3  }
.LBB2_47:
0x2f4: {  	v0 =	vld.msk [tilespmem:s3+$0xE418], $0x1;
	_ =	sdelay $0x4  }
0x2f5: {  	(v2sf) =	vpush v0, $0x0;
	_ =	sdelay $0xe  }
0x2f6: {  	s0 =	spop (v2sf)  }
0x2f7: {  	p1 =	seq.s32 s0, $0xFFFFFFFF  }
.Ltmp39:
0x2f8: {  	_ = 	snop;
	(pc) =	sbr.rel @p1 .LBB2_54-.Ltmp39, $1  }
0x2f9: {  	_ =	sdelay $0x3  }
0x2fa: {  	p1 =	slt.s32 s2, $0x1  }
.Ltmp40:
0x2fb: {  	_ = 	snop;
	(pc) =	sbr.rel @p1 .LBB2_53-.Ltmp40, $1  }
0x2fc: {  	_ =	sdelay $0x3  }
0x2fd: {  	s4 =	simm.s32 $0xE418;
	p1 =	por $0x0, $0x0  }
0x2fe: {  	v1 =	vld.msk @!p1 [tilespmem:s4+$0x0], $0x1;
	_ =	sdelay $0x4  }
0x2ff: {  	(v2sf) =	vpush @!p1 v1, $0x0;
	_ =	sdelay $0xd  }
0x300: {  	p3 =	sne.s32 s2, $0x1  }
.Ltmp41:
0x301: {  	s5 =	spop @!p1 (v2sf);
	(pc) =	sbr.rel @!p3 .LBB2_51-.Ltmp41, $4  }
0x302: {  	p2 =	seq.s32 @!p1 s0, s5  }
0x303: {  	s5 =	simm.s32 $0x0;
	p2 =	por !p2, p1  }
0x304: {  	s7 =	simm.s32 $0xFFFFFFFF;
	s5 =	simm.s32 @p2 $0xFFFFFFFF  }
0x305: {  	s6 =	simm.s32 $0x1;
	s5 =	smov.u32 @p1 s7  }
.LBB2_50:
0x306: {  	s7 =	smov.u32 s5;
	p1 =	sne.s32 s5, $0xFFFFFFFF  }
0x307: {  	s4 =	sadd.s32 $0x1, s4;
	s5 =	smov.u32 s6;
	s6 =	sadd.s32 $0x1, s6  }
0x308: {  	p2 =	sne.s32 s2, s6;
	v1 =	vld.msk @!p1 [tilespmem:s4+$0x0], $0x1;
	_ =	sdelay $0x4  }
0x309: {  	(v2sf) =	vpush @!p1 v1, $0x0;
	_ =	sdelay $0xe  }
.Ltmp42:
0x30a: {  	s8 =	spop @!p1 (v2sf);
	(pc) =	sbr.rel @p2 .LBB2_50-.Ltmp42, $4  }
0x30b: {  	p3 =	seq.s32 @!p1 s0, s8  }
0x30c: {  	p3 =	por !p3, p1  }
0x30d: {  	s5 =	simm.s32 @p3 $0xFFFFFFFF  }
0x30e: {  	s5 =	smov.u32 @p1 s7  }
.LBB2_51:
0x30f: {  	p1 =	seq.s32 s5, $0xFFFFFFFF  }
.Ltmp43:
0x310: {  	_ = 	snop;
	(pc) =	sbr.rel @p1 .LBB2_53-.Ltmp43, $1  }
0x311: {  	_ =	sdelay $0x3  }
0x312: {  	s0 =	sshll.u32 s3, $0x8  }
0x313: {  	s0 =	sand.u32 $0x3FFFFF00, s0  }
0x314: {  	v0 =	vld [tilespmem:s0+$0xE438];
	_ =	sdelay $0x2  }
0x315: {  	s4 =	sshll.u32 s5, $0xA  }
0x316: {  	s4 =	sshra.s32 s4, $0x2  }
0x317: {  	[tilespmem:s4+$0xE438] =	vst.add.f32.msk $0xffff, v0  }
0x318: {  	v0 =	vld [tilespmem:s0+$0xE448];
	_ =	sdelay $0x4  }
0x319: {  	[tilespmem:s4+$0xE448] =	vst.add.f32.msk $0xffff, v0  }
0x31a: {  	v0 =	vld [tilespmem:s0+$0xE458];
	_ =	sdelay $0x4  }
0x31b: {  	[tilespmem:s4+$0xE458] =	vst.add.f32.msk $0xffff, v0  }
0x31c: {  	v0 =	vld [tilespmem:s0+$0xE468];
	_ =	sdelay $0x4  }
0x31d: {  	[tilespmem:s4+$0xE468] =	vst.add.f32.msk $0xffff, v0  }
0x31e: {  	v0 =	vld [tilespmem:s0+$0xE478];
	_ =	sdelay $0x4  }
0x31f: {  	[tilespmem:s4+$0xE478] =	vst.add.f32.msk $0xffff, v0  }
0x320: {  	v0 =	vld [tilespmem:s0+$0xE488];
	_ =	sdelay $0x4  }
0x321: {  	[tilespmem:s4+$0xE488] =	vst.add.f32.msk $0xffff, v0  }
0x322: {  	v0 =	vld [tilespmem:s0+$0xE498];
	_ =	sdelay $0x4  }
0x323: {  	[tilespmem:s4+$0xE498] =	vst.add.f32.msk $0xffff, v0  }
0x324: {  	v0 =	vld [tilespmem:s0+$0xE4A8];
	_ =	sdelay $0x4  }
0x325: {  	[tilespmem:s4+$0xE4A8] =	vst.add.f32.msk $0xffff, v0  }
0x326: {  	v0 =	vld [tilespmem:s0+$0xE4B8];
	_ =	sdelay $0x4  }
0x327: {  	[tilespmem:s4+$0xE4B8] =	vst.add.f32.msk $0xffff, v0  }
0x328: {  	v0 =	vld [tilespmem:s0+$0xE4C8];
	_ =	sdelay $0x4  }
0x329: {  	[tilespmem:s4+$0xE4C8] =	vst.add.f32.msk $0xffff, v0  }
0x32a: {  	v0 =	vld [tilespmem:s0+$0xE4D8];
	_ =	sdelay $0x4  }
0x32b: {  	[tilespmem:s4+$0xE4D8] =	vst.add.f32.msk $0xffff, v0  }
0x32c: {  	v0 =	vld [tilespmem:s0+$0xE4E8];
	_ =	sdelay $0x4  }
0x32d: {  	[tilespmem:s4+$0xE4E8] =	vst.add.f32.msk $0xffff, v0  }
0x32e: {  	v0 =	vld [tilespmem:s0+$0xE4F8];
	_ =	sdelay $0x4  }
0x32f: {  	[tilespmem:s4+$0xE4F8] =	vst.add.f32.msk $0xffff, v0  }
0x330: {  	v0 =	vld [tilespmem:s0+$0xE508];
	_ =	sdelay $0x4  }
0x331: {  	[tilespmem:s4+$0xE508] =	vst.add.f32.msk $0xffff, v0  }
0x332: {  	v0 =	vld [tilespmem:s0+$0xE518];
	_ =	sdelay $0x4  }
0x333: {  	[tilespmem:s4+$0xE518] =	vst.add.f32.msk $0xffff, v0  }
0x334: {  	v0 =	vld [tilespmem:s0+$0xE528]  }
.Ltmp44:
0x335: {  	_ = 	snop;
	(pc) =	sbr.rel .LBB2_54-.Ltmp44, $2  }
0x336: {  	_ =	sdelay $0x2  }
0x337: {  	[tilespmem:s4+$0xE528] =	vst.add.f32.msk $0xffff, v0  }
.LBB2_55:
0x338: {  	p1 =	slt.s32 s2, $0x1  }
.Ltmp45:
0x339: {  	_ = 	snop;
	(pc) =	sbr.rel @p1 .LBB2_59-.Ltmp45, $3  }
0x33a: {  	_ =	sdelay $0x1  }
0x33b: {  	s0 =	simm.s32 $0x8  }
0x33c: {  	s4 =	simm.s32 $0x0;
	[sflag:s0] =	ssyncpa.u1 $0x1  }
0x33d: {  	s0 =	simm.s32 $0xE418  }
0x33e: {  	v0 =	vld.msk [tilespmem:s0+$0x0], $0x1;
	_ =	sdelay $0x4  }
0x33f: {  	(v2sf) =	vpush v0, $0x0;
	_ =	sdelay $0xe  }
0x340: {  	s0 =	sadd.s32 $0xFFFFFFFF, s2;
	s3 =	spop (v2sf)  }
0x341: {  	s6 =	simm.s32 $0xE438;
	p1 =	sne.s32 s0, $0x0;
	p2 =	sgt.u32 s3, $0x4E170  }
.Ltmp46:
0x342: {  	s2 =	simm.s32 $0xE538;
	s5 =	sand.u32 @!p2 $0x7FFF8, s3;
	(pc) =	sbr.rel @!p1 .LBB2_58-.Ltmp46, $4  }
0x343: {  	s7 =	sadd.s32 @!p2 $0x80, s3;
	s4 =	simm.s32 @!p2 $0x400;
	s8 =	sadd.s32 @!p2 s1, s5  }
0x344: {  	s5 =	sand.u32 @!p2 $0x7, s3;
	s3 =	simm.s32 $0xE419;
	s7 =	sand.u32 @!p2 $0xFFFF8, s7  }
0x345: {  	[hbm4b:s8+s5] =	stream.linear.scatter @!p2 [tilespmem:s6], [sflag:$0x7], $0x80, $0x38;
	[tilespmem:$0x1E678] =	vst v63  }
0x346: {  	s4 =	sadd.s32 $0x0, s4;
	s6 =	simm.s32 @!p2 $0xE4B8;
	s7 =	sadd.s32 @!p2 s1, s7  }
.LBB2_57:
0x347: {  	[hbm4b:s7+s5] =	stream.linear.scatter @!p2 [tilespmem:s6], [sflag:$0x7], $0x80, $0x38;
	[tilespmem:$0x1E678] =	vst v63  }
0x348: {  	s0 =	sadd.s32 $0xFFFFFFFF, s0;
	s6 =	smov.u32 s2;
	v0 =	vld.msk [tilespmem:s3+$0x0], $0x1  }
0x349: {  	p1 =	sne.s32 s0, $0x0;
	_ =	sdelay $0x3  }
0x34a: {  	(v2sf) =	vpush v0, $0x0;
	_ =	sdelay $0xe  }
0x34b: {  	s2 =	sadd.s32 $0x100, s2;
	s8 =	simm.s32 $0x0;
	s5 =	spop (v2sf)  }
.Ltmp47:
0x34c: {  	s3 =	sadd.s32 $0x1, s3;
	p2 =	sgt.u32 s5, $0x4E170;
	(pc) =	sbr.rel @p1 .LBB2_57-.Ltmp47, $4  }
0x34d: {  	s8 =	simm.s32 @!p2 $0x400;
	s7 =	sand.u32 @!p2 $0x7FFF8, s5;
	s9 =	sadd.s32 @!p2 $0x80, s5  }
0x34e: {  	s5 =	sand.u32 @!p2 $0x7, s5;
	s7 =	sadd.s32 @!p2 s1, s7;
	s9 =	sand.u32 @!p2 $0xFFFF8, s9  }
0x34f: {  	[hbm4b:s7+s5] =	stream.linear.scatter @!p2 [tilespmem:s6], [sflag:$0x7], $0x80, $0x38;
	[tilespmem:$0x1E678] =	vst v63  }
0x350: {  	s4 =	sadd.s32 s4, s8;
	s6 =	sadd.s32 @!p2 $0x80, s6;
	s7 =	sadd.s32 @!p2 s1, s9  }
.LBB2_58:
0x351: {  	[hbm4b:s7+s5] =	stream.linear.scatter @!p2 [tilespmem:s6], [sflag:$0x7], $0x80, $0x38;
	[tilespmem:$0x1E678] =	vst v63  }
0x352: {  	s4 =	sshrl.u32 s4, $0x2  }
.LBB2_59:
0x353: {  	s0 =	simm.s32 $0x7  }
0x354: {  	_ =	swait.ge [sflag:s0], s4  }
0x355: {  	s1 =	ssub.s32 $0x0, s4;
	[sflag:s0] =	ssyncset.done $0x0  }
0x356: {  	[sflag:s0] =	ssyncadd.s32 s1  }
0x357: {  	[sflag:s0] =	ssyncpa.u1 $0x1  }
.LBB2_60:
0x358: {  	_ =	sfence;
	s0 =	simm.s32 $0x1  }
0x359: {  	[sflag:s0] =	ssyncpa.u1 $0x1  }
0x35a: {  	_ =	strace $0x9000004A  }
0x35b: {  	[bflag:$0x2] =	sbarrier.arrive $0xFFFF  }
0x35c: {  	s0 =	rddreg [dreg:$0x4]  }
0x35d: {  	s0 =	sadd.s32 @!p0 $0x100000, s0  }
0x35e: {  	[sflag:s0] =	ssyncadd.tile.s32 @!p0 $0x1;
	_ =	shalt  }
.Lfunc_end2:
_tile_overlayer_lowered:
.L_overlay_start_2:
0x35f: {  	(tag) =	ssettag $0x2  }
0x360: {  	s0 =	rddreg [dreg:$0x0];
	s2 =	stileid.u32  }
0x361: {  	s1 =	rddreg [dreg:$0x1];
	p0 =	sne.s32 s2, $0x0  }
0x362: {  	s3 =	rddreg [dreg:$0x2];
	[bflag:$0x3] =	sbarrier.arrive $0xFFFF;
	s2 =	simm.s32 @!p0 $0x1C01  }
0x363: {  	[timem:s3], [sflag:s2] =	dma.local @!p0 [hbm:s0], s1  }
0x364: {  	s0 =	simm.s32 @!p0 $0x1  }
0x365: {  	_ =	swait.ge @!p0 [sflag:s0], s1  }
0x366: {  	s1 =	ssub.s32 @!p0 $0x0, s1;
	[sflag:s0] =	ssyncset.done @!p0 $0x0  }
0x367: {  	[sflag:s0] =	ssyncadd.s32 @!p0 s1  }
0x368: {  	[bflag:$0x3] =	sbarrier.arrive $0xFFFF  }
0x369: {  	_ =	shalt  }

</sc_bundles>
